<compile_context>
chip_gen: v7x
topology: tpu7x:2x2x1
jax: 0.10.2.dev20260603
libtpu: 0.0.44.dev20260713+nightly
codegen_flags: <defaults>
</compile_context>

<pallas_src>
import functools

import jax
import jax.numpy as jnp
from jax import lax
from jax.experimental import pallas as pl
from jax.experimental.pallas import tpu as pltpu
from jax.experimental.pallas import tpu_sc as plsc

N_NODES = 10000
N_EDGES = 320000
D = 128

NC, NS = 2, 16
CHUNK = 128
CHUNKS = 80
N_PAD = 10240
E_PAD = NC * NS * CHUNKS * CHUNK
G = 8
TCH = NC * CHUNKS
NSTAGE = TCH // G
C0 = 128
RPT = N_PAD // NS


def _deg_body(dst_hbm, ones_hbm, zeros_hbm, deg_out, dst_v, ones_v, deg_sh, sem):
  c = lax.axis_index("c")
  s = lax.axis_index("s")
  pltpu.sync_copy(dst_hbm.at[c, s], dst_v)
  pltpu.sync_copy(ones_hbm, ones_v)
  pltpu.sync_copy(zeros_hbm, deg_sh.at[pl.ds(s * RPT, RPT)])
  plsc.subcore_barrier()

  def body(j, carry):
    pltpu.sync_copy(ones_v, deg_sh.at[dst_v.at[j]], add=True)
    return carry

  lax.fori_loop(0, CHUNKS, body, 0)
  plsc.subcore_barrier()
  pltpu.sync_copy(deg_sh.at[pl.ds(s * RPT, RPT)],
                  deg_out.at[c, pl.ds(s * RPT, RPT)])


NBUF = 2


def _scatter_body(xs_hbm, edges_hbm, part_out,
                  ib0, ib1, r0, r1, acc_sh, isem, sem0, sem1):
  c = lax.axis_index("c")
  s = lax.axis_index("s")
  ib = (ib0, ib1)
  rows = (r0, r1)
  sems = (sem0, sem1)

  c0s = C0 // G
  tstart = jnp.where(c == 0, 0, c0s)
  tend = jnp.where(c == 0, c0s, NSTAGE)

  zv = jnp.zeros((16,), jnp.float32)

  def zrow(i, carry):
    for q in range(D // 16):
      r0.at[i][pl.ds(q * 16, 16)] = zv
    return carry

  lax.fori_loop(0, CHUNK, zrow, 0)
  for rep in range(RPT // CHUNK):
    pltpu.sync_copy(r0, acc_sh.at[pl.ds(s * RPT + rep * CHUNK, CHUNK)])
  plsc.subcore_barrier()

  pltpu.sync_copy(edges_hbm.at[s, pl.ds(tstart * G, G)], ib0)
  pltpu.async_copy(edges_hbm.at[s, pl.ds((tstart + 1) * G, G)], ib1, isem)
  pltpu.async_copy(xs_hbm.at[ib0.at[0, 0]], r0, sem0)
  pltpu.async_copy(xs_hbm.at[ib0.at[1, 0]], r1, sem1)

  def stage(t, par, last_pred, pref_pred):
    cur = ib[par]
    nxt = ib[1 - par]
    for g in range(G):
      k = g % 2
      pltpu.make_async_copy(xs_hbm.at[cur.at[g, 0]], rows[k],
                            sems[k]).wait()
      pltpu.sync_copy(rows[k], acc_sh.at[cur.at[g, 1]], add=True)
      if g < G - 2:
        pltpu.async_copy(xs_hbm.at[cur.at[g + 2, 0]], rows[k], sems[k])
      elif g == G - 2:
        @pl.when(last_pred)
        def _():
          pltpu.make_async_copy(edges_hbm.at[s, pl.ds(0, G)], nxt,
                                isem).wait()
          pltpu.async_copy(xs_hbm.at[nxt.at[0, 0]], rows[k], sems[k])
      else:
        @pl.when(last_pred)
        def _():
          pltpu.async_copy(xs_hbm.at[nxt.at[1, 0]], rows[k], sems[k])

    @pl.when(pref_pred)
    def _():
      pltpu.async_copy(edges_hbm.at[s, pl.ds((t + 2) * G, G)], cur, isem)

  def outer(t2, carry):
    te = tstart + 2 * t2
    to = te + 1
    stage(te, 0, te < tend - 1, te < tend - 2)
    stage(to, 1, to < tend - 1, to < tend - 2)
    return carry

  lax.fori_loop(0, (tend - tstart) // 2, outer, 0)
  plsc.subcore_barrier()
  pltpu.sync_copy(acc_sh.at[pl.ds(s * RPT, RPT)],
                  part_out.at[c, pl.ds(s * RPT, RPT)])


def _matmul_scale_body(mx_ref, w_ref, degp_ref, out_ref):
  i = pl.program_id(0)
  bm = out_ref.shape[0]
  x = jnp.dot(mx_ref[...], w_ref[...], preferred_element_type=jnp.float32)
  deg = (degp_ref[0, pl.ds(i * bm, bm)] + degp_ref[1, pl.ds(i * bm, bm)]
         + 1.0)
  out_ref[...] = x * lax.rsqrt(deg)[:, None]


def _finalize_body(p_ref, xs_ref, degp_ref, b_ref, out_ref):
  i = pl.program_id(0)
  bm = out_ref.shape[0]
  total = p_ref[0] + p_ref[1] + xs_ref[...]
  deg = (degp_ref[0, pl.ds(i * bm, bm)] + degp_ref[1, pl.ds(i * bm, bm)]
         + 1.0)
  out_ref[...] = total * lax.rsqrt(deg)[:, None] + b_ref[...][None, :]


def kernel(meta_xs, node_type, edge_index, edge_type, edge_time, W, b):
  del node_type, edge_type, edge_time

  src = edge_index[0].astype(jnp.int32)
  dst = edge_index[1].astype(jnp.int32)
  pad = E_PAD - N_EDGES
  src = jnp.concatenate([src, jnp.full((pad,), N_NODES, jnp.int32)])
  dst = jnp.concatenate([dst, jnp.full((pad,), N_NODES, jnp.int32)])
  dst4 = dst.reshape(NC, NS, CHUNKS, CHUNK)
  edges = jnp.stack([src.reshape(NS, TCH, CHUNK),
                     dst.reshape(NS, TCH, CHUNK)], axis=2)

  mx_pad = jnp.zeros((N_PAD, D), jnp.float32).at[:N_NODES].set(meta_xs)
  ones_row = jnp.ones((CHUNK,), jnp.float32)
  zeros_1d = jnp.zeros((RPT,), jnp.float32)

  mesh = plsc.VectorSubcoreMesh(core_axis_name="c", subcore_axis_name="s")

  deg_kernel = pl.kernel(
      _deg_body,
      out_type=jax.ShapeDtypeStruct((NC, N_PAD), jnp.float32),
      mesh=mesh,
      scratch_types=[
          pltpu.VMEM((CHUNKS, CHUNK), jnp.int32),
          pltpu.VMEM((CHUNK,), jnp.float32),
          pltpu.VMEM_SHARED((N_PAD,), jnp.float32),
          pltpu.SemaphoreType.DMA,
      ],
  )
  degp = deg_kernel(dst4, ones_row, zeros_1d)

  grid_m = N_PAD // 1024
  xs_scaled = pl.pallas_call(
      _matmul_scale_body,
      grid=(grid_m,),
      in_specs=[
          pl.BlockSpec((1024, D), lambda i: (i, 0)),
          pl.BlockSpec((D, D), lambda i: (0, 0)),
          pl.BlockSpec((NC, N_PAD), lambda i: (0, 0)),
      ],
      out_specs=pl.BlockSpec((1024, D), lambda i: (i, 0)),
      out_shape=jax.ShapeDtypeStruct((N_PAD, D), jnp.float32),
  )(mx_pad, W, degp)

  scatter_kernel = pl.kernel(
      _scatter_body,
      out_type=jax.ShapeDtypeStruct((NC, N_PAD, D), jnp.float32),
      mesh=mesh,
      scratch_types=[
          pltpu.VMEM((G, 2, CHUNK), jnp.int32),
          pltpu.VMEM((G, 2, CHUNK), jnp.int32),
          pltpu.VMEM((CHUNK, D), jnp.float32),
          pltpu.VMEM((CHUNK, D), jnp.float32),
          pltpu.VMEM_SHARED((N_PAD, D), jnp.float32),
          pltpu.SemaphoreType.DMA,
          pltpu.SemaphoreType.DMA,
          pltpu.SemaphoreType.DMA,
      ],
  )
  partials = scatter_kernel(xs_scaled, edges)

  bm_out = 1024
  out = pl.pallas_call(
      _finalize_body,
      grid=(N_PAD // bm_out,),
      in_specs=[
          pl.BlockSpec((NC, bm_out, D), lambda i: (0, i, 0)),
          pl.BlockSpec((bm_out, D), lambda i: (i, 0)),
          pl.BlockSpec((NC, N_PAD), lambda i: (0, 0)),
          pl.BlockSpec((D,), lambda i: (0,)),
      ],
      out_specs=pl.BlockSpec((bm_out, D), lambda i: (i, 0)),
      out_shape=jax.ShapeDtypeStruct((N_PAD, D), jnp.float32),
  )(partials, xs_scaled, degp, b)
  return out[:N_NODES]

# --- scband reference (transcript-rebuilt; emitter-appended) ---
"""Pipeline reference for scband-general-conv-50440095924814 (READ-ONLY COPY).

The authoritative reference and input builder live on the scoring server;
editing this copy changes nothing except your own understanding.
"""

import jax, jax.numpy as jnp
import numpy as np

N_NODES = 10000
N_EDGES = 320000
D_IN = 128
D_OUT = 128

def setup_inputs(seed: int = 0) -> dict:
    key = jax.random.key(seed)
    k1, k2, k3, k4, k5, k6, k7 = jax.random.split(key, 7)
    meta_xs = jax.random.normal(k1, (N_NODES, D_IN), dtype=jnp.float32)
    node_type = jax.random.randint(k2, (N_NODES,), 0, 1, dtype=jnp.int64)
    edge_index = jax.random.randint(k3, (2, N_EDGES), 0, N_NODES, dtype=jnp.int64)
    edge_type = jax.random.randint(k4, (N_EDGES,), 0, 1, dtype=jnp.int64)
    edge_time = jax.random.randint(k5, (N_EDGES,), 0, 1, dtype=jnp.int64)
    # GCNConv parameters: linear weight (no bias in lin) + output bias
    W = jax.random.normal(k6, (D_IN, D_OUT), dtype=jnp.float32) * (1.0 / np.sqrt(D_IN))
    b = jnp.zeros((D_OUT,), dtype=jnp.float32)
    return {"meta_xs": meta_xs, "node_type": node_type, "edge_index": edge_index,
            "edge_type": edge_type, "edge_time": edge_time, "W": W, "b": b}

def reference(meta_xs, node_type, edge_index, edge_type, edge_time, W, b):
    # GeneralConv with conv_name='gcn' dispatches to GCNConv(meta_xs, edge_index).
    # PyG GCNConv: x' = D^{-1/2} (A + I) D^{-1/2} (x @ W) + b
    N = meta_xs.shape[0]
    x = meta_xs @ W
    src = edge_index[0]
    dst = edge_index[1]
    loop = jnp.arange(N, dtype=src.dtype)
    src = jnp.concatenate([src, loop])
    dst = jnp.concatenate([dst, loop])
    ones = jnp.ones(src.shape[0], dtype=x.dtype)
    deg = jax.ops.segment_sum(ones, dst, num_segments=N)
    deg_inv_sqrt = jnp.where(deg > 0, deg ** -0.5, 0.0)
    norm = deg_inv_sqrt[src] * deg_inv_sqrt[dst]
    msgs = x[src] * norm[:, None]
    out = jax.ops.segment_sum(msgs, dst, num_segments=N)
    return out + b

if __name__ == "__main__":
    import jax
    _d = setup_inputs()
    print(jax.jit(kernel)(*tuple(_d.values())))

</pallas_src>

<mosaic_0001>
#map = affine_map<(d0, d1) -> (0, 0)>
#map1 = affine_map<(d0, d1) -> (0, 0, 0, 0)>
#map2 = affine_map<(d0, d1) -> (0, 0, 0)>
module attributes {stable_mosaic.version = 14 : i64} {
  func.func @_scatter_body(%arg0: i32, %arg1: i32, %arg2: memref<10240x128xf32, #tpu.memory_space<hbm>>, %arg3: memref<16x160x2x128xi32, #tpu.memory_space<hbm>>, %arg4: memref<2x10240x128xf32, #tpu.memory_space<hbm>>, %arg5: memref<8x2x128xi32, #tpu.memory_space<vmem>>, %arg6: memref<8x2x128xi32, #tpu.memory_space<vmem>>, %arg7: memref<128x128xf32, #tpu.memory_space<vmem>>, %arg8: memref<128x128xf32, #tpu.memory_space<vmem>>, %arg9: memref<10240x128xf32, #tpu.memory_space<vmem_shared>>, %arg10: memref<!tpu.dma_semaphore, #tpu.memory_space<semaphore_mem>>, %arg11: memref<!tpu.dma_semaphore, #tpu.memory_space<semaphore_mem>>, %arg12: memref<!tpu.dma_semaphore, #tpu.memory_space<semaphore_mem>>) attributes {dimension_semantics = [#tpu.dimension_semantics<core_parallel>, #tpu.dimension_semantics<subcore_parallel>], iteration_bounds = array<i64: 2, 16>, scalar_prefetch = 0 : i64, scratch_operands = 8 : i64, tpu.core_type = #tpu.core_type<sc_vector_subcore>, window_params = [{transform_indices = #map}, {transform_indices = #map1}, {transform_indices = #map2}]} {
    %eq3A = arith.constant 0 : i32
    %eq3A_0 = arith.cmpi eq, %arg0, %eq3A : i32
    %jit3A = arith.constant 0 : i32
    %jit3A_1 = arith.constant 16 : i32
    %select_n3A = arith.select %eq3A_0, %jit3A, %jit3A_1 : i32
    %eq3A_2 = arith.constant 0 : i32
    %eq3A_3 = arith.cmpi eq, %arg0, %eq3A_2 : i32
    %jit3A_4 = arith.constant 16 : i32
    %jit3A_5 = arith.constant 20 : i32
    %select_n3A_6 = arith.select %eq3A_3, %jit3A_4, %jit3A_5 : i32
    %broadcast_in_dim3A = arith.constant 0.000000e+00 : f32
    %broadcast_in_dim3A_7 = vector.broadcast %broadcast_in_dim3A : f32 to vector<16xf32>
    %scan3A = arith.constant 0 : i32
    %scan3A_8 = arith.constant 0 : i32
    %scan3A_9 = arith.constant 128 : i32
    %scan3A_10 = arith.addi %scan3A_8, %scan3A_9 : i32
    %scan3A_11 = arith.constant 1 : i32
    scf.for %scan3A_93 = %scan3A_8 to %scan3A_10 step %scan3A_11  : i32 {
      %swap3A = arith.constant 0 : i32
      %swap3A_94 = tpu.memref_slice %arg7[%scan3A_93, %swap3A] : memref<128x128xf32, #tpu.memory_space<vmem>> -> memref<1x128xf32, #tpu.memory_space<vmem>>
      %swap3A_95 = tpu.memref_squeeze %swap3A_94 : memref<1x128xf32, #tpu.memory_space<vmem>> -> memref<128xf32, #tpu.memory_space<vmem>>
      %swap3A_96 = arith.constant 0 : index
      %swap3A_97 = tpu.vector_load %swap3A_95[%swap3A_96] {strides = array<i32>} : memref<128xf32, #tpu.memory_space<vmem>>, vector<16xf32>,
      %swap3A_98 = vector.shape_cast %swap3A_97 : vector<16xf32> to vector<16xf32>
      %swap3A_99 = vector.shape_cast %broadcast_in_dim3A_7 : vector<16xf32> to vector<16xf32>
      tpu.vector_store %swap3A_95[%swap3A_96], %swap3A_99 {strides = array<i32>} : memref<128xf32, #tpu.memory_space<vmem>>, vector<16xf32>,
      %swap3A_100 = arith.constant 0 : i32
      %swap3A_101 = tpu.memref_slice %arg7[%scan3A_93, %swap3A_100] : memref<128x128xf32, #tpu.memory_space<vmem>> -> memref<1x128xf32, #tpu.memory_space<vmem>>
      %swap3A_102 = tpu.memref_squeeze %swap3A_101 : memref<1x128xf32, #tpu.memory_space<vmem>> -> memref<128xf32, #tpu.memory_space<vmem>>
      %swap3A_103 = arith.constant 16 : index
      %swap3A_104 = tpu.vector_load %swap3A_102[%swap3A_103] {strides = array<i32>} : memref<128xf32, #tpu.memory_space<vmem>>, vector<16xf32>,
      %swap3A_105 = vector.shape_cast %swap3A_104 : vector<16xf32> to vector<16xf32>
      %swap3A_106 = vector.shape_cast %broadcast_in_dim3A_7 : vector<16xf32> to vector<16xf32>
      tpu.vector_store %swap3A_102[%swap3A_103], %swap3A_106 {strides = array<i32>} : memref<128xf32, #tpu.memory_space<vmem>>, vector<16xf32>,
      %swap3A_107 = arith.constant 0 : i32
      %swap3A_108 = tpu.memref_slice %arg7[%scan3A_93, %swap3A_107] : memref<128x128xf32, #tpu.memory_space<vmem>> -> memref<1x128xf32, #tpu.memory_space<vmem>>
      %swap3A_109 = tpu.memref_squeeze %swap3A_108 : memref<1x128xf32, #tpu.memory_space<vmem>> -> memref<128xf32, #tpu.memory_space<vmem>>
      %swap3A_110 = arith.constant 32 : index
      %swap3A_111 = tpu.vector_load %swap3A_109[%swap3A_110] {strides = array<i32>} : memref<128xf32, #tpu.memory_space<vmem>>, vector<16xf32>,
      %swap3A_112 = vector.shape_cast %swap3A_111 : vector<16xf32> to vector<16xf32>
      %swap3A_113 = vector.shape_cast %broadcast_in_dim3A_7 : vector<16xf32> to vector<16xf32>
      tpu.vector_store %swap3A_109[%swap3A_110], %swap3A_113 {strides = array<i32>} : memref<128xf32, #tpu.memory_space<vmem>>, vector<16xf32>,
      %swap3A_114 = arith.constant 0 : i32
      %swap3A_115 = tpu.memref_slice %arg7[%scan3A_93, %swap3A_114] : memref<128x128xf32, #tpu.memory_space<vmem>> -> memref<1x128xf32, #tpu.memory_space<vmem>>
      %swap3A_116 = tpu.memref_squeeze %swap3A_115 : memref<1x128xf32, #tpu.memory_space<vmem>> -> memref<128xf32, #tpu.memory_space<vmem>>
      %swap3A_117 = arith.constant 48 : index
      %swap3A_118 = tpu.vector_load %swap3A_116[%swap3A_117] {strides = array<i32>} : memref<128xf32, #tpu.memory_space<vmem>>, vector<16xf32>,
      %swap3A_119 = vector.shape_cast %swap3A_118 : vector<16xf32> to vector<16xf32>
      %swap3A_120 = vector.shape_cast %broadcast_in_dim3A_7 : vector<16xf32> to vector<16xf32>
      tpu.vector_store %swap3A_116[%swap3A_117], %swap3A_120 {strides = array<i32>} : memref<128xf32, #tpu.memory_space<vmem>>, vector<16xf32>,
      %swap3A_121 = arith.constant 0 : i32
      %swap3A_122 = tpu.memref_slice %arg7[%scan3A_93, %swap3A_121] : memref<128x128xf32, #tpu.memory_space<vmem>> -> memref<1x128xf32, #tpu.memory_space<vmem>>
      %swap3A_123 = tpu.memref_squeeze %swap3A_122 : memref<1x128xf32, #tpu.memory_space<vmem>> -> memref<128xf32, #tpu.memory_space<vmem>>
      %swap3A_124 = arith.constant 64 : index
      %swap3A_125 = tpu.vector_load %swap3A_123[%swap3A_124] {strides = array<i32>} : memref<128xf32, #tpu.memory_space<vmem>>, vector<16xf32>,
      %swap3A_126 = vector.shape_cast %swap3A_125 : vector<16xf32> to vector<16xf32>
      %swap3A_127 = vector.shape_cast %broadcast_in_dim3A_7 : vector<16xf32> to vector<16xf32>
      tpu.vector_store %swap3A_123[%swap3A_124], %swap3A_127 {strides = array<i32>} : memref<128xf32, #tpu.memory_space<vmem>>, vector<16xf32>,
      %swap3A_128 = arith.constant 0 : i32
      %swap3A_129 = tpu.memref_slice %arg7[%scan3A_93, %swap3A_128] : memref<128x128xf32, #tpu.memory_space<vmem>> -> memref<1x128xf32, #tpu.memory_space<vmem>>
      %swap3A_130 = tpu.memref_squeeze %swap3A_129 : memref<1x128xf32, #tpu.memory_space<vmem>> -> memref<128xf32, #tpu.memory_space<vmem>>
      %swap3A_131 = arith.constant 80 : index
      %swap3A_132 = tpu.vector_load %swap3A_130[%swap3A_131] {strides = array<i32>} : memref<128xf32, #tpu.memory_space<vmem>>, vector<16xf32>,
      %swap3A_133 = vector.shape_cast %swap3A_132 : vector<16xf32> to vector<16xf32>
      %swap3A_134 = vector.shape_cast %broadcast_in_dim3A_7 : vector<16xf32> to vector<16xf32>
      tpu.vector_store %swap3A_130[%swap3A_131], %swap3A_134 {strides = array<i32>} : memref<128xf32, #tpu.memory_space<vmem>>, vector<16xf32>,
      %swap3A_135 = arith.constant 0 : i32
      %swap3A_136 = tpu.memref_slice %arg7[%scan3A_93, %swap3A_135] : memref<128x128xf32, #tpu.memory_space<vmem>> -> memref<1x128xf32, #tpu.memory_space<vmem>>
      %swap3A_137 = tpu.memref_squeeze %swap3A_136 : memref<1x128xf32, #tpu.memory_space<vmem>> -> memref<128xf32, #tpu.memory_space<vmem>>
      %swap3A_138 = arith.constant 96 : index
      %swap3A_139 = tpu.vector_load %swap3A_137[%swap3A_138] {strides = array<i32>} : memref<128xf32, #tpu.memory_space<vmem>>, vector<16xf32>,
      %swap3A_140 = vector.shape_cast %swap3A_139 : vector<16xf32> to vector<16xf32>
      %swap3A_141 = vector.shape_cast %broadcast_in_dim3A_7 : vector<16xf32> to vector<16xf32>
      tpu.vector_store %swap3A_137[%swap3A_138], %swap3A_141 {strides = array<i32>} : memref<128xf32, #tpu.memory_space<vmem>>, vector<16xf32>,
      %swap3A_142 = arith.constant 0 : i32
      %swap3A_143 = tpu.memref_slice %arg7[%scan3A_93, %swap3A_142] : memref<128x128xf32, #tpu.memory_space<vmem>> -> memref<1x128xf32, #tpu.memory_space<vmem>>
      %swap3A_144 = tpu.memref_squeeze %swap3A_143 : memref<1x128xf32, #tpu.memory_space<vmem>> -> memref<128xf32, #tpu.memory_space<vmem>>
      %swap3A_145 = arith.constant 112 : index
      %swap3A_146 = tpu.vector_load %swap3A_144[%swap3A_145] {strides = array<i32>} : memref<128xf32, #tpu.memory_space<vmem>>, vector<16xf32>,
      %swap3A_147 = vector.shape_cast %swap3A_146 : vector<16xf32> to vector<16xf32>
      %swap3A_148 = vector.shape_cast %broadcast_in_dim3A_7 : vector<16xf32> to vector<16xf32>
      tpu.vector_store %swap3A_144[%swap3A_145], %swap3A_148 {strides = array<i32>} : memref<128xf32, #tpu.memory_space<vmem>>, vector<16xf32>,
    }
    %scan3A_12 = arith.constant 128 : i32
    %mul3A = arith.constant 640 : i32
    %mul3A_13 = arith.muli %arg1, %mul3A : i32
    %add3A = arith.constant 0 : i32
    %add3A_14 = arith.addi %mul3A_13, %add3A : i32
    "tpu.region"() ({
      %run_scoped3A = tpu.sem_alloc : memref<!tpu.dma_semaphore, #tpu.memory_space<semaphore_mem>>
      %dma_start3A_93 = arith.constant 0 : i32
      %dma_start3A_94 = tpu.memref_slice %arg9[%add3A_14, %dma_start3A_93] : memref<10240x128xf32, #tpu.memory_space<vmem_shared>> -> memref<128x128xf32, #tpu.memory_space<vmem_shared>>
      %dma_start3A_95 = arith.constant 0 : i32
      %dma_start3A_96 = tpu.memref_slice %arg9[%add3A_14, %dma_start3A_95] : memref<10240x128xf32, #tpu.memory_space<vmem_shared>> -> memref<128x128xf32, #tpu.memory_space<vmem_shared>>
      tpu.enqueue_dma source(%arg7 : memref<128x128xf32, #tpu.memory_space<vmem>>) target(%dma_start3A_96 : memref<128x128xf32, #tpu.memory_space<vmem_shared>>) target_semaphore(%run_scoped3A : memref<!tpu.dma_semaphore, #tpu.memory_space<semaphore_mem>>)
      %dma_wait3A = arith.constant 0 : i32
      %dma_wait3A_97 = tpu.memref_slice %arg9[%add3A_14, %dma_wait3A] : memref<10240x128xf32, #tpu.memory_space<vmem_shared>> -> memref<128x128xf32, #tpu.memory_space<vmem_shared>>
      %dma_wait3A_98 = arith.constant 0 : i32
      %dma_wait3A_99 = tpu.memref_slice %arg9[%add3A_14, %dma_wait3A_98] : memref<10240x128xf32, #tpu.memory_space<vmem_shared>> -> memref<128x128xf32, #tpu.memory_space<vmem_shared>>
      tpu.wait_dma2 semaphore(%run_scoped3A : memref<!tpu.dma_semaphore, #tpu.memory_space<semaphore_mem>>) src(%arg7 : memref<128x128xf32, #tpu.memory_space<vmem>>) dst(%dma_wait3A_99 : memref<128x128xf32, #tpu.memory_space<vmem_shared>>)
      tpu.yield
    }) : () -> ()
    %mul3A_15 = arith.constant 640 : i32
    %mul3A_16 = arith.muli %arg1, %mul3A_15 : i32
    %add3A_17 = arith.constant 128 : i32
    %add3A_18 = arith.addi %mul3A_16, %add3A_17 : i32
    "tpu.region"() ({
      %run_scoped3A = tpu.sem_alloc : memref<!tpu.dma_semaphore, #tpu.memory_space<semaphore_mem>>
      %dma_start3A_93 = arith.constant 0 : i32
      %dma_start3A_94 = tpu.memref_slice %arg9[%add3A_18, %dma_start3A_93] : memref<10240x128xf32, #tpu.memory_space<vmem_shared>> -> memref<128x128xf32, #tpu.memory_space<vmem_shared>>
      %dma_start3A_95 = arith.constant 0 : i32
      %dma_start3A_96 = tpu.memref_slice %arg9[%add3A_18, %dma_start3A_95] : memref<10240x128xf32, #tpu.memory_space<vmem_shared>> -> memref<128x128xf32, #tpu.memory_space<vmem_shared>>
      tpu.enqueue_dma source(%arg7 : memref<128x128xf32, #tpu.memory_space<vmem>>) target(%dma_start3A_96 : memref<128x128xf32, #tpu.memory_space<vmem_shared>>) target_semaphore(%run_scoped3A : memref<!tpu.dma_semaphore, #tpu.memory_space<semaphore_mem>>)
      %dma_wait3A = arith.constant 0 : i32
      %dma_wait3A_97 = tpu.memref_slice %arg9[%add3A_18, %dma_wait3A] : memref<10240x128xf32, #tpu.memory_space<vmem_shared>> -> memref<128x128xf32, #tpu.memory_space<vmem_shared>>
      %dma_wait3A_98 = arith.constant 0 : i32
      %dma_wait3A_99 = tpu.memref_slice %arg9[%add3A_18, %dma_wait3A_98] : memref<10240x128xf32, #tpu.memory_space<vmem_shared>> -> memref<128x128xf32, #tpu.memory_space<vmem_shared>>
      tpu.wait_dma2 semaphore(%run_scoped3A : memref<!tpu.dma_semaphore, #tpu.memory_space<semaphore_mem>>) src(%arg7 : memref<128x128xf32, #tpu.memory_space<vmem>>) dst(%dma_wait3A_99 : memref<128x128xf32, #tpu.memory_space<vmem_shared>>)
      tpu.yield
    }) : () -> ()
    %mul3A_19 = arith.constant 640 : i32
    %mul3A_20 = arith.muli %arg1, %mul3A_19 : i32
    %add3A_21 = arith.constant 256 : i32
    %add3A_22 = arith.addi %mul3A_20, %add3A_21 : i32
    "tpu.region"() ({
      %run_scoped3A = tpu.sem_alloc : memref<!tpu.dma_semaphore, #tpu.memory_space<semaphore_mem>>
      %dma_start3A_93 = arith.constant 0 : i32
      %dma_start3A_94 = tpu.memref_slice %arg9[%add3A_22, %dma_start3A_93] : memref<10240x128xf32, #tpu.memory_space<vmem_shared>> -> memref<128x128xf32, #tpu.memory_space<vmem_shared>>
      %dma_start3A_95 = arith.constant 0 : i32
      %dma_start3A_96 = tpu.memref_slice %arg9[%add3A_22, %dma_start3A_95] : memref<10240x128xf32, #tpu.memory_space<vmem_shared>> -> memref<128x128xf32, #tpu.memory_space<vmem_shared>>
      tpu.enqueue_dma source(%arg7 : memref<128x128xf32, #tpu.memory_space<vmem>>) target(%dma_start3A_96 : memref<128x128xf32, #tpu.memory_space<vmem_shared>>) target_semaphore(%run_scoped3A : memref<!tpu.dma_semaphore, #tpu.memory_space<semaphore_mem>>)
      %dma_wait3A = arith.constant 0 : i32
      %dma_wait3A_97 = tpu.memref_slice %arg9[%add3A_22, %dma_wait3A] : memref<10240x128xf32, #tpu.memory_space<vmem_shared>> -> memref<128x128xf32, #tpu.memory_space<vmem_shared>>
      %dma_wait3A_98 = arith.constant 0 : i32
      %dma_wait3A_99 = tpu.memref_slice %arg9[%add3A_22, %dma_wait3A_98] : memref<10240x128xf32, #tpu.memory_space<vmem_shared>> -> memref<128x128xf32, #tpu.memory_space<vmem_shared>>
      tpu.wait_dma2 semaphore(%run_scoped3A : memref<!tpu.dma_semaphore, #tpu.memory_space<semaphore_mem>>) src(%arg7 : memref<128x128xf32, #tpu.memory_space<vmem>>) dst(%dma_wait3A_99 : memref<128x128xf32, #tpu.memory_space<vmem_shared>>)
      tpu.yield
    }) : () -> ()
    %mul3A_23 = arith.constant 640 : i32
    %mul3A_24 = arith.muli %arg1, %mul3A_23 : i32
    %add3A_25 = arith.constant 384 : i32
    %add3A_26 = arith.addi %mul3A_24, %add3A_25 : i32
    "tpu.region"() ({
      %run_scoped3A = tpu.sem_alloc : memref<!tpu.dma_semaphore, #tpu.memory_space<semaphore_mem>>
      %dma_start3A_93 = arith.constant 0 : i32
      %dma_start3A_94 = tpu.memref_slice %arg9[%add3A_26, %dma_start3A_93] : memref<10240x128xf32, #tpu.memory_space<vmem_shared>> -> memref<128x128xf32, #tpu.memory_space<vmem_shared>>
      %dma_start3A_95 = arith.constant 0 : i32
      %dma_start3A_96 = tpu.memref_slice %arg9[%add3A_26, %dma_start3A_95] : memref<10240x128xf32, #tpu.memory_space<vmem_shared>> -> memref<128x128xf32, #tpu.memory_space<vmem_shared>>
      tpu.enqueue_dma source(%arg7 : memref<128x128xf32, #tpu.memory_space<vmem>>) target(%dma_start3A_96 : memref<128x128xf32, #tpu.memory_space<vmem_shared>>) target_semaphore(%run_scoped3A : memref<!tpu.dma_semaphore, #tpu.memory_space<semaphore_mem>>)
      %dma_wait3A = arith.constant 0 : i32
      %dma_wait3A_97 = tpu.memref_slice %arg9[%add3A_26, %dma_wait3A] : memref<10240x128xf32, #tpu.memory_space<vmem_shared>> -> memref<128x128xf32, #tpu.memory_space<vmem_shared>>
      %dma_wait3A_98 = arith.constant 0 : i32
      %dma_wait3A_99 = tpu.memref_slice %arg9[%add3A_26, %dma_wait3A_98] : memref<10240x128xf32, #tpu.memory_space<vmem_shared>> -> memref<128x128xf32, #tpu.memory_space<vmem_shared>>
      tpu.wait_dma2 semaphore(%run_scoped3A : memref<!tpu.dma_semaphore, #tpu.memory_space<semaphore_mem>>) src(%arg7 : memref<128x128xf32, #tpu.memory_space<vmem>>) dst(%dma_wait3A_99 : memref<128x128xf32, #tpu.memory_space<vmem_shared>>)
      tpu.yield
    }) : () -> ()
    %mul3A_27 = arith.constant 640 : i32
    %mul3A_28 = arith.muli %arg1, %mul3A_27 : i32
    %add3A_29 = arith.constant 512 : i32
    %add3A_30 = arith.addi %mul3A_28, %add3A_29 : i32
    "tpu.region"() ({
      %run_scoped3A = tpu.sem_alloc : memref<!tpu.dma_semaphore, #tpu.memory_space<semaphore_mem>>
      %dma_start3A_93 = arith.constant 0 : i32
      %dma_start3A_94 = tpu.memref_slice %arg9[%add3A_30, %dma_start3A_93] : memref<10240x128xf32, #tpu.memory_space<vmem_shared>> -> memref<128x128xf32, #tpu.memory_space<vmem_shared>>
      %dma_start3A_95 = arith.constant 0 : i32
      %dma_start3A_96 = tpu.memref_slice %arg9[%add3A_30, %dma_start3A_95] : memref<10240x128xf32, #tpu.memory_space<vmem_shared>> -> memref<128x128xf32, #tpu.memory_space<vmem_shared>>
      tpu.enqueue_dma source(%arg7 : memref<128x128xf32, #tpu.memory_space<vmem>>) target(%dma_start3A_96 : memref<128x128xf32, #tpu.memory_space<vmem_shared>>) target_semaphore(%run_scoped3A : memref<!tpu.dma_semaphore, #tpu.memory_space<semaphore_mem>>)
      %dma_wait3A = arith.constant 0 : i32
      %dma_wait3A_97 = tpu.memref_slice %arg9[%add3A_30, %dma_wait3A] : memref<10240x128xf32, #tpu.memory_space<vmem_shared>> -> memref<128x128xf32, #tpu.memory_space<vmem_shared>>
      %dma_wait3A_98 = arith.constant 0 : i32
      %dma_wait3A_99 = tpu.memref_slice %arg9[%add3A_30, %dma_wait3A_98] : memref<10240x128xf32, #tpu.memory_space<vmem_shared>> -> memref<128x128xf32, #tpu.memory_space<vmem_shared>>
      tpu.wait_dma2 semaphore(%run_scoped3A : memref<!tpu.dma_semaphore, #tpu.memory_space<semaphore_mem>>) src(%arg7 : memref<128x128xf32, #tpu.memory_space<vmem>>) dst(%dma_wait3A_99 : memref<128x128xf32, #tpu.memory_space<vmem_shared>>)
      tpu.yield
    }) : () -> ()
    %barrier3A = arith.constant 0 : index
    tpu.barrier barrier_id(%barrier3A)
    %mul3A_31 = arith.constant 8 : i32
    %mul3A_32 = arith.muli %select_n3A, %mul3A_31 : i32
    "tpu.region"() ({
      %run_scoped3A = tpu.sem_alloc : memref<!tpu.dma_semaphore, #tpu.memory_space<semaphore_mem>>
      %dma_start3A_93 = arith.constant 0 : i32
      %dma_start3A_94 = arith.constant 0 : i32
      %dma_start3A_95 = tpu.memref_slice %arg3[%arg1, %mul3A_32, %dma_start3A_93, %dma_start3A_94] : memref<16x160x2x128xi32, #tpu.memory_space<hbm>> -> memref<1x8x2x128xi32, #tpu.memory_space<hbm>>
      %dma_start3A_96 = tpu.memref_squeeze %dma_start3A_95 : memref<1x8x2x128xi32, #tpu.memory_space<hbm>> -> memref<8x2x128xi32, #tpu.memory_space<hbm>>
      %dma_start3A_97 = arith.constant 0 : i32
      %dma_start3A_98 = arith.constant 0 : i32
      %dma_start3A_99 = tpu.memref_slice %arg3[%arg1, %mul3A_32, %dma_start3A_97, %dma_start3A_98] : memref<16x160x2x128xi32, #tpu.memory_space<hbm>> -> memref<1x8x2x128xi32, #tpu.memory_space<hbm>>
      %dma_start3A_100 = tpu.memref_squeeze %dma_start3A_99 : memref<1x8x2x128xi32, #tpu.memory_space<hbm>> -> memref<8x2x128xi32, #tpu.memory_space<hbm>>
      tpu.enqueue_dma source(%dma_start3A_100 : memref<8x2x128xi32, #tpu.memory_space<hbm>>) target(%arg5 : memref<8x2x128xi32, #tpu.memory_space<vmem>>) target_semaphore(%run_scoped3A : memref<!tpu.dma_semaphore, #tpu.memory_space<semaphore_mem>>)
      %dma_wait3A = arith.constant 0 : i32
      %dma_wait3A_101 = arith.constant 0 : i32
      %dma_wait3A_102 = tpu.memref_slice %arg3[%arg1, %mul3A_32, %dma_wait3A, %dma_wait3A_101] : memref<16x160x2x128xi32, #tpu.memory_space<hbm>> -> memref<1x8x2x128xi32, #tpu.memory_space<hbm>>
      %dma_wait3A_103 = tpu.memref_squeeze %dma_wait3A_102 : memref<1x8x2x128xi32, #tpu.memory_space<hbm>> -> memref<8x2x128xi32, #tpu.memory_space<hbm>>
      %dma_wait3A_104 = arith.constant 0 : i32
      %dma_wait3A_105 = arith.constant 0 : i32
      %dma_wait3A_106 = tpu.memref_slice %arg3[%arg1, %mul3A_32, %dma_wait3A_104, %dma_wait3A_105] : memref<16x160x2x128xi32, #tpu.memory_space<hbm>> -> memref<1x8x2x128xi32, #tpu.memory_space<hbm>>
      %dma_wait3A_107 = tpu.memref_squeeze %dma_wait3A_106 : memref<1x8x2x128xi32, #tpu.memory_space<hbm>> -> memref<8x2x128xi32, #tpu.memory_space<hbm>>
      tpu.wait_dma2 semaphore(%run_scoped3A : memref<!tpu.dma_semaphore, #tpu.memory_space<semaphore_mem>>) src(%dma_wait3A_107 : memref<8x2x128xi32, #tpu.memory_space<hbm>>) dst(%arg5 : memref<8x2x128xi32, #tpu.memory_space<vmem>>)
      tpu.yield
    }) : () -> ()
    %add3A_33 = arith.constant 1 : i32
    %add3A_34 = arith.addi %select_n3A, %add3A_33 : i32
    %mul3A_35 = arith.constant 8 : i32
    %mul3A_36 = arith.muli %add3A_34, %mul3A_35 : i32
    %dma_start3A = arith.constant 0 : i32
    %dma_start3A_37 = arith.constant 0 : i32
    %dma_start3A_38 = tpu.memref_slice %arg3[%arg1, %mul3A_36, %dma_start3A, %dma_start3A_37] : memref<16x160x2x128xi32, #tpu.memory_space<hbm>> -> memref<1x8x2x128xi32, #tpu.memory_space<hbm>>
    %dma_start3A_39 = tpu.memref_squeeze %dma_start3A_38 : memref<1x8x2x128xi32, #tpu.memory_space<hbm>> -> memref<8x2x128xi32, #tpu.memory_space<hbm>>
    %dma_start3A_40 = arith.constant 0 : i32
    %dma_start3A_41 = arith.constant 0 : i32
    %dma_start3A_42 = tpu.memref_slice %arg3[%arg1, %mul3A_36, %dma_start3A_40, %dma_start3A_41] : memref<16x160x2x128xi32, #tpu.memory_space<hbm>> -> memref<1x8x2x128xi32, #tpu.memory_space<hbm>>
    %dma_start3A_43 = tpu.memref_squeeze %dma_start3A_42 : memref<1x8x2x128xi32, #tpu.memory_space<hbm>> -> memref<8x2x128xi32, #tpu.memory_space<hbm>>
    tpu.enqueue_dma source(%dma_start3A_43 : memref<8x2x128xi32, #tpu.memory_space<hbm>>) target(%arg6 : memref<8x2x128xi32, #tpu.memory_space<vmem>>) target_semaphore(%arg10 : memref<!tpu.dma_semaphore, #tpu.memory_space<semaphore_mem>>)
    %dma_start3A_44 = arith.constant 0 : i32
    %dma_start3A_45 = arith.constant 0 : i32
    %dma_start3A_46 = arith.constant 0 : i32
    %dma_start3A_47 = tpu.memref_slice %arg5[%dma_start3A_44, %dma_start3A_45, %dma_start3A_46] : memref<8x2x128xi32, #tpu.memory_space<vmem>> -> memref<1x1x128xi32, #tpu.memory_space<vmem>>
    %dma_start3A_48 = tpu.memref_squeeze %dma_start3A_47 : memref<1x1x128xi32, #tpu.memory_space<vmem>> -> memref<128xi32, #tpu.memory_space<vmem>>
    %dma_start3A_49 = arith.constant 0 : i32
    %dma_start3A_50 = arith.constant 0 : i32
    %dma_start3A_51 = tpu.memref_slice %arg2[%dma_start3A_49, %dma_start3A_50] : memref<10240x128xf32, #tpu.memory_space<hbm>> -> memref<10240x128xf32, #tpu.memory_space<hbm>>
    tpu.enqueue_indirect_dma source(%dma_start3A_51 : memref<10240x128xf32, #tpu.memory_space<hbm>>) target(%arg7 : memref<128x128xf32, #tpu.memory_space<vmem>>) offsets(%dma_start3A_48 : memref<128xi32, #tpu.memory_space<vmem>>) semaphore(%arg11 : memref<!tpu.dma_semaphore, #tpu.memory_space<semaphore_mem>>)
    %dma_start3A_52 = arith.constant 1 : i32
    %dma_start3A_53 = arith.constant 0 : i32
    %dma_start3A_54 = arith.constant 0 : i32
    %dma_start3A_55 = tpu.memref_slice %arg5[%dma_start3A_52, %dma_start3A_53, %dma_start3A_54] : memref<8x2x128xi32, #tpu.memory_space<vmem>> -> memref<1x1x128xi32, #tpu.memory_space<vmem>>
    %dma_start3A_56 = tpu.memref_squeeze %dma_start3A_55 : memref<1x1x128xi32, #tpu.memory_space<vmem>> -> memref<128xi32, #tpu.memory_space<vmem>>
    %dma_start3A_57 = arith.constant 0 : i32
    %dma_start3A_58 = arith.constant 0 : i32
    %dma_start3A_59 = tpu.memref_slice %arg2[%dma_start3A_57, %dma_start3A_58] : memref<10240x128xf32, #tpu.memory_space<hbm>> -> memref<10240x128xf32, #tpu.memory_space<hbm>>
    tpu.enqueue_indirect_dma source(%dma_start3A_59 : memref<10240x128xf32, #tpu.memory_space<hbm>>) target(%arg8 : memref<128x128xf32, #tpu.memory_space<vmem>>) offsets(%dma_start3A_56 : memref<128xi32, #tpu.memory_space<vmem>>) semaphore(%arg12 : memref<!tpu.dma_semaphore, #tpu.memory_space<semaphore_mem>>)
    %sub3A = arith.subi %select_n3A_6, %select_n3A : i32
    %jit3A_60 = arith.constant 2 : i32
    %div3A = arith.divsi %sub3A, %jit3A_60 : i32
    %sign3A = arith.constant 0 : i32
    %sign3A_61 = arith.cmpi sgt, %sub3A, %sign3A : i32
    %sign3A_62 = arith.extui %sign3A_61 : i1 to i32
    %sign3A_63 = arith.constant 0 : i32
    %sign3A_64 = arith.cmpi slt, %sub3A, %sign3A_63 : i32
    %sign3A_65 = arith.extui %sign3A_64 : i1 to i32
    %sign3A_66 = arith.subi %sign3A_62, %sign3A_65 : i32
    %sign3A_67 = arith.constant 0 : i32
    %sign3A_68 = arith.cmpi sgt, %jit3A_60, %sign3A_67 : i32
    %sign3A_69 = arith.extui %sign3A_68 : i1 to i32
    %sign3A_70 = arith.constant 0 : i32
    %sign3A_71 = arith.cmpi slt, %jit3A_60, %sign3A_70 : i32
    %sign3A_72 = arith.extui %sign3A_71 : i1 to i32
    %sign3A_73 = arith.subi %sign3A_69, %sign3A_72 : i32
    %ne3A = arith.cmpi ne, %sign3A_66, %sign3A_73 : i32
    %rem3A = arith.remsi %sub3A, %jit3A_60 : i32
    %ne3A_74 = arith.constant 0 : i32
    %ne3A_75 = arith.cmpi ne, %rem3A, %ne3A_74 : i32
    %and3A = arith.andi %ne3A, %ne3A_75 : i1
    %sub3A_76 = arith.constant 1 : i32
    %sub3A_77 = arith.subi %div3A, %sub3A_76 : i32
    %select_n3A_78 = arith.select %and3A, %sub3A_77, %div3A : i32
    %while3A = arith.constant 0 : i32
    %while3A_79 = arith.constant 0 : i32
    %while3A_80 = arith.subi %select_n3A_78, %while3A_79 : i32
    %while3A_81 = arith.addi %while3A_79, %while3A_80 : i32
    %while3A_82 = arith.constant 1 : i32
    %while3A_83 = arith.divsi %while3A_80, %while3A_82 : i32
    %while3A_84 = arith.muli %while3A_83, %while3A_82 : i32
    %while3A_85 = arith.addi %while3A_79, %while3A_84 : i32
    %while3A_86 = arith.constant 1 : i32
    scf.for %while3A_93 = %while3A_79 to %while3A_85 step %while3A_86  : i32 {
      %mul3A_94 = arith.constant 2 : i32
      %mul3A_95 = arith.muli %mul3A_94, %while3A_93 : i32
      %add3A_96 = arith.addi %select_n3A, %mul3A_95 : i32
      %add3A_97 = arith.constant 1 : i32
      %add3A_98 = arith.addi %add3A_96, %add3A_97 : i32
      %sub3A_99 = arith.constant 1 : i32
      %sub3A_100 = arith.subi %select_n3A_6, %sub3A_99 : i32
      %lt3A = arith.cmpi slt, %add3A_96, %sub3A_100 : i32
      %sub3A_101 = arith.constant 2 : i32
      %sub3A_102 = arith.subi %select_n3A_6, %sub3A_101 : i32
      %lt3A_103 = arith.cmpi slt, %add3A_96, %sub3A_102 : i32
      %dma_wait3A = arith.constant 0 : i32
      %dma_wait3A_104 = arith.constant 0 : i32
      %dma_wait3A_105 = arith.constant 0 : i32
      %dma_wait3A_106 = tpu.memref_slice %arg5[%dma_wait3A, %dma_wait3A_104, %dma_wait3A_105] : memref<8x2x128xi32, #tpu.memory_space<vmem>> -> memref<1x1x128xi32, #tpu.memory_space<vmem>>
      %dma_wait3A_107 = tpu.memref_squeeze %dma_wait3A_106 : memref<1x1x128xi32, #tpu.memory_space<vmem>> -> memref<128xi32, #tpu.memory_space<vmem>>
      %dma_wait3A_108 = arith.constant 0 : i32
      %dma_wait3A_109 = arith.constant 0 : i32
      %dma_wait3A_110 = tpu.memref_slice %arg2[%dma_wait3A_108, %dma_wait3A_109] : memref<10240x128xf32, #tpu.memory_space<hbm>> -> memref<10240x128xf32, #tpu.memory_space<hbm>>
      tpu.wait_indirect_dma semaphore(%arg11 : memref<!tpu.dma_semaphore, #tpu.memory_space<semaphore_mem>>) src(%dma_wait3A_110 : memref<10240x128xf32, #tpu.memory_space<hbm>>) dst(%arg7 : memref<128x128xf32, #tpu.memory_space<vmem>>)
      %run_scoped3A = arith.constant 0 : i32
      %run_scoped3A_111 = arith.constant 1 : i32
      "tpu.region"() ({
        %run_scoped3A_380 = tpu.sem_alloc : memref<!tpu.dma_semaphore, #tpu.memory_space<semaphore_mem>>
        %dma_start3A_381 = arith.constant 0 : i32
        %dma_start3A_382 = tpu.memref_slice %arg5[%run_scoped3A, %run_scoped3A_111, %dma_start3A_381] : memref<8x2x128xi32, #tpu.memory_space<vmem>> -> memref<1x1x128xi32, #tpu.memory_space<vmem>>
        %dma_start3A_383 = tpu.memref_squeeze %dma_start3A_382 : memref<1x1x128xi32, #tpu.memory_space<vmem>> -> memref<128xi32, #tpu.memory_space<vmem>>
        %dma_start3A_384 = arith.constant 0 : i32
        %dma_start3A_385 = arith.constant 0 : i32
        %dma_start3A_386 = tpu.memref_slice %arg9[%dma_start3A_384, %dma_start3A_385] : memref<10240x128xf32, #tpu.memory_space<vmem_shared>> -> memref<10240x128xf32, #tpu.memory_space<vmem_shared>>
        tpu.enqueue_indirect_dma source(%arg7 : memref<128x128xf32, #tpu.memory_space<vmem>>) target(%dma_start3A_386 : memref<10240x128xf32, #tpu.memory_space<vmem_shared>>) offsets(%dma_start3A_383 : memref<128xi32, #tpu.memory_space<vmem>>) semaphore(%run_scoped3A_380 : memref<!tpu.dma_semaphore, #tpu.memory_space<semaphore_mem>>) {add = true}
        %dma_wait3A_387 = arith.constant 0 : i32
        %dma_wait3A_388 = tpu.memref_slice %arg5[%run_scoped3A, %run_scoped3A_111, %dma_wait3A_387] : memref<8x2x128xi32, #tpu.memory_space<vmem>> -> memref<1x1x128xi32, #tpu.memory_space<vmem>>
        %dma_wait3A_389 = tpu.memref_squeeze %dma_wait3A_388 : memref<1x1x128xi32, #tpu.memory_space<vmem>> -> memref<128xi32, #tpu.memory_space<vmem>>
        %dma_wait3A_390 = arith.constant 0 : i32
        %dma_wait3A_391 = arith.constant 0 : i32
        %dma_wait3A_392 = tpu.memref_slice %arg9[%dma_wait3A_390, %dma_wait3A_391] : memref<10240x128xf32, #tpu.memory_space<vmem_shared>> -> memref<10240x128xf32, #tpu.memory_space<vmem_shared>>
        tpu.wait_indirect_dma semaphore(%run_scoped3A_380 : memref<!tpu.dma_semaphore, #tpu.memory_space<semaphore_mem>>) src(%arg7 : memref<128x128xf32, #tpu.memory_space<vmem>>) dst(%dma_wait3A_392 : memref<10240x128xf32, #tpu.memory_space<vmem_shared>>)
        tpu.yield
      }) : () -> ()
      %dma_start3A_112 = arith.constant 2 : i32
      %dma_start3A_113 = arith.constant 0 : i32
      %dma_start3A_114 = arith.constant 0 : i32
      %dma_start3A_115 = tpu.memref_slice %arg5[%dma_start3A_112, %dma_start3A_113, %dma_start3A_114] : memref<8x2x128xi32, #tpu.memory_space<vmem>> -> memref<1x1x128xi32, #tpu.memory_space<vmem>>
      %dma_start3A_116 = tpu.memref_squeeze %dma_start3A_115 : memref<1x1x128xi32, #tpu.memory_space<vmem>> -> memref<128xi32, #tpu.memory_space<vmem>>
      %dma_start3A_117 = arith.constant 0 : i32
      %dma_start3A_118 = arith.constant 0 : i32
      %dma_start3A_119 = tpu.memref_slice %arg2[%dma_start3A_117, %dma_start3A_118] : memref<10240x128xf32, #tpu.memory_space<hbm>> -> memref<10240x128xf32, #tpu.memory_space<hbm>>
      tpu.enqueue_indirect_dma source(%dma_start3A_119 : memref<10240x128xf32, #tpu.memory_space<hbm>>) target(%arg7 : memref<128x128xf32, #tpu.memory_space<vmem>>) offsets(%dma_start3A_116 : memref<128xi32, #tpu.memory_space<vmem>>) semaphore(%arg11 : memref<!tpu.dma_semaphore, #tpu.memory_space<semaphore_mem>>)
      %dma_wait3A_120 = arith.constant 1 : i32
      %dma_wait3A_121 = arith.constant 0 : i32
      %dma_wait3A_122 = arith.constant 0 : i32
      %dma_wait3A_123 = tpu.memref_slice %arg5[%dma_wait3A_120, %dma_wait3A_121, %dma_wait3A_122] : memref<8x2x128xi32, #tpu.memory_space<vmem>> -> memref<1x1x128xi32, #tpu.memory_space<vmem>>
      %dma_wait3A_124 = tpu.memref_squeeze %dma_wait3A_123 : memref<1x1x128xi32, #tpu.memory_space<vmem>> -> memref<128xi32, #tpu.memory_space<vmem>>
      %dma_wait3A_125 = arith.constant 0 : i32
      %dma_wait3A_126 = arith.constant 0 : i32
      %dma_wait3A_127 = tpu.memref_slice %arg2[%dma_wait3A_125, %dma_wait3A_126] : memref<10240x128xf32, #tpu.memory_space<hbm>> -> memref<10240x128xf32, #tpu.memory_space<hbm>>
      tpu.wait_indirect_dma semaphore(%arg12 : memref<!tpu.dma_semaphore, #tpu.memory_space<semaphore_mem>>) src(%dma_wait3A_127 : memref<10240x128xf32, #tpu.memory_space<hbm>>) dst(%arg8 : memref<128x128xf32, #tpu.memory_space<vmem>>)
      %run_scoped3A_128 = arith.constant 1 : i32
      %run_scoped3A_129 = arith.constant 1 : i32
      "tpu.region"() ({
        %run_scoped3A_380 = tpu.sem_alloc : memref<!tpu.dma_semaphore, #tpu.memory_space<semaphore_mem>>
        %dma_start3A_381 = arith.constant 0 : i32
        %dma_start3A_382 = tpu.memref_slice %arg5[%run_scoped3A_128, %run_scoped3A_129, %dma_start3A_381] : memref<8x2x128xi32, #tpu.memory_space<vmem>> -> memref<1x1x128xi32, #tpu.memory_space<vmem>>
        %dma_start3A_383 = tpu.memref_squeeze %dma_start3A_382 : memref<1x1x128xi32, #tpu.memory_space<vmem>> -> memref<128xi32, #tpu.memory_space<vmem>>
        %dma_start3A_384 = arith.constant 0 : i32
        %dma_start3A_385 = arith.constant 0 : i32
        %dma_start3A_386 = tpu.memref_slice %arg9[%dma_start3A_384, %dma_start3A_385] : memref<10240x128xf32, #tpu.memory_space<vmem_shared>> -> memref<10240x128xf32, #tpu.memory_space<vmem_shared>>
        tpu.enqueue_indirect_dma source(%arg8 : memref<128x128xf32, #tpu.memory_space<vmem>>) target(%dma_start3A_386 : memref<10240x128xf32, #tpu.memory_space<vmem_shared>>) offsets(%dma_start3A_383 : memref<128xi32, #tpu.memory_space<vmem>>) semaphore(%run_scoped3A_380 : memref<!tpu.dma_semaphore, #tpu.memory_space<semaphore_mem>>) {add = true}
        %dma_wait3A_387 = arith.constant 0 : i32
        %dma_wait3A_388 = tpu.memref_slice %arg5[%run_scoped3A_128, %run_scoped3A_129, %dma_wait3A_387] : memref<8x2x128xi32, #tpu.memory_space<vmem>> -> memref<1x1x128xi32, #tpu.memory_space<vmem>>
        %dma_wait3A_389 = tpu.memref_squeeze %dma_wait3A_388 : memref<1x1x128xi32, #tpu.memory_space<vmem>> -> memref<128xi32, #tpu.memory_space<vmem>>
        %dma_wait3A_390 = arith.constant 0 : i32
        %dma_wait3A_391 = arith.constant 0 : i32
        %dma_wait3A_392 = tpu.memref_slice %arg9[%dma_wait3A_390, %dma_wait3A_391] : memref<10240x128xf32, #tpu.memory_space<vmem_shared>> -> memref<10240x128xf32, #tpu.memory_space<vmem_shared>>
        tpu.wait_indirect_dma semaphore(%run_scoped3A_380 : memref<!tpu.dma_semaphore, #tpu.memory_space<semaphore_mem>>) src(%arg8 : memref<128x128xf32, #tpu.memory_space<vmem>>) dst(%dma_wait3A_392 : memref<10240x128xf32, #tpu.memory_space<vmem_shared>>)
        tpu.yield
      }) : () -> ()
      %dma_start3A_130 = arith.constant 3 : i32
      %dma_start3A_131 = arith.constant 0 : i32
      %dma_start3A_132 = arith.constant 0 : i32
      %dma_start3A_133 = tpu.memref_slice %arg5[%dma_start3A_130, %dma_start3A_131, %dma_start3A_132] : memref<8x2x128xi32, #tpu.memory_space<vmem>> -> memref<1x1x128xi32, #tpu.memory_space<vmem>>
      %dma_start3A_134 = tpu.memref_squeeze %dma_start3A_133 : memref<1x1x128xi32, #tpu.memory_space<vmem>> -> memref<128xi32, #tpu.memory_space<vmem>>
      %dma_start3A_135 = arith.constant 0 : i32
      %dma_start3A_136 = arith.constant 0 : i32
      %dma_start3A_137 = tpu.memref_slice %arg2[%dma_start3A_135, %dma_start3A_136] : memref<10240x128xf32, #tpu.memory_space<hbm>> -> memref<10240x128xf32, #tpu.memory_space<hbm>>
      tpu.enqueue_indirect_dma source(%dma_start3A_137 : memref<10240x128xf32, #tpu.memory_space<hbm>>) target(%arg8 : memref<128x128xf32, #tpu.memory_space<vmem>>) offsets(%dma_start3A_134 : memref<128xi32, #tpu.memory_space<vmem>>) semaphore(%arg12 : memref<!tpu.dma_semaphore, #tpu.memory_space<semaphore_mem>>)
      %dma_wait3A_138 = arith.constant 2 : i32
      %dma_wait3A_139 = arith.constant 0 : i32
      %dma_wait3A_140 = arith.constant 0 : i32
      %dma_wait3A_141 = tpu.memref_slice %arg5[%dma_wait3A_138, %dma_wait3A_139, %dma_wait3A_140] : memref<8x2x128xi32, #tpu.memory_space<vmem>> -> memref<1x1x128xi32, #tpu.memory_space<vmem>>
      %dma_wait3A_142 = tpu.memref_squeeze %dma_wait3A_141 : memref<1x1x128xi32, #tpu.memory_space<vmem>> -> memref<128xi32, #tpu.memory_space<vmem>>
      %dma_wait3A_143 = arith.constant 0 : i32
      %dma_wait3A_144 = arith.constant 0 : i32
      %dma_wait3A_145 = tpu.memref_slice %arg2[%dma_wait3A_143, %dma_wait3A_144] : memref<10240x128xf32, #tpu.memory_space<hbm>> -> memref<10240x128xf32, #tpu.memory_space<hbm>>
      tpu.wait_indirect_dma semaphore(%arg11 : memref<!tpu.dma_semaphore, #tpu.memory_space<semaphore_mem>>) src(%dma_wait3A_145 : memref<10240x128xf32, #tpu.memory_space<hbm>>) dst(%arg7 : memref<128x128xf32, #tpu.memory_space<vmem>>)
      %run_scoped3A_146 = arith.constant 2 : i32
      %run_scoped3A_147 = arith.constant 1 : i32
      "tpu.region"() ({
        %run_scoped3A_380 = tpu.sem_alloc : memref<!tpu.dma_semaphore, #tpu.memory_space<semaphore_mem>>
        %dma_start3A_381 = arith.constant 0 : i32
        %dma_start3A_382 = tpu.memref_slice %arg5[%run_scoped3A_146, %run_scoped3A_147, %dma_start3A_381] : memref<8x2x128xi32, #tpu.memory_space<vmem>> -> memref<1x1x128xi32, #tpu.memory_space<vmem>>
        %dma_start3A_383 = tpu.memref_squeeze %dma_start3A_382 : memref<1x1x128xi32, #tpu.memory_space<vmem>> -> memref<128xi32, #tpu.memory_space<vmem>>
        %dma_start3A_384 = arith.constant 0 : i32
        %dma_start3A_385 = arith.constant 0 : i32
        %dma_start3A_386 = tpu.memref_slice %arg9[%dma_start3A_384, %dma_start3A_385] : memref<10240x128xf32, #tpu.memory_space<vmem_shared>> -> memref<10240x128xf32, #tpu.memory_space<vmem_shared>>
        tpu.enqueue_indirect_dma source(%arg7 : memref<128x128xf32, #tpu.memory_space<vmem>>) target(%dma_start3A_386 : memref<10240x128xf32, #tpu.memory_space<vmem_shared>>) offsets(%dma_start3A_383 : memref<128xi32, #tpu.memory_space<vmem>>) semaphore(%run_scoped3A_380 : memref<!tpu.dma_semaphore, #tpu.memory_space<semaphore_mem>>) {add = true}
        %dma_wait3A_387 = arith.constant 0 : i32
        %dma_wait3A_388 = tpu.memref_slice %arg5[%run_scoped3A_146, %run_scoped3A_147, %dma_wait3A_387] : memref<8x2x128xi32, #tpu.memory_space<vmem>> -> memref<1x1x128xi32, #tpu.memory_space<vmem>>
        %dma_wait3A_389 = tpu.memref_squeeze %dma_wait3A_388 : memref<1x1x128xi32, #tpu.memory_space<vmem>> -> memref<128xi32, #tpu.memory_space<vmem>>
        %dma_wait3A_390 = arith.constant 0 : i32
        %dma_wait3A_391 = arith.constant 0 : i32
        %dma_wait3A_392 = tpu.memref_slice %arg9[%dma_wait3A_390, %dma_wait3A_391] : memref<10240x128xf32, #tpu.memory_space<vmem_shared>> -> memref<10240x128xf32, #tpu.memory_space<vmem_shared>>
        tpu.wait_indirect_dma semaphore(%run_scoped3A_380 : memref<!tpu.dma_semaphore, #tpu.memory_space<semaphore_mem>>) src(%arg7 : memref<128x128xf32, #tpu.memory_space<vmem>>) dst(%dma_wait3A_392 : memref<10240x128xf32, #tpu.memory_space<vmem_shared>>)
        tpu.yield
      }) : () -> ()
      %dma_start3A_148 = arith.constant 4 : i32
      %dma_start3A_149 = arith.constant 0 : i32
      %dma_start3A_150 = arith.constant 0 : i32
      %dma_start3A_151 = tpu.memref_slice %arg5[%dma_start3A_148, %dma_start3A_149, %dma_start3A_150] : memref<8x2x128xi32, #tpu.memory_space<vmem>> -> memref<1x1x128xi32, #tpu.memory_space<vmem>>
      %dma_start3A_152 = tpu.memref_squeeze %dma_start3A_151 : memref<1x1x128xi32, #tpu.memory_space<vmem>> -> memref<128xi32, #tpu.memory_space<vmem>>
      %dma_start3A_153 = arith.constant 0 : i32
      %dma_start3A_154 = arith.constant 0 : i32
      %dma_start3A_155 = tpu.memref_slice %arg2[%dma_start3A_153, %dma_start3A_154] : memref<10240x128xf32, #tpu.memory_space<hbm>> -> memref<10240x128xf32, #tpu.memory_space<hbm>>
      tpu.enqueue_indirect_dma source(%dma_start3A_155 : memref<10240x128xf32, #tpu.memory_space<hbm>>) target(%arg7 : memref<128x128xf32, #tpu.memory_space<vmem>>) offsets(%dma_start3A_152 : memref<128xi32, #tpu.memory_space<vmem>>) semaphore(%arg11 : memref<!tpu.dma_semaphore, #tpu.memory_space<semaphore_mem>>)
      %dma_wait3A_156 = arith.constant 3 : i32
      %dma_wait3A_157 = arith.constant 0 : i32
      %dma_wait3A_158 = arith.constant 0 : i32
      %dma_wait3A_159 = tpu.memref_slice %arg5[%dma_wait3A_156, %dma_wait3A_157, %dma_wait3A_158] : memref<8x2x128xi32, #tpu.memory_space<vmem>> -> memref<1x1x128xi32, #tpu.memory_space<vmem>>
      %dma_wait3A_160 = tpu.memref_squeeze %dma_wait3A_159 : memref<1x1x128xi32, #tpu.memory_space<vmem>> -> memref<128xi32, #tpu.memory_space<vmem>>
      %dma_wait3A_161 = arith.constant 0 : i32
      %dma_wait3A_162 = arith.constant 0 : i32
      %dma_wait3A_163 = tpu.memref_slice %arg2[%dma_wait3A_161, %dma_wait3A_162] : memref<10240x128xf32, #tpu.memory_space<hbm>> -> memref<10240x128xf32, #tpu.memory_space<hbm>>
      tpu.wait_indirect_dma semaphore(%arg12 : memref<!tpu.dma_semaphore, #tpu.memory_space<semaphore_mem>>) src(%dma_wait3A_163 : memref<10240x128xf32, #tpu.memory_space<hbm>>) dst(%arg8 : memref<128x128xf32, #tpu.memory_space<vmem>>)
      %run_scoped3A_164 = arith.constant 3 : i32
      %run_scoped3A_165 = arith.constant 1 : i32
      "tpu.region"() ({
        %run_scoped3A_380 = tpu.sem_alloc : memref<!tpu.dma_semaphore, #tpu.memory_space<semaphore_mem>>
        %dma_start3A_381 = arith.constant 0 : i32
        %dma_start3A_382 = tpu.memref_slice %arg5[%run_scoped3A_164, %run_scoped3A_165, %dma_start3A_381] : memref<8x2x128xi32, #tpu.memory_space<vmem>> -> memref<1x1x128xi32, #tpu.memory_space<vmem>>
        %dma_start3A_383 = tpu.memref_squeeze %dma_start3A_382 : memref<1x1x128xi32, #tpu.memory_space<vmem>> -> memref<128xi32, #tpu.memory_space<vmem>>
        %dma_start3A_384 = arith.constant 0 : i32
        %dma_start3A_385 = arith.constant 0 : i32
        %dma_start3A_386 = tpu.memref_slice %arg9[%dma_start3A_384, %dma_start3A_385] : memref<10240x128xf32, #tpu.memory_space<vmem_shared>> -> memref<10240x128xf32, #tpu.memory_space<vmem_shared>>
        tpu.enqueue_indirect_dma source(%arg8 : memref<128x128xf32, #tpu.memory_space<vmem>>) target(%dma_start3A_386 : memref<10240x128xf32, #tpu.memory_space<vmem_shared>>) offsets(%dma_start3A_383 : memref<128xi32, #tpu.memory_space<vmem>>) semaphore(%run_scoped3A_380 : memref<!tpu.dma_semaphore, #tpu.memory_space<semaphore_mem>>) {add = true}
        %dma_wait3A_387 = arith.constant 0 : i32
        %dma_wait3A_388 = tpu.memref_slice %arg5[%run_scoped3A_164, %run_scoped3A_165, %dma_wait3A_387] : memref<8x2x128xi32, #tpu.memory_space<vmem>> -> memref<1x1x128xi32, #tpu.memory_space<vmem>>
        %dma_wait3A_389 = tpu.memref_squeeze %dma_wait3A_388 : memref<1x1x128xi32, #tpu.memory_space<vmem>> -> memref<128xi32, #tpu.memory_space<vmem>>
        %dma_wait3A_390 = arith.constant 0 : i32
        %dma_wait3A_391 = arith.constant 0 : i32
        %dma_wait3A_392 = tpu.memref_slice %arg9[%dma_wait3A_390, %dma_wait3A_391] : memref<10240x128xf32, #tpu.memory_space<vmem_shared>> -> memref<10240x128xf32, #tpu.memory_space<vmem_shared>>
        tpu.wait_indirect_dma semaphore(%run_scoped3A_380 : memref<!tpu.dma_semaphore, #tpu.memory_space<semaphore_mem>>) src(%arg8 : memref<128x128xf32, #tpu.memory_space<vmem>>) dst(%dma_wait3A_392 : memref<10240x128xf32, #tpu.memory_space<vmem_shared>>)
        tpu.yield
      }) : () -> ()
      %dma_start3A_166 = arith.constant 5 : i32
      %dma_start3A_167 = arith.constant 0 : i32
      %dma_start3A_168 = arith.constant 0 : i32
      %dma_start3A_169 = tpu.memref_slice %arg5[%dma_start3A_166, %dma_start3A_167, %dma_start3A_168] : memref<8x2x128xi32, #tpu.memory_space<vmem>> -> memref<1x1x128xi32, #tpu.memory_space<vmem>>
      %dma_start3A_170 = tpu.memref_squeeze %dma_start3A_169 : memref<1x1x128xi32, #tpu.memory_space<vmem>> -> memref<128xi32, #tpu.memory_space<vmem>>
      %dma_start3A_171 = arith.constant 0 : i32
      %dma_start3A_172 = arith.constant 0 : i32
      %dma_start3A_173 = tpu.memref_slice %arg2[%dma_start3A_171, %dma_start3A_172] : memref<10240x128xf32, #tpu.memory_space<hbm>> -> memref<10240x128xf32, #tpu.memory_space<hbm>>
      tpu.enqueue_indirect_dma source(%dma_start3A_173 : memref<10240x128xf32, #tpu.memory_space<hbm>>) target(%arg8 : memref<128x128xf32, #tpu.memory_space<vmem>>) offsets(%dma_start3A_170 : memref<128xi32, #tpu.memory_space<vmem>>) semaphore(%arg12 : memref<!tpu.dma_semaphore, #tpu.memory_space<semaphore_mem>>)
      %dma_wait3A_174 = arith.constant 4 : i32
      %dma_wait3A_175 = arith.constant 0 : i32
      %dma_wait3A_176 = arith.constant 0 : i32
      %dma_wait3A_177 = tpu.memref_slice %arg5[%dma_wait3A_174, %dma_wait3A_175, %dma_wait3A_176] : memref<8x2x128xi32, #tpu.memory_space<vmem>> -> memref<1x1x128xi32, #tpu.memory_space<vmem>>
      %dma_wait3A_178 = tpu.memref_squeeze %dma_wait3A_177 : memref<1x1x128xi32, #tpu.memory_space<vmem>> -> memref<128xi32, #tpu.memory_space<vmem>>
      %dma_wait3A_179 = arith.constant 0 : i32
      %dma_wait3A_180 = arith.constant 0 : i32
      %dma_wait3A_181 = tpu.memref_slice %arg2[%dma_wait3A_179, %dma_wait3A_180] : memref<10240x128xf32, #tpu.memory_space<hbm>> -> memref<10240x128xf32, #tpu.memory_space<hbm>>
      tpu.wait_indirect_dma semaphore(%arg11 : memref<!tpu.dma_semaphore, #tpu.memory_space<semaphore_mem>>) src(%dma_wait3A_181 : memref<10240x128xf32, #tpu.memory_space<hbm>>) dst(%arg7 : memref<128x128xf32, #tpu.memory_space<vmem>>)
      %run_scoped3A_182 = arith.constant 4 : i32
      %run_scoped3A_183 = arith.constant 1 : i32
      "tpu.region"() ({
        %run_scoped3A_380 = tpu.sem_alloc : memref<!tpu.dma_semaphore, #tpu.memory_space<semaphore_mem>>
        %dma_start3A_381 = arith.constant 0 : i32
        %dma_start3A_382 = tpu.memref_slice %arg5[%run_scoped3A_182, %run_scoped3A_183, %dma_start3A_381] : memref<8x2x128xi32, #tpu.memory_space<vmem>> -> memref<1x1x128xi32, #tpu.memory_space<vmem>>
        %dma_start3A_383 = tpu.memref_squeeze %dma_start3A_382 : memref<1x1x128xi32, #tpu.memory_space<vmem>> -> memref<128xi32, #tpu.memory_space<vmem>>
        %dma_start3A_384 = arith.constant 0 : i32
        %dma_start3A_385 = arith.constant 0 : i32
        %dma_start3A_386 = tpu.memref_slice %arg9[%dma_start3A_384, %dma_start3A_385] : memref<10240x128xf32, #tpu.memory_space<vmem_shared>> -> memref<10240x128xf32, #tpu.memory_space<vmem_shared>>
        tpu.enqueue_indirect_dma source(%arg7 : memref<128x128xf32, #tpu.memory_space<vmem>>) target(%dma_start3A_386 : memref<10240x128xf32, #tpu.memory_space<vmem_shared>>) offsets(%dma_start3A_383 : memref<128xi32, #tpu.memory_space<vmem>>) semaphore(%run_scoped3A_380 : memref<!tpu.dma_semaphore, #tpu.memory_space<semaphore_mem>>) {add = true}
        %dma_wait3A_387 = arith.constant 0 : i32
        %dma_wait3A_388 = tpu.memref_slice %arg5[%run_scoped3A_182, %run_scoped3A_183, %dma_wait3A_387] : memref<8x2x128xi32, #tpu.memory_space<vmem>> -> memref<1x1x128xi32, #tpu.memory_space<vmem>>
        %dma_wait3A_389 = tpu.memref_squeeze %dma_wait3A_388 : memref<1x1x128xi32, #tpu.memory_space<vmem>> -> memref<128xi32, #tpu.memory_space<vmem>>
        %dma_wait3A_390 = arith.constant 0 : i32
        %dma_wait3A_391 = arith.constant 0 : i32
        %dma_wait3A_392 = tpu.memref_slice %arg9[%dma_wait3A_390, %dma_wait3A_391] : memref<10240x128xf32, #tpu.memory_space<vmem_shared>> -> memref<10240x128xf32, #tpu.memory_space<vmem_shared>>
        tpu.wait_indirect_dma semaphore(%run_scoped3A_380 : memref<!tpu.dma_semaphore, #tpu.memory_space<semaphore_mem>>) src(%arg7 : memref<128x128xf32, #tpu.memory_space<vmem>>) dst(%dma_wait3A_392 : memref<10240x128xf32, #tpu.memory_space<vmem_shared>>)
        tpu.yield
      }) : () -> ()
      %dma_start3A_184 = arith.constant 6 : i32
      %dma_start3A_185 = arith.constant 0 : i32
      %dma_start3A_186 = arith.constant 0 : i32
      %dma_start3A_187 = tpu.memref_slice %arg5[%dma_start3A_184, %dma_start3A_185, %dma_start3A_186] : memref<8x2x128xi32, #tpu.memory_space<vmem>> -> memref<1x1x128xi32, #tpu.memory_space<vmem>>
      %dma_start3A_188 = tpu.memref_squeeze %dma_start3A_187 : memref<1x1x128xi32, #tpu.memory_space<vmem>> -> memref<128xi32, #tpu.memory_space<vmem>>
      %dma_start3A_189 = arith.constant 0 : i32
      %dma_start3A_190 = arith.constant 0 : i32
      %dma_start3A_191 = tpu.memref_slice %arg2[%dma_start3A_189, %dma_start3A_190] : memref<10240x128xf32, #tpu.memory_space<hbm>> -> memref<10240x128xf32, #tpu.memory_space<hbm>>
      tpu.enqueue_indirect_dma source(%dma_start3A_191 : memref<10240x128xf32, #tpu.memory_space<hbm>>) target(%arg7 : memref<128x128xf32, #tpu.memory_space<vmem>>) offsets(%dma_start3A_188 : memref<128xi32, #tpu.memory_space<vmem>>) semaphore(%arg11 : memref<!tpu.dma_semaphore, #tpu.memory_space<semaphore_mem>>)
      %dma_wait3A_192 = arith.constant 5 : i32
      %dma_wait3A_193 = arith.constant 0 : i32
      %dma_wait3A_194 = arith.constant 0 : i32
      %dma_wait3A_195 = tpu.memref_slice %arg5[%dma_wait3A_192, %dma_wait3A_193, %dma_wait3A_194] : memref<8x2x128xi32, #tpu.memory_space<vmem>> -> memref<1x1x128xi32, #tpu.memory_space<vmem>>
      %dma_wait3A_196 = tpu.memref_squeeze %dma_wait3A_195 : memref<1x1x128xi32, #tpu.memory_space<vmem>> -> memref<128xi32, #tpu.memory_space<vmem>>
      %dma_wait3A_197 = arith.constant 0 : i32
      %dma_wait3A_198 = arith.constant 0 : i32
      %dma_wait3A_199 = tpu.memref_slice %arg2[%dma_wait3A_197, %dma_wait3A_198] : memref<10240x128xf32, #tpu.memory_space<hbm>> -> memref<10240x128xf32, #tpu.memory_space<hbm>>
      tpu.wait_indirect_dma semaphore(%arg12 : memref<!tpu.dma_semaphore, #tpu.memory_space<semaphore_mem>>) src(%dma_wait3A_199 : memref<10240x128xf32, #tpu.memory_space<hbm>>) dst(%arg8 : memref<128x128xf32, #tpu.memory_space<vmem>>)
      %run_scoped3A_200 = arith.constant 5 : i32
      %run_scoped3A_201 = arith.constant 1 : i32
      "tpu.region"() ({
        %run_scoped3A_380 = tpu.sem_alloc : memref<!tpu.dma_semaphore, #tpu.memory_space<semaphore_mem>>
        %dma_start3A_381 = arith.constant 0 : i32
        %dma_start3A_382 = tpu.memref_slice %arg5[%run_scoped3A_200, %run_scoped3A_201, %dma_start3A_381] : memref<8x2x128xi32, #tpu.memory_space<vmem>> -> memref<1x1x128xi32, #tpu.memory_space<vmem>>
        %dma_start3A_383 = tpu.memref_squeeze %dma_start3A_382 : memref<1x1x128xi32, #tpu.memory_space<vmem>> -> memref<128xi32, #tpu.memory_space<vmem>>
        %dma_start3A_384 = arith.constant 0 : i32
        %dma_start3A_385 = arith.constant 0 : i32
        %dma_start3A_386 = tpu.memref_slice %arg9[%dma_start3A_384, %dma_start3A_385] : memref<10240x128xf32, #tpu.memory_space<vmem_shared>> -> memref<10240x128xf32, #tpu.memory_space<vmem_shared>>
        tpu.enqueue_indirect_dma source(%arg8 : memref<128x128xf32, #tpu.memory_space<vmem>>) target(%dma_start3A_386 : memref<10240x128xf32, #tpu.memory_space<vmem_shared>>) offsets(%dma_start3A_383 : memref<128xi32, #tpu.memory_space<vmem>>) semaphore(%run_scoped3A_380 : memref<!tpu.dma_semaphore, #tpu.memory_space<semaphore_mem>>) {add = true}
        %dma_wait3A_387 = arith.constant 0 : i32
        %dma_wait3A_388 = tpu.memref_slice %arg5[%run_scoped3A_200, %run_scoped3A_201, %dma_wait3A_387] : memref<8x2x128xi32, #tpu.memory_space<vmem>> -> memref<1x1x128xi32, #tpu.memory_space<vmem>>
        %dma_wait3A_389 = tpu.memref_squeeze %dma_wait3A_388 : memref<1x1x128xi32, #tpu.memory_space<vmem>> -> memref<128xi32, #tpu.memory_space<vmem>>
        %dma_wait3A_390 = arith.constant 0 : i32
        %dma_wait3A_391 = arith.constant 0 : i32
        %dma_wait3A_392 = tpu.memref_slice %arg9[%dma_wait3A_390, %dma_wait3A_391] : memref<10240x128xf32, #tpu.memory_space<vmem_shared>> -> memref<10240x128xf32, #tpu.memory_space<vmem_shared>>
        tpu.wait_indirect_dma semaphore(%run_scoped3A_380 : memref<!tpu.dma_semaphore, #tpu.memory_space<semaphore_mem>>) src(%arg8 : memref<128x128xf32, #tpu.memory_space<vmem>>) dst(%dma_wait3A_392 : memref<10240x128xf32, #tpu.memory_space<vmem_shared>>)
        tpu.yield
      }) : () -> ()
      %dma_start3A_202 = arith.constant 7 : i32
      %dma_start3A_203 = arith.constant 0 : i32
      %dma_start3A_204 = arith.constant 0 : i32
      %dma_start3A_205 = tpu.memref_slice %arg5[%dma_start3A_202, %dma_start3A_203, %dma_start3A_204] : memref<8x2x128xi32, #tpu.memory_space<vmem>> -> memref<1x1x128xi32, #tpu.memory_space<vmem>>
      %dma_start3A_206 = tpu.memref_squeeze %dma_start3A_205 : memref<1x1x128xi32, #tpu.memory_space<vmem>> -> memref<128xi32, #tpu.memory_space<vmem>>
      %dma_start3A_207 = arith.constant 0 : i32
      %dma_start3A_208 = arith.constant 0 : i32
      %dma_start3A_209 = tpu.memref_slice %arg2[%dma_start3A_207, %dma_start3A_208] : memref<10240x128xf32, #tpu.memory_space<hbm>> -> memref<10240x128xf32, #tpu.memory_space<hbm>>
      tpu.enqueue_indirect_dma source(%dma_start3A_209 : memref<10240x128xf32, #tpu.memory_space<hbm>>) target(%arg8 : memref<128x128xf32, #tpu.memory_space<vmem>>) offsets(%dma_start3A_206 : memref<128xi32, #tpu.memory_space<vmem>>) semaphore(%arg12 : memref<!tpu.dma_semaphore, #tpu.memory_space<semaphore_mem>>)
      %dma_wait3A_210 = arith.constant 6 : i32
      %dma_wait3A_211 = arith.constant 0 : i32
      %dma_wait3A_212 = arith.constant 0 : i32
      %dma_wait3A_213 = tpu.memref_slice %arg5[%dma_wait3A_210, %dma_wait3A_211, %dma_wait3A_212] : memref<8x2x128xi32, #tpu.memory_space<vmem>> -> memref<1x1x128xi32, #tpu.memory_space<vmem>>
      %dma_wait3A_214 = tpu.memref_squeeze %dma_wait3A_213 : memref<1x1x128xi32, #tpu.memory_space<vmem>> -> memref<128xi32, #tpu.memory_space<vmem>>
      %dma_wait3A_215 = arith.constant 0 : i32
      %dma_wait3A_216 = arith.constant 0 : i32
      %dma_wait3A_217 = tpu.memref_slice %arg2[%dma_wait3A_215, %dma_wait3A_216] : memref<10240x128xf32, #tpu.memory_space<hbm>> -> memref<10240x128xf32, #tpu.memory_space<hbm>>
      tpu.wait_indirect_dma semaphore(%arg11 : memref<!tpu.dma_semaphore, #tpu.memory_space<semaphore_mem>>) src(%dma_wait3A_217 : memref<10240x128xf32, #tpu.memory_space<hbm>>) dst(%arg7 : memref<128x128xf32, #tpu.memory_space<vmem>>)
      %run_scoped3A_218 = arith.constant 6 : i32
      %run_scoped3A_219 = arith.constant 1 : i32
      "tpu.region"() ({
        %run_scoped3A_380 = tpu.sem_alloc : memref<!tpu.dma_semaphore, #tpu.memory_space<semaphore_mem>>
        %dma_start3A_381 = arith.constant 0 : i32
        %dma_start3A_382 = tpu.memref_slice %arg5[%run_scoped3A_218, %run_scoped3A_219, %dma_start3A_381] : memref<8x2x128xi32, #tpu.memory_space<vmem>> -> memref<1x1x128xi32, #tpu.memory_space<vmem>>
        %dma_start3A_383 = tpu.memref_squeeze %dma_start3A_382 : memref<1x1x128xi32, #tpu.memory_space<vmem>> -> memref<128xi32, #tpu.memory_space<vmem>>
        %dma_start3A_384 = arith.constant 0 : i32
        %dma_start3A_385 = arith.constant 0 : i32
        %dma_start3A_386 = tpu.memref_slice %arg9[%dma_start3A_384, %dma_start3A_385] : memref<10240x128xf32, #tpu.memory_space<vmem_shared>> -> memref<10240x128xf32, #tpu.memory_space<vmem_shared>>
        tpu.enqueue_indirect_dma source(%arg7 : memref<128x128xf32, #tpu.memory_space<vmem>>) target(%dma_start3A_386 : memref<10240x128xf32, #tpu.memory_space<vmem_shared>>) offsets(%dma_start3A_383 : memref<128xi32, #tpu.memory_space<vmem>>) semaphore(%run_scoped3A_380 : memref<!tpu.dma_semaphore, #tpu.memory_space<semaphore_mem>>) {add = true}
        %dma_wait3A_387 = arith.constant 0 : i32
        %dma_wait3A_388 = tpu.memref_slice %arg5[%run_scoped3A_218, %run_scoped3A_219, %dma_wait3A_387] : memref<8x2x128xi32, #tpu.memory_space<vmem>> -> memref<1x1x128xi32, #tpu.memory_space<vmem>>
        %dma_wait3A_389 = tpu.memref_squeeze %dma_wait3A_388 : memref<1x1x128xi32, #tpu.memory_space<vmem>> -> memref<128xi32, #tpu.memory_space<vmem>>
        %dma_wait3A_390 = arith.constant 0 : i32
        %dma_wait3A_391 = arith.constant 0 : i32
        %dma_wait3A_392 = tpu.memref_slice %arg9[%dma_wait3A_390, %dma_wait3A_391] : memref<10240x128xf32, #tpu.memory_space<vmem_shared>> -> memref<10240x128xf32, #tpu.memory_space<vmem_shared>>
        tpu.wait_indirect_dma semaphore(%run_scoped3A_380 : memref<!tpu.dma_semaphore, #tpu.memory_space<semaphore_mem>>) src(%arg7 : memref<128x128xf32, #tpu.memory_space<vmem>>) dst(%dma_wait3A_392 : memref<10240x128xf32, #tpu.memory_space<vmem_shared>>)
        tpu.yield
      }) : () -> ()
      %convert_element_type3A = arith.extui %lt3A : i1 to i32
      %cond3A = arith.constant 0 : i32
      %cond3A_220 = arith.cmpi ne, %convert_element_type3A, %cond3A : i32
      scf.if %cond3A_220 {
        %dma_wait3A_380 = arith.constant 0 : i32
        %dma_wait3A_381 = arith.constant 0 : i32
        %dma_wait3A_382 = arith.constant 0 : i32
        %dma_wait3A_383 = tpu.memref_slice %arg3[%arg1, %dma_wait3A_380, %dma_wait3A_381, %dma_wait3A_382] : memref<16x160x2x128xi32, #tpu.memory_space<hbm>> -> memref<1x8x2x128xi32, #tpu.memory_space<hbm>>
        %dma_wait3A_384 = tpu.memref_squeeze %dma_wait3A_383 : memref<1x8x2x128xi32, #tpu.memory_space<hbm>> -> memref<8x2x128xi32, #tpu.memory_space<hbm>>
        %dma_wait3A_385 = arith.constant 0 : i32
        %dma_wait3A_386 = arith.constant 0 : i32
        %dma_wait3A_387 = arith.constant 0 : i32
        %dma_wait3A_388 = tpu.memref_slice %arg3[%arg1, %dma_wait3A_385, %dma_wait3A_386, %dma_wait3A_387] : memref<16x160x2x128xi32, #tpu.memory_space<hbm>> -> memref<1x8x2x128xi32, #tpu.memory_space<hbm>>
        %dma_wait3A_389 = tpu.memref_squeeze %dma_wait3A_388 : memref<1x8x2x128xi32, #tpu.memory_space<hbm>> -> memref<8x2x128xi32, #tpu.memory_space<hbm>>
        tpu.wait_dma2 semaphore(%arg10 : memref<!tpu.dma_semaphore, #tpu.memory_space<semaphore_mem>>) src(%dma_wait3A_389 : memref<8x2x128xi32, #tpu.memory_space<hbm>>) dst(%arg6 : memref<8x2x128xi32, #tpu.memory_space<vmem>>)
        %dma_start3A_390 = arith.constant 0 : i32
        %dma_start3A_391 = arith.constant 0 : i32
        %dma_start3A_392 = arith.constant 0 : i32
        %dma_start3A_393 = tpu.memref_slice %arg6[%dma_start3A_390, %dma_start3A_391, %dma_start3A_392] : memref<8x2x128xi32, #tpu.memory_space<vmem>> -> memref<1x1x128xi32, #tpu.memory_space<vmem>>
        %dma_start3A_394 = tpu.memref_squeeze %dma_start3A_393 : memref<1x1x128xi32, #tpu.memory_space<vmem>> -> memref<128xi32, #tpu.memory_space<vmem>>
        %dma_start3A_395 = arith.constant 0 : i32
        %dma_start3A_396 = arith.constant 0 : i32
        %dma_start3A_397 = tpu.memref_slice %arg2[%dma_start3A_395, %dma_start3A_396] : memref<10240x128xf32, #tpu.memory_space<hbm>> -> memref<10240x128xf32, #tpu.memory_space<hbm>>
        tpu.enqueue_indirect_dma source(%dma_start3A_397 : memref<10240x128xf32, #tpu.memory_space<hbm>>) target(%arg7 : memref<128x128xf32, #tpu.memory_space<vmem>>) offsets(%dma_start3A_394 : memref<128xi32, #tpu.memory_space<vmem>>) semaphore(%arg11 : memref<!tpu.dma_semaphore, #tpu.memory_space<semaphore_mem>>)
      } else {
      }
      %dma_wait3A_221 = arith.constant 7 : i32
      %dma_wait3A_222 = arith.constant 0 : i32
      %dma_wait3A_223 = arith.constant 0 : i32
      %dma_wait3A_224 = tpu.memref_slice %arg5[%dma_wait3A_221, %dma_wait3A_222, %dma_wait3A_223] : memref<8x2x128xi32, #tpu.memory_space<vmem>> -> memref<1x1x128xi32, #tpu.memory_space<vmem>>
      %dma_wait3A_225 = tpu.memref_squeeze %dma_wait3A_224 : memref<1x1x128xi32, #tpu.memory_space<vmem>> -> memref<128xi32, #tpu.memory_space<vmem>>
      %dma_wait3A_226 = arith.constant 0 : i32
      %dma_wait3A_227 = arith.constant 0 : i32
      %dma_wait3A_228 = tpu.memref_slice %arg2[%dma_wait3A_226, %dma_wait3A_227] : memref<10240x128xf32, #tpu.memory_space<hbm>> -> memref<10240x128xf32, #tpu.memory_space<hbm>>
      tpu.wait_indirect_dma semaphore(%arg12 : memref<!tpu.dma_semaphore, #tpu.memory_space<semaphore_mem>>) src(%dma_wait3A_228 : memref<10240x128xf32, #tpu.memory_space<hbm>>) dst(%arg8 : memref<128x128xf32, #tpu.memory_space<vmem>>)
      %run_scoped3A_229 = arith.constant 7 : i32
      %run_scoped3A_230 = arith.constant 1 : i32
      "tpu.region"() ({
        %run_scoped3A_380 = tpu.sem_alloc : memref<!tpu.dma_semaphore, #tpu.memory_space<semaphore_mem>>
        %dma_start3A_381 = arith.constant 0 : i32
        %dma_start3A_382 = tpu.memref_slice %arg5[%run_scoped3A_229, %run_scoped3A_230, %dma_start3A_381] : memref<8x2x128xi32, #tpu.memory_space<vmem>> -> memref<1x1x128xi32, #tpu.memory_space<vmem>>
        %dma_start3A_383 = tpu.memref_squeeze %dma_start3A_382 : memref<1x1x128xi32, #tpu.memory_space<vmem>> -> memref<128xi32, #tpu.memory_space<vmem>>
        %dma_start3A_384 = arith.constant 0 : i32
        %dma_start3A_385 = arith.constant 0 : i32
        %dma_start3A_386 = tpu.memref_slice %arg9[%dma_start3A_384, %dma_start3A_385] : memref<10240x128xf32, #tpu.memory_space<vmem_shared>> -> memref<10240x128xf32, #tpu.memory_space<vmem_shared>>
        tpu.enqueue_indirect_dma source(%arg8 : memref<128x128xf32, #tpu.memory_space<vmem>>) target(%dma_start3A_386 : memref<10240x128xf32, #tpu.memory_space<vmem_shared>>) offsets(%dma_start3A_383 : memref<128xi32, #tpu.memory_space<vmem>>) semaphore(%run_scoped3A_380 : memref<!tpu.dma_semaphore, #tpu.memory_space<semaphore_mem>>) {add = true}
        %dma_wait3A_387 = arith.constant 0 : i32
        %dma_wait3A_388 = tpu.memref_slice %arg5[%run_scoped3A_229, %run_scoped3A_230, %dma_wait3A_387] : memref<8x2x128xi32, #tpu.memory_space<vmem>> -> memref<1x1x128xi32, #tpu.memory_space<vmem>>
        %dma_wait3A_389 = tpu.memref_squeeze %dma_wait3A_388 : memref<1x1x128xi32, #tpu.memory_space<vmem>> -> memref<128xi32, #tpu.memory_space<vmem>>
        %dma_wait3A_390 = arith.constant 0 : i32
        %dma_wait3A_391 = arith.constant 0 : i32
        %dma_wait3A_392 = tpu.memref_slice %arg9[%dma_wait3A_390, %dma_wait3A_391] : memref<10240x128xf32, #tpu.memory_space<vmem_shared>> -> memref<10240x128xf32, #tpu.memory_space<vmem_shared>>
        tpu.wait_indirect_dma semaphore(%run_scoped3A_380 : memref<!tpu.dma_semaphore, #tpu.memory_space<semaphore_mem>>) src(%arg8 : memref<128x128xf32, #tpu.memory_space<vmem>>) dst(%dma_wait3A_392 : memref<10240x128xf32, #tpu.memory_space<vmem_shared>>)
        tpu.yield
      }) : () -> ()
      %convert_element_type3A_231 = arith.extui %lt3A : i1 to i32
      %cond3A_232 = arith.constant 0 : i32
      %cond3A_233 = arith.cmpi ne, %convert_element_type3A_231, %cond3A_232 : i32
      scf.if %cond3A_233 {
        %dma_start3A_380 = arith.constant 1 : i32
        %dma_start3A_381 = arith.constant 0 : i32
        %dma_start3A_382 = arith.constant 0 : i32
        %dma_start3A_383 = tpu.memref_slice %arg6[%dma_start3A_380, %dma_start3A_381, %dma_start3A_382] : memref<8x2x128xi32, #tpu.memory_space<vmem>> -> memref<1x1x128xi32, #tpu.memory_space<vmem>>
        %dma_start3A_384 = tpu.memref_squeeze %dma_start3A_383 : memref<1x1x128xi32, #tpu.memory_space<vmem>> -> memref<128xi32, #tpu.memory_space<vmem>>
        %dma_start3A_385 = arith.constant 0 : i32
        %dma_start3A_386 = arith.constant 0 : i32
        %dma_start3A_387 = tpu.memref_slice %arg2[%dma_start3A_385, %dma_start3A_386] : memref<10240x128xf32, #tpu.memory_space<hbm>> -> memref<10240x128xf32, #tpu.memory_space<hbm>>
        tpu.enqueue_indirect_dma source(%dma_start3A_387 : memref<10240x128xf32, #tpu.memory_space<hbm>>) target(%arg8 : memref<128x128xf32, #tpu.memory_space<vmem>>) offsets(%dma_start3A_384 : memref<128xi32, #tpu.memory_space<vmem>>) semaphore(%arg12 : memref<!tpu.dma_semaphore, #tpu.memory_space<semaphore_mem>>)
      } else {
      }
      %convert_element_type3A_234 = arith.extui %lt3A_103 : i1 to i32
      %cond3A_235 = arith.constant 0 : i32
      %cond3A_236 = arith.cmpi ne, %convert_element_type3A_234, %cond3A_235 : i32
      scf.if %cond3A_236 {
        %add3A_380 = arith.constant 2 : i32
        %add3A_381 = arith.addi %add3A_96, %add3A_380 : i32
        %mul3A_382 = arith.constant 8 : i32
        %mul3A_383 = arith.muli %add3A_381, %mul3A_382 : i32
        %dma_start3A_384 = arith.constant 0 : i32
        %dma_start3A_385 = arith.constant 0 : i32
        %dma_start3A_386 = tpu.memref_slice %arg3[%arg1, %mul3A_383, %dma_start3A_384, %dma_start3A_385] : memref<16x160x2x128xi32, #tpu.memory_space<hbm>> -> memref<1x8x2x128xi32, #tpu.memory_space<hbm>>
        %dma_start3A_387 = tpu.memref_squeeze %dma_start3A_386 : memref<1x8x2x128xi32, #tpu.memory_space<hbm>> -> memref<8x2x128xi32, #tpu.memory_space<hbm>>
        %dma_start3A_388 = arith.constant 0 : i32
        %dma_start3A_389 = arith.constant 0 : i32
        %dma_start3A_390 = tpu.memref_slice %arg3[%arg1, %mul3A_383, %dma_start3A_388, %dma_start3A_389] : memref<16x160x2x128xi32, #tpu.memory_space<hbm>> -> memref<1x8x2x128xi32, #tpu.memory_space<hbm>>
        %dma_start3A_391 = tpu.memref_squeeze %dma_start3A_390 : memref<1x8x2x128xi32, #tpu.memory_space<hbm>> -> memref<8x2x128xi32, #tpu.memory_space<hbm>>
        tpu.enqueue_dma source(%dma_start3A_391 : memref<8x2x128xi32, #tpu.memory_space<hbm>>) target(%arg5 : memref<8x2x128xi32, #tpu.memory_space<vmem>>) target_semaphore(%arg10 : memref<!tpu.dma_semaphore, #tpu.memory_space<semaphore_mem>>)
      } else {
      }
      %sub3A_237 = arith.constant 1 : i32
      %sub3A_238 = arith.subi %select_n3A_6, %sub3A_237 : i32
      %lt3A_239 = arith.cmpi slt, %add3A_98, %sub3A_238 : i32
      %sub3A_240 = arith.constant 2 : i32
      %sub3A_241 = arith.subi %select_n3A_6, %sub3A_240 : i32
      %lt3A_242 = arith.cmpi slt, %add3A_98, %sub3A_241 : i32
      %dma_wait3A_243 = arith.constant 0 : i32
      %dma_wait3A_244 = arith.constant 0 : i32
      %dma_wait3A_245 = arith.constant 0 : i32
      %dma_wait3A_246 = tpu.memref_slice %arg6[%dma_wait3A_243, %dma_wait3A_244, %dma_wait3A_245] : memref<8x2x128xi32, #tpu.memory_space<vmem>> -> memref<1x1x128xi32, #tpu.memory_space<vmem>>
      %dma_wait3A_247 = tpu.memref_squeeze %dma_wait3A_246 : memref<1x1x128xi32, #tpu.memory_space<vmem>> -> memref<128xi32, #tpu.memory_space<vmem>>
      %dma_wait3A_248 = arith.constant 0 : i32
      %dma_wait3A_249 = arith.constant 0 : i32
      %dma_wait3A_250 = tpu.memref_slice %arg2[%dma_wait3A_248, %dma_wait3A_249] : memref<10240x128xf32, #tpu.memory_space<hbm>> -> memref<10240x128xf32, #tpu.memory_space<hbm>>
      tpu.wait_indirect_dma semaphore(%arg11 : memref<!tpu.dma_semaphore, #tpu.memory_space<semaphore_mem>>) src(%dma_wait3A_250 : memref<10240x128xf32, #tpu.memory_space<hbm>>) dst(%arg7 : memref<128x128xf32, #tpu.memory_space<vmem>>)
      %run_scoped3A_251 = arith.constant 0 : i32
      %run_scoped3A_252 = arith.constant 1 : i32
      "tpu.region"() ({
        %run_scoped3A_380 = tpu.sem_alloc : memref<!tpu.dma_semaphore, #tpu.memory_space<semaphore_mem>>
        %dma_start3A_381 = arith.constant 0 : i32
        %dma_start3A_382 = tpu.memref_slice %arg6[%run_scoped3A_251, %run_scoped3A_252, %dma_start3A_381] : memref<8x2x128xi32, #tpu.memory_space<vmem>> -> memref<1x1x128xi32, #tpu.memory_space<vmem>>
        %dma_start3A_383 = tpu.memref_squeeze %dma_start3A_382 : memref<1x1x128xi32, #tpu.memory_space<vmem>> -> memref<128xi32, #tpu.memory_space<vmem>>
        %dma_start3A_384 = arith.constant 0 : i32
        %dma_start3A_385 = arith.constant 0 : i32
        %dma_start3A_386 = tpu.memref_slice %arg9[%dma_start3A_384, %dma_start3A_385] : memref<10240x128xf32, #tpu.memory_space<vmem_shared>> -> memref<10240x128xf32, #tpu.memory_space<vmem_shared>>
        tpu.enqueue_indirect_dma source(%arg7 : memref<128x128xf32, #tpu.memory_space<vmem>>) target(%dma_start3A_386 : memref<10240x128xf32, #tpu.memory_space<vmem_shared>>) offsets(%dma_start3A_383 : memref<128xi32, #tpu.memory_space<vmem>>) semaphore(%run_scoped3A_380 : memref<!tpu.dma_semaphore, #tpu.memory_space<semaphore_mem>>) {add = true}
        %dma_wait3A_387 = arith.constant 0 : i32
        %dma_wait3A_388 = tpu.memref_slice %arg6[%run_scoped3A_251, %run_scoped3A_252, %dma_wait3A_387] : memref<8x2x128xi32, #tpu.memory_space<vmem>> -> memref<1x1x128xi32, #tpu.memory_space<vmem>>
        %dma_wait3A_389 = tpu.memref_squeeze %dma_wait3A_388 : memref<1x1x128xi32, #tpu.memory_space<vmem>> -> memref<128xi32, #tpu.memory_space<vmem>>
        %dma_wait3A_390 = arith.constant 0 : i32
        %dma_wait3A_391 = arith.constant 0 : i32
        %dma_wait3A_392 = tpu.memref_slice %arg9[%dma_wait3A_390, %dma_wait3A_391] : memref<10240x128xf32, #tpu.memory_space<vmem_shared>> -> memref<10240x128xf32, #tpu.memory_space<vmem_shared>>
        tpu.wait_indirect_dma semaphore(%run_scoped3A_380 : memref<!tpu.dma_semaphore, #tpu.memory_space<semaphore_mem>>) src(%arg7 : memref<128x128xf32, #tpu.memory_space<vmem>>) dst(%dma_wait3A_392 : memref<10240x128xf32, #tpu.memory_space<vmem_shared>>)
        tpu.yield
      }) : () -> ()
      %dma_start3A_253 = arith.constant 2 : i32
      %dma_start3A_254 = arith.constant 0 : i32
      %dma_start3A_255 = arith.constant 0 : i32
      %dma_start3A_256 = tpu.memref_slice %arg6[%dma_start3A_253, %dma_start3A_254, %dma_start3A_255] : memref<8x2x128xi32, #tpu.memory_space<vmem>> -> memref<1x1x128xi32, #tpu.memory_space<vmem>>
      %dma_start3A_257 = tpu.memref_squeeze %dma_start3A_256 : memref<1x1x128xi32, #tpu.memory_space<vmem>> -> memref<128xi32, #tpu.memory_space<vmem>>
      %dma_start3A_258 = arith.constant 0 : i32
      %dma_start3A_259 = arith.constant 0 : i32
      %dma_start3A_260 = tpu.memref_slice %arg2[%dma_start3A_258, %dma_start3A_259] : memref<10240x128xf32, #tpu.memory_space<hbm>> -> memref<10240x128xf32, #tpu.memory_space<hbm>>
      tpu.enqueue_indirect_dma source(%dma_start3A_260 : memref<10240x128xf32, #tpu.memory_space<hbm>>) target(%arg7 : memref<128x128xf32, #tpu.memory_space<vmem>>) offsets(%dma_start3A_257 : memref<128xi32, #tpu.memory_space<vmem>>) semaphore(%arg11 : memref<!tpu.dma_semaphore, #tpu.memory_space<semaphore_mem>>)
      %dma_wait3A_261 = arith.constant 1 : i32
      %dma_wait3A_262 = arith.constant 0 : i32
      %dma_wait3A_263 = arith.constant 0 : i32
      %dma_wait3A_264 = tpu.memref_slice %arg6[%dma_wait3A_261, %dma_wait3A_262, %dma_wait3A_263] : memref<8x2x128xi32, #tpu.memory_space<vmem>> -> memref<1x1x128xi32, #tpu.memory_space<vmem>>
      %dma_wait3A_265 = tpu.memref_squeeze %dma_wait3A_264 : memref<1x1x128xi32, #tpu.memory_space<vmem>> -> memref<128xi32, #tpu.memory_space<vmem>>
      %dma_wait3A_266 = arith.constant 0 : i32
      %dma_wait3A_267 = arith.constant 0 : i32
      %dma_wait3A_268 = tpu.memref_slice %arg2[%dma_wait3A_266, %dma_wait3A_267] : memref<10240x128xf32, #tpu.memory_space<hbm>> -> memref<10240x128xf32, #tpu.memory_space<hbm>>
      tpu.wait_indirect_dma semaphore(%arg12 : memref<!tpu.dma_semaphore, #tpu.memory_space<semaphore_mem>>) src(%dma_wait3A_268 : memref<10240x128xf32, #tpu.memory_space<hbm>>) dst(%arg8 : memref<128x128xf32, #tpu.memory_space<vmem>>)
      %run_scoped3A_269 = arith.constant 1 : i32
      %run_scoped3A_270 = arith.constant 1 : i32
      "tpu.region"() ({
        %run_scoped3A_380 = tpu.sem_alloc : memref<!tpu.dma_semaphore, #tpu.memory_space<semaphore_mem>>
        %dma_start3A_381 = arith.constant 0 : i32
        %dma_start3A_382 = tpu.memref_slice %arg6[%run_scoped3A_269, %run_scoped3A_270, %dma_start3A_381] : memref<8x2x128xi32, #tpu.memory_space<vmem>> -> memref<1x1x128xi32, #tpu.memory_space<vmem>>
        %dma_start3A_383 = tpu.memref_squeeze %dma_start3A_382 : memref<1x1x128xi32, #tpu.memory_space<vmem>> -> memref<128xi32, #tpu.memory_space<vmem>>
        %dma_start3A_384 = arith.constant 0 : i32
        %dma_start3A_385 = arith.constant 0 : i32
        %dma_start3A_386 = tpu.memref_slice %arg9[%dma_start3A_384, %dma_start3A_385] : memref<10240x128xf32, #tpu.memory_space<vmem_shared>> -> memref<10240x128xf32, #tpu.memory_space<vmem_shared>>
        tpu.enqueue_indirect_dma source(%arg8 : memref<128x128xf32, #tpu.memory_space<vmem>>) target(%dma_start3A_386 : memref<10240x128xf32, #tpu.memory_space<vmem_shared>>) offsets(%dma_start3A_383 : memref<128xi32, #tpu.memory_space<vmem>>) semaphore(%run_scoped3A_380 : memref<!tpu.dma_semaphore, #tpu.memory_space<semaphore_mem>>) {add = true}
        %dma_wait3A_387 = arith.constant 0 : i32
        %dma_wait3A_388 = tpu.memref_slice %arg6[%run_scoped3A_269, %run_scoped3A_270, %dma_wait3A_387] : memref<8x2x128xi32, #tpu.memory_space<vmem>> -> memref<1x1x128xi32, #tpu.memory_space<vmem>>
        %dma_wait3A_389 = tpu.memref_squeeze %dma_wait3A_388 : memref<1x1x128xi32, #tpu.memory_space<vmem>> -> memref<128xi32, #tpu.memory_space<vmem>>
        %dma_wait3A_390 = arith.constant 0 : i32
        %dma_wait3A_391 = arith.constant 0 : i32
        %dma_wait3A_392 = tpu.memref_slice %arg9[%dma_wait3A_390, %dma_wait3A_391] : memref<10240x128xf32, #tpu.memory_space<vmem_shared>> -> memref<10240x128xf32, #tpu.memory_space<vmem_shared>>
        tpu.wait_indirect_dma semaphore(%run_scoped3A_380 : memref<!tpu.dma_semaphore, #tpu.memory_space<semaphore_mem>>) src(%arg8 : memref<128x128xf32, #tpu.memory_space<vmem>>) dst(%dma_wait3A_392 : memref<10240x128xf32, #tpu.memory_space<vmem_shared>>)
        tpu.yield
      }) : () -> ()
      %dma_start3A_271 = arith.constant 3 : i32
      %dma_start3A_272 = arith.constant 0 : i32
      %dma_start3A_273 = arith.constant 0 : i32
      %dma_start3A_274 = tpu.memref_slice %arg6[%dma_start3A_271, %dma_start3A_272, %dma_start3A_273] : memref<8x2x128xi32, #tpu.memory_space<vmem>> -> memref<1x1x128xi32, #tpu.memory_space<vmem>>
      %dma_start3A_275 = tpu.memref_squeeze %dma_start3A_274 : memref<1x1x128xi32, #tpu.memory_space<vmem>> -> memref<128xi32, #tpu.memory_space<vmem>>
      %dma_start3A_276 = arith.constant 0 : i32
      %dma_start3A_277 = arith.constant 0 : i32
      %dma_start3A_278 = tpu.memref_slice %arg2[%dma_start3A_276, %dma_start3A_277] : memref<10240x128xf32, #tpu.memory_space<hbm>> -> memref<10240x128xf32, #tpu.memory_space<hbm>>
      tpu.enqueue_indirect_dma source(%dma_start3A_278 : memref<10240x128xf32, #tpu.memory_space<hbm>>) target(%arg8 : memref<128x128xf32, #tpu.memory_space<vmem>>) offsets(%dma_start3A_275 : memref<128xi32, #tpu.memory_space<vmem>>) semaphore(%arg12 : memref<!tpu.dma_semaphore, #tpu.memory_space<semaphore_mem>>)
      %dma_wait3A_279 = arith.constant 2 : i32
      %dma_wait3A_280 = arith.constant 0 : i32
      %dma_wait3A_281 = arith.constant 0 : i32
      %dma_wait3A_282 = tpu.memref_slice %arg6[%dma_wait3A_279, %dma_wait3A_280, %dma_wait3A_281] : memref<8x2x128xi32, #tpu.memory_space<vmem>> -> memref<1x1x128xi32, #tpu.memory_space<vmem>>
      %dma_wait3A_283 = tpu.memref_squeeze %dma_wait3A_282 : memref<1x1x128xi32, #tpu.memory_space<vmem>> -> memref<128xi32, #tpu.memory_space<vmem>>
      %dma_wait3A_284 = arith.constant 0 : i32
      %dma_wait3A_285 = arith.constant 0 : i32
      %dma_wait3A_286 = tpu.memref_slice %arg2[%dma_wait3A_284, %dma_wait3A_285] : memref<10240x128xf32, #tpu.memory_space<hbm>> -> memref<10240x128xf32, #tpu.memory_space<hbm>>
      tpu.wait_indirect_dma semaphore(%arg11 : memref<!tpu.dma_semaphore, #tpu.memory_space<semaphore_mem>>) src(%dma_wait3A_286 : memref<10240x128xf32, #tpu.memory_space<hbm>>) dst(%arg7 : memref<128x128xf32, #tpu.memory_space<vmem>>)
      %run_scoped3A_287 = arith.constant 2 : i32
      %run_scoped3A_288 = arith.constant 1 : i32
      "tpu.region"() ({
        %run_scoped3A_380 = tpu.sem_alloc : memref<!tpu.dma_semaphore, #tpu.memory_space<semaphore_mem>>
        %dma_start3A_381 = arith.constant 0 : i32
        %dma_start3A_382 = tpu.memref_slice %arg6[%run_scoped3A_287, %run_scoped3A_288, %dma_start3A_381] : memref<8x2x128xi32, #tpu.memory_space<vmem>> -> memref<1x1x128xi32, #tpu.memory_space<vmem>>
        %dma_start3A_383 = tpu.memref_squeeze %dma_start3A_382 : memref<1x1x128xi32, #tpu.memory_space<vmem>> -> memref<128xi32, #tpu.memory_space<vmem>>
        %dma_start3A_384 = arith.constant 0 : i32
        %dma_start3A_385 = arith.constant 0 : i32
        %dma_start3A_386 = tpu.memref_slice %arg9[%dma_start3A_384, %dma_start3A_385] : memref<10240x128xf32, #tpu.memory_space<vmem_shared>> -> memref<10240x128xf32, #tpu.memory_space<vmem_shared>>
        tpu.enqueue_indirect_dma source(%arg7 : memref<128x128xf32, #tpu.memory_space<vmem>>) target(%dma_start3A_386 : memref<10240x128xf32, #tpu.memory_space<vmem_shared>>) offsets(%dma_start3A_383 : memref<128xi32, #tpu.memory_space<vmem>>) semaphore(%run_scoped3A_380 : memref<!tpu.dma_semaphore, #tpu.memory_space<semaphore_mem>>) {add = true}
        %dma_wait3A_387 = arith.constant 0 : i32
        %dma_wait3A_388 = tpu.memref_slice %arg6[%run_scoped3A_287, %run_scoped3A_288, %dma_wait3A_387] : memref<8x2x128xi32, #tpu.memory_space<vmem>> -> memref<1x1x128xi32, #tpu.memory_space<vmem>>
        %dma_wait3A_389 = tpu.memref_squeeze %dma_wait3A_388 : memref<1x1x128xi32, #tpu.memory_space<vmem>> -> memref<128xi32, #tpu.memory_space<vmem>>
        %dma_wait3A_390 = arith.constant 0 : i32
        %dma_wait3A_391 = arith.constant 0 : i32
        %dma_wait3A_392 = tpu.memref_slice %arg9[%dma_wait3A_390, %dma_wait3A_391] : memref<10240x128xf32, #tpu.memory_space<vmem_shared>> -> memref<10240x128xf32, #tpu.memory_space<vmem_shared>>
        tpu.wait_indirect_dma semaphore(%run_scoped3A_380 : memref<!tpu.dma_semaphore, #tpu.memory_space<semaphore_mem>>) src(%arg7 : memref<128x128xf32, #tpu.memory_space<vmem>>) dst(%dma_wait3A_392 : memref<10240x128xf32, #tpu.memory_space<vmem_shared>>)
        tpu.yield
      }) : () -> ()
      %dma_start3A_289 = arith.constant 4 : i32
      %dma_start3A_290 = arith.constant 0 : i32
      %dma_start3A_291 = arith.constant 0 : i32
      %dma_start3A_292 = tpu.memref_slice %arg6[%dma_start3A_289, %dma_start3A_290, %dma_start3A_291] : memref<8x2x128xi32, #tpu.memory_space<vmem>> -> memref<1x1x128xi32, #tpu.memory_space<vmem>>
      %dma_start3A_293 = tpu.memref_squeeze %dma_start3A_292 : memref<1x1x128xi32, #tpu.memory_space<vmem>> -> memref<128xi32, #tpu.memory_space<vmem>>
      %dma_start3A_294 = arith.constant 0 : i32
      %dma_start3A_295 = arith.constant 0 : i32
      %dma_start3A_296 = tpu.memref_slice %arg2[%dma_start3A_294, %dma_start3A_295] : memref<10240x128xf32, #tpu.memory_space<hbm>> -> memref<10240x128xf32, #tpu.memory_space<hbm>>
      tpu.enqueue_indirect_dma source(%dma_start3A_296 : memref<10240x128xf32, #tpu.memory_space<hbm>>) target(%arg7 : memref<128x128xf32, #tpu.memory_space<vmem>>) offsets(%dma_start3A_293 : memref<128xi32, #tpu.memory_space<vmem>>) semaphore(%arg11 : memref<!tpu.dma_semaphore, #tpu.memory_space<semaphore_mem>>)
      %dma_wait3A_297 = arith.constant 3 : i32
      %dma_wait3A_298 = arith.constant 0 : i32
      %dma_wait3A_299 = arith.constant 0 : i32
      %dma_wait3A_300 = tpu.memref_slice %arg6[%dma_wait3A_297, %dma_wait3A_298, %dma_wait3A_299] : memref<8x2x128xi32, #tpu.memory_space<vmem>> -> memref<1x1x128xi32, #tpu.memory_space<vmem>>
      %dma_wait3A_301 = tpu.memref_squeeze %dma_wait3A_300 : memref<1x1x128xi32, #tpu.memory_space<vmem>> -> memref<128xi32, #tpu.memory_space<vmem>>
      %dma_wait3A_302 = arith.constant 0 : i32
      %dma_wait3A_303 = arith.constant 0 : i32
      %dma_wait3A_304 = tpu.memref_slice %arg2[%dma_wait3A_302, %dma_wait3A_303] : memref<10240x128xf32, #tpu.memory_space<hbm>> -> memref<10240x128xf32, #tpu.memory_space<hbm>>
      tpu.wait_indirect_dma semaphore(%arg12 : memref<!tpu.dma_semaphore, #tpu.memory_space<semaphore_mem>>) src(%dma_wait3A_304 : memref<10240x128xf32, #tpu.memory_space<hbm>>) dst(%arg8 : memref<128x128xf32, #tpu.memory_space<vmem>>)
      %run_scoped3A_305 = arith.constant 3 : i32
      %run_scoped3A_306 = arith.constant 1 : i32
      "tpu.region"() ({
        %run_scoped3A_380 = tpu.sem_alloc : memref<!tpu.dma_semaphore, #tpu.memory_space<semaphore_mem>>
        %dma_start3A_381 = arith.constant 0 : i32
        %dma_start3A_382 = tpu.memref_slice %arg6[%run_scoped3A_305, %run_scoped3A_306, %dma_start3A_381] : memref<8x2x128xi32, #tpu.memory_space<vmem>> -> memref<1x1x128xi32, #tpu.memory_space<vmem>>
        %dma_start3A_383 = tpu.memref_squeeze %dma_start3A_382 : memref<1x1x128xi32, #tpu.memory_space<vmem>> -> memref<128xi32, #tpu.memory_space<vmem>>
        %dma_start3A_384 = arith.constant 0 : i32
        %dma_start3A_385 = arith.constant 0 : i32
        %dma_start3A_386 = tpu.memref_slice %arg9[%dma_start3A_384, %dma_start3A_385] : memref<10240x128xf32, #tpu.memory_space<vmem_shared>> -> memref<10240x128xf32, #tpu.memory_space<vmem_shared>>
        tpu.enqueue_indirect_dma source(%arg8 : memref<128x128xf32, #tpu.memory_space<vmem>>) target(%dma_start3A_386 : memref<10240x128xf32, #tpu.memory_space<vmem_shared>>) offsets(%dma_start3A_383 : memref<128xi32, #tpu.memory_space<vmem>>) semaphore(%run_scoped3A_380 : memref<!tpu.dma_semaphore, #tpu.memory_space<semaphore_mem>>) {add = true}
        %dma_wait3A_387 = arith.constant 0 : i32
        %dma_wait3A_388 = tpu.memref_slice %arg6[%run_scoped3A_305, %run_scoped3A_306, %dma_wait3A_387] : memref<8x2x128xi32, #tpu.memory_space<vmem>> -> memref<1x1x128xi32, #tpu.memory_space<vmem>>
        %dma_wait3A_389 = tpu.memref_squeeze %dma_wait3A_388 : memref<1x1x128xi32, #tpu.memory_space<vmem>> -> memref<128xi32, #tpu.memory_space<vmem>>
        %dma_wait3A_390 = arith.constant 0 : i32
        %dma_wait3A_391 = arith.constant 0 : i32
        %dma_wait3A_392 = tpu.memref_slice %arg9[%dma_wait3A_390, %dma_wait3A_391] : memref<10240x128xf32, #tpu.memory_space<vmem_shared>> -> memref<10240x128xf32, #tpu.memory_space<vmem_shared>>
        tpu.wait_indirect_dma semaphore(%run_scoped3A_380 : memref<!tpu.dma_semaphore, #tpu.memory_space<semaphore_mem>>) src(%arg8 : memref<128x128xf32, #tpu.memory_space<vmem>>) dst(%dma_wait3A_392 : memref<10240x128xf32, #tpu.memory_space<vmem_shared>>)
        tpu.yield
      }) : () -> ()
      %dma_start3A_307 = arith.constant 5 : i32
      %dma_start3A_308 = arith.constant 0 : i32
      %dma_start3A_309 = arith.constant 0 : i32
      %dma_start3A_310 = tpu.memref_slice %arg6[%dma_start3A_307, %dma_start3A_308, %dma_start3A_309] : memref<8x2x128xi32, #tpu.memory_space<vmem>> -> memref<1x1x128xi32, #tpu.memory_space<vmem>>
      %dma_start3A_311 = tpu.memref_squeeze %dma_start3A_310 : memref<1x1x128xi32, #tpu.memory_space<vmem>> -> memref<128xi32, #tpu.memory_space<vmem>>
      %dma_start3A_312 = arith.constant 0 : i32
      %dma_start3A_313 = arith.constant 0 : i32
      %dma_start3A_314 = tpu.memref_slice %arg2[%dma_start3A_312, %dma_start3A_313] : memref<10240x128xf32, #tpu.memory_space<hbm>> -> memref<10240x128xf32, #tpu.memory_space<hbm>>
      tpu.enqueue_indirect_dma source(%dma_start3A_314 : memref<10240x128xf32, #tpu.memory_space<hbm>>) target(%arg8 : memref<128x128xf32, #tpu.memory_space<vmem>>) offsets(%dma_start3A_311 : memref<128xi32, #tpu.memory_space<vmem>>) semaphore(%arg12 : memref<!tpu.dma_semaphore, #tpu.memory_space<semaphore_mem>>)
      %dma_wait3A_315 = arith.constant 4 : i32
      %dma_wait3A_316 = arith.constant 0 : i32
      %dma_wait3A_317 = arith.constant 0 : i32
      %dma_wait3A_318 = tpu.memref_slice %arg6[%dma_wait3A_315, %dma_wait3A_316, %dma_wait3A_317] : memref<8x2x128xi32, #tpu.memory_space<vmem>> -> memref<1x1x128xi32, #tpu.memory_space<vmem>>
      %dma_wait3A_319 = tpu.memref_squeeze %dma_wait3A_318 : memref<1x1x128xi32, #tpu.memory_space<vmem>> -> memref<128xi32, #tpu.memory_space<vmem>>
      %dma_wait3A_320 = arith.constant 0 : i32
      %dma_wait3A_321 = arith.constant 0 : i32
      %dma_wait3A_322 = tpu.memref_slice %arg2[%dma_wait3A_320, %dma_wait3A_321] : memref<10240x128xf32, #tpu.memory_space<hbm>> -> memref<10240x128xf32, #tpu.memory_space<hbm>>
      tpu.wait_indirect_dma semaphore(%arg11 : memref<!tpu.dma_semaphore, #tpu.memory_space<semaphore_mem>>) src(%dma_wait3A_322 : memref<10240x128xf32, #tpu.memory_space<hbm>>) dst(%arg7 : memref<128x128xf32, #tpu.memory_space<vmem>>)
      %run_scoped3A_323 = arith.constant 4 : i32
      %run_scoped3A_324 = arith.constant 1 : i32
      "tpu.region"() ({
        %run_scoped3A_380 = tpu.sem_alloc : memref<!tpu.dma_semaphore, #tpu.memory_space<semaphore_mem>>
        %dma_start3A_381 = arith.constant 0 : i32
        %dma_start3A_382 = tpu.memref_slice %arg6[%run_scoped3A_323, %run_scoped3A_324, %dma_start3A_381] : memref<8x2x128xi32, #tpu.memory_space<vmem>> -> memref<1x1x128xi32, #tpu.memory_space<vmem>>
        %dma_start3A_383 = tpu.memref_squeeze %dma_start3A_382 : memref<1x1x128xi32, #tpu.memory_space<vmem>> -> memref<128xi32, #tpu.memory_space<vmem>>
        %dma_start3A_384 = arith.constant 0 : i32
        %dma_start3A_385 = arith.constant 0 : i32
        %dma_start3A_386 = tpu.memref_slice %arg9[%dma_start3A_384, %dma_start3A_385] : memref<10240x128xf32, #tpu.memory_space<vmem_shared>> -> memref<10240x128xf32, #tpu.memory_space<vmem_shared>>
        tpu.enqueue_indirect_dma source(%arg7 : memref<128x128xf32, #tpu.memory_space<vmem>>) target(%dma_start3A_386 : memref<10240x128xf32, #tpu.memory_space<vmem_shared>>) offsets(%dma_start3A_383 : memref<128xi32, #tpu.memory_space<vmem>>) semaphore(%run_scoped3A_380 : memref<!tpu.dma_semaphore, #tpu.memory_space<semaphore_mem>>) {add = true}
        %dma_wait3A_387 = arith.constant 0 : i32
        %dma_wait3A_388 = tpu.memref_slice %arg6[%run_scoped3A_323, %run_scoped3A_324, %dma_wait3A_387] : memref<8x2x128xi32, #tpu.memory_space<vmem>> -> memref<1x1x128xi32, #tpu.memory_space<vmem>>
        %dma_wait3A_389 = tpu.memref_squeeze %dma_wait3A_388 : memref<1x1x128xi32, #tpu.memory_space<vmem>> -> memref<128xi32, #tpu.memory_space<vmem>>
        %dma_wait3A_390 = arith.constant 0 : i32
        %dma_wait3A_391 = arith.constant 0 : i32
        %dma_wait3A_392 = tpu.memref_slice %arg9[%dma_wait3A_390, %dma_wait3A_391] : memref<10240x128xf32, #tpu.memory_space<vmem_shared>> -> memref<10240x128xf32, #tpu.memory_space<vmem_shared>>
        tpu.wait_indirect_dma semaphore(%run_scoped3A_380 : memref<!tpu.dma_semaphore, #tpu.memory_space<semaphore_mem>>) src(%arg7 : memref<128x128xf32, #tpu.memory_space<vmem>>) dst(%dma_wait3A_392 : memref<10240x128xf32, #tpu.memory_space<vmem_shared>>)
        tpu.yield
      }) : () -> ()
      %dma_start3A_325 = arith.constant 6 : i32
      %dma_start3A_326 = arith.constant 0 : i32
      %dma_start3A_327 = arith.constant 0 : i32
      %dma_start3A_328 = tpu.memref_slice %arg6[%dma_start3A_325, %dma_start3A_326, %dma_start3A_327] : memref<8x2x128xi32, #tpu.memory_space<vmem>> -> memref<1x1x128xi32, #tpu.memory_space<vmem>>
      %dma_start3A_329 = tpu.memref_squeeze %dma_start3A_328 : memref<1x1x128xi32, #tpu.memory_space<vmem>> -> memref<128xi32, #tpu.memory_space<vmem>>
      %dma_start3A_330 = arith.constant 0 : i32
      %dma_start3A_331 = arith.constant 0 : i32
      %dma_start3A_332 = tpu.memref_slice %arg2[%dma_start3A_330, %dma_start3A_331] : memref<10240x128xf32, #tpu.memory_space<hbm>> -> memref<10240x128xf32, #tpu.memory_space<hbm>>
      tpu.enqueue_indirect_dma source(%dma_start3A_332 : memref<10240x128xf32, #tpu.memory_space<hbm>>) target(%arg7 : memref<128x128xf32, #tpu.memory_space<vmem>>) offsets(%dma_start3A_329 : memref<128xi32, #tpu.memory_space<vmem>>) semaphore(%arg11 : memref<!tpu.dma_semaphore, #tpu.memory_space<semaphore_mem>>)
      %dma_wait3A_333 = arith.constant 5 : i32
      %dma_wait3A_334 = arith.constant 0 : i32
      %dma_wait3A_335 = arith.constant 0 : i32
      %dma_wait3A_336 = tpu.memref_slice %arg6[%dma_wait3A_333, %dma_wait3A_334, %dma_wait3A_335] : memref<8x2x128xi32, #tpu.memory_space<vmem>> -> memref<1x1x128xi32, #tpu.memory_space<vmem>>
      %dma_wait3A_337 = tpu.memref_squeeze %dma_wait3A_336 : memref<1x1x128xi32, #tpu.memory_space<vmem>> -> memref<128xi32, #tpu.memory_space<vmem>>
      %dma_wait3A_338 = arith.constant 0 : i32
      %dma_wait3A_339 = arith.constant 0 : i32
      %dma_wait3A_340 = tpu.memref_slice %arg2[%dma_wait3A_338, %dma_wait3A_339] : memref<10240x128xf32, #tpu.memory_space<hbm>> -> memref<10240x128xf32, #tpu.memory_space<hbm>>
      tpu.wait_indirect_dma semaphore(%arg12 : memref<!tpu.dma_semaphore, #tpu.memory_space<semaphore_mem>>) src(%dma_wait3A_340 : memref<10240x128xf32, #tpu.memory_space<hbm>>) dst(%arg8 : memref<128x128xf32, #tpu.memory_space<vmem>>)
      %run_scoped3A_341 = arith.constant 5 : i32
      %run_scoped3A_342 = arith.constant 1 : i32
      "tpu.region"() ({
        %run_scoped3A_380 = tpu.sem_alloc : memref<!tpu.dma_semaphore, #tpu.memory_space<semaphore_mem>>
        %dma_start3A_381 = arith.constant 0 : i32
        %dma_start3A_382 = tpu.memref_slice %arg6[%run_scoped3A_341, %run_scoped3A_342, %dma_start3A_381] : memref<8x2x128xi32, #tpu.memory_space<vmem>> -> memref<1x1x128xi32, #tpu.memory_space<vmem>>
        %dma_start3A_383 = tpu.memref_squeeze %dma_start3A_382 : memref<1x1x128xi32, #tpu.memory_space<vmem>> -> memref<128xi32, #tpu.memory_space<vmem>>
        %dma_start3A_384 = arith.constant 0 : i32
        %dma_start3A_385 = arith.constant 0 : i32
        %dma_start3A_386 = tpu.memref_slice %arg9[%dma_start3A_384, %dma_start3A_385] : memref<10240x128xf32, #tpu.memory_space<vmem_shared>> -> memref<10240x128xf32, #tpu.memory_space<vmem_shared>>
        tpu.enqueue_indirect_dma source(%arg8 : memref<128x128xf32, #tpu.memory_space<vmem>>) target(%dma_start3A_386 : memref<10240x128xf32, #tpu.memory_space<vmem_shared>>) offsets(%dma_start3A_383 : memref<128xi32, #tpu.memory_space<vmem>>) semaphore(%run_scoped3A_380 : memref<!tpu.dma_semaphore, #tpu.memory_space<semaphore_mem>>) {add = true}
        %dma_wait3A_387 = arith.constant 0 : i32
        %dma_wait3A_388 = tpu.memref_slice %arg6[%run_scoped3A_341, %run_scoped3A_342, %dma_wait3A_387] : memref<8x2x128xi32, #tpu.memory_space<vmem>> -> memref<1x1x128xi32, #tpu.memory_space<vmem>>
        %dma_wait3A_389 = tpu.memref_squeeze %dma_wait3A_388 : memref<1x1x128xi32, #tpu.memory_space<vmem>> -> memref<128xi32, #tpu.memory_space<vmem>>
        %dma_wait3A_390 = arith.constant 0 : i32
        %dma_wait3A_391 = arith.constant 0 : i32
        %dma_wait3A_392 = tpu.memref_slice %arg9[%dma_wait3A_390, %dma_wait3A_391] : memref<10240x128xf32, #tpu.memory_space<vmem_shared>> -> memref<10240x128xf32, #tpu.memory_space<vmem_shared>>
        tpu.wait_indirect_dma semaphore(%run_scoped3A_380 : memref<!tpu.dma_semaphore, #tpu.memory_space<semaphore_mem>>) src(%arg8 : memref<128x128xf32, #tpu.memory_space<vmem>>) dst(%dma_wait3A_392 : memref<10240x128xf32, #tpu.memory_space<vmem_shared>>)
        tpu.yield
      }) : () -> ()
      %dma_start3A_343 = arith.constant 7 : i32
      %dma_start3A_344 = arith.constant 0 : i32
      %dma_start3A_345 = arith.constant 0 : i32
      %dma_start3A_346 = tpu.memref_slice %arg6[%dma_start3A_343, %dma_start3A_344, %dma_start3A_345] : memref<8x2x128xi32, #tpu.memory_space<vmem>> -> memref<1x1x128xi32, #tpu.memory_space<vmem>>
      %dma_start3A_347 = tpu.memref_squeeze %dma_start3A_346 : memref<1x1x128xi32, #tpu.memory_space<vmem>> -> memref<128xi32, #tpu.memory_space<vmem>>
      %dma_start3A_348 = arith.constant 0 : i32
      %dma_start3A_349 = arith.constant 0 : i32
      %dma_start3A_350 = tpu.memref_slice %arg2[%dma_start3A_348, %dma_start3A_349] : memref<10240x128xf32, #tpu.memory_space<hbm>> -> memref<10240x128xf32, #tpu.memory_space<hbm>>
      tpu.enqueue_indirect_dma source(%dma_start3A_350 : memref<10240x128xf32, #tpu.memory_space<hbm>>) target(%arg8 : memref<128x128xf32, #tpu.memory_space<vmem>>) offsets(%dma_start3A_347 : memref<128xi32, #tpu.memory_space<vmem>>) semaphore(%arg12 : memref<!tpu.dma_semaphore, #tpu.memory_space<semaphore_mem>>)
      %dma_wait3A_351 = arith.constant 6 : i32
      %dma_wait3A_352 = arith.constant 0 : i32
      %dma_wait3A_353 = arith.constant 0 : i32
      %dma_wait3A_354 = tpu.memref_slice %arg6[%dma_wait3A_351, %dma_wait3A_352, %dma_wait3A_353] : memref<8x2x128xi32, #tpu.memory_space<vmem>> -> memref<1x1x128xi32, #tpu.memory_space<vmem>>
      %dma_wait3A_355 = tpu.memref_squeeze %dma_wait3A_354 : memref<1x1x128xi32, #tpu.memory_space<vmem>> -> memref<128xi32, #tpu.memory_space<vmem>>
      %dma_wait3A_356 = arith.constant 0 : i32
      %dma_wait3A_357 = arith.constant 0 : i32
      %dma_wait3A_358 = tpu.memref_slice %arg2[%dma_wait3A_356, %dma_wait3A_357] : memref<10240x128xf32, #tpu.memory_space<hbm>> -> memref<10240x128xf32, #tpu.memory_space<hbm>>
      tpu.wait_indirect_dma semaphore(%arg11 : memref<!tpu.dma_semaphore, #tpu.memory_space<semaphore_mem>>) src(%dma_wait3A_358 : memref<10240x128xf32, #tpu.memory_space<hbm>>) dst(%arg7 : memref<128x128xf32, #tpu.memory_space<vmem>>)
      %run_scoped3A_359 = arith.constant 6 : i32
      %run_scoped3A_360 = arith.constant 1 : i32
      "tpu.region"() ({
        %run_scoped3A_380 = tpu.sem_alloc : memref<!tpu.dma_semaphore, #tpu.memory_space<semaphore_mem>>
        %dma_start3A_381 = arith.constant 0 : i32
        %dma_start3A_382 = tpu.memref_slice %arg6[%run_scoped3A_359, %run_scoped3A_360, %dma_start3A_381] : memref<8x2x128xi32, #tpu.memory_space<vmem>> -> memref<1x1x128xi32, #tpu.memory_space<vmem>>
        %dma_start3A_383 = tpu.memref_squeeze %dma_start3A_382 : memref<1x1x128xi32, #tpu.memory_space<vmem>> -> memref<128xi32, #tpu.memory_space<vmem>>
        %dma_start3A_384 = arith.constant 0 : i32
        %dma_start3A_385 = arith.constant 0 : i32
        %dma_start3A_386 = tpu.memref_slice %arg9[%dma_start3A_384, %dma_start3A_385] : memref<10240x128xf32, #tpu.memory_space<vmem_shared>> -> memref<10240x128xf32, #tpu.memory_space<vmem_shared>>
        tpu.enqueue_indirect_dma source(%arg7 : memref<128x128xf32, #tpu.memory_space<vmem>>) target(%dma_start3A_386 : memref<10240x128xf32, #tpu.memory_space<vmem_shared>>) offsets(%dma_start3A_383 : memref<128xi32, #tpu.memory_space<vmem>>) semaphore(%run_scoped3A_380 : memref<!tpu.dma_semaphore, #tpu.memory_space<semaphore_mem>>) {add = true}
        %dma_wait3A_387 = arith.constant 0 : i32
        %dma_wait3A_388 = tpu.memref_slice %arg6[%run_scoped3A_359, %run_scoped3A_360, %dma_wait3A_387] : memref<8x2x128xi32, #tpu.memory_space<vmem>> -> memref<1x1x128xi32, #tpu.memory_space<vmem>>
        %dma_wait3A_389 = tpu.memref_squeeze %dma_wait3A_388 : memref<1x1x128xi32, #tpu.memory_space<vmem>> -> memref<128xi32, #tpu.memory_space<vmem>>
        %dma_wait3A_390 = arith.constant 0 : i32
        %dma_wait3A_391 = arith.constant 0 : i32
        %dma_wait3A_392 = tpu.memref_slice %arg9[%dma_wait3A_390, %dma_wait3A_391] : memref<10240x128xf32, #tpu.memory_space<vmem_shared>> -> memref<10240x128xf32, #tpu.memory_space<vmem_shared>>
        tpu.wait_indirect_dma semaphore(%run_scoped3A_380 : memref<!tpu.dma_semaphore, #tpu.memory_space<semaphore_mem>>) src(%arg7 : memref<128x128xf32, #tpu.memory_space<vmem>>) dst(%dma_wait3A_392 : memref<10240x128xf32, #tpu.memory_space<vmem_shared>>)
        tpu.yield
      }) : () -> ()
      %convert_element_type3A_361 = arith.extui %lt3A_239 : i1 to i32
      %cond3A_362 = arith.constant 0 : i32
      %cond3A_363 = arith.cmpi ne, %convert_element_type3A_361, %cond3A_362 : i32
      scf.if %cond3A_363 {
        %dma_wait3A_380 = arith.constant 0 : i32
        %dma_wait3A_381 = arith.constant 0 : i32
        %dma_wait3A_382 = arith.constant 0 : i32
        %dma_wait3A_383 = tpu.memref_slice %arg3[%arg1, %dma_wait3A_380, %dma_wait3A_381, %dma_wait3A_382] : memref<16x160x2x128xi32, #tpu.memory_space<hbm>> -> memref<1x8x2x128xi32, #tpu.memory_space<hbm>>
        %dma_wait3A_384 = tpu.memref_squeeze %dma_wait3A_383 : memref<1x8x2x128xi32, #tpu.memory_space<hbm>> -> memref<8x2x128xi32, #tpu.memory_space<hbm>>
        %dma_wait3A_385 = arith.constant 0 : i32
        %dma_wait3A_386 = arith.constant 0 : i32
        %dma_wait3A_387 = arith.constant 0 : i32
        %dma_wait3A_388 = tpu.memref_slice %arg3[%arg1, %dma_wait3A_385, %dma_wait3A_386, %dma_wait3A_387] : memref<16x160x2x128xi32, #tpu.memory_space<hbm>> -> memref<1x8x2x128xi32, #tpu.memory_space<hbm>>
        %dma_wait3A_389 = tpu.memref_squeeze %dma_wait3A_388 : memref<1x8x2x128xi32, #tpu.memory_space<hbm>> -> memref<8x2x128xi32, #tpu.memory_space<hbm>>
        tpu.wait_dma2 semaphore(%arg10 : memref<!tpu.dma_semaphore, #tpu.memory_space<semaphore_mem>>) src(%dma_wait3A_389 : memref<8x2x128xi32, #tpu.memory_space<hbm>>) dst(%arg5 : memref<8x2x128xi32, #tpu.memory_space<vmem>>)
        %dma_start3A_390 = arith.constant 0 : i32
        %dma_start3A_391 = arith.constant 0 : i32
        %dma_start3A_392 = arith.constant 0 : i32
        %dma_start3A_393 = tpu.memref_slice %arg5[%dma_start3A_390, %dma_start3A_391, %dma_start3A_392] : memref<8x2x128xi32, #tpu.memory_space<vmem>> -> memref<1x1x128xi32, #tpu.memory_space<vmem>>
        %dma_start3A_394 = tpu.memref_squeeze %dma_start3A_393 : memref<1x1x128xi32, #tpu.memory_space<vmem>> -> memref<128xi32, #tpu.memory_space<vmem>>
        %dma_start3A_395 = arith.constant 0 : i32
        %dma_start3A_396 = arith.constant 0 : i32
        %dma_start3A_397 = tpu.memref_slice %arg2[%dma_start3A_395, %dma_start3A_396] : memref<10240x128xf32, #tpu.memory_space<hbm>> -> memref<10240x128xf32, #tpu.memory_space<hbm>>
        tpu.enqueue_indirect_dma source(%dma_start3A_397 : memref<10240x128xf32, #tpu.memory_space<hbm>>) target(%arg7 : memref<128x128xf32, #tpu.memory_space<vmem>>) offsets(%dma_start3A_394 : memref<128xi32, #tpu.memory_space<vmem>>) semaphore(%arg11 : memref<!tpu.dma_semaphore, #tpu.memory_space<semaphore_mem>>)
      } else {
      }
      %dma_wait3A_364 = arith.constant 7 : i32
      %dma_wait3A_365 = arith.constant 0 : i32
      %dma_wait3A_366 = arith.constant 0 : i32
      %dma_wait3A_367 = tpu.memref_slice %arg6[%dma_wait3A_364, %dma_wait3A_365, %dma_wait3A_366] : memref<8x2x128xi32, #tpu.memory_space<vmem>> -> memref<1x1x128xi32, #tpu.memory_space<vmem>>
      %dma_wait3A_368 = tpu.memref_squeeze %dma_wait3A_367 : memref<1x1x128xi32, #tpu.memory_space<vmem>> -> memref<128xi32, #tpu.memory_space<vmem>>
      %dma_wait3A_369 = arith.constant 0 : i32
      %dma_wait3A_370 = arith.constant 0 : i32
      %dma_wait3A_371 = tpu.memref_slice %arg2[%dma_wait3A_369, %dma_wait3A_370] : memref<10240x128xf32, #tpu.memory_space<hbm>> -> memref<10240x128xf32, #tpu.memory_space<hbm>>
      tpu.wait_indirect_dma semaphore(%arg12 : memref<!tpu.dma_semaphore, #tpu.memory_space<semaphore_mem>>) src(%dma_wait3A_371 : memref<10240x128xf32, #tpu.memory_space<hbm>>) dst(%arg8 : memref<128x128xf32, #tpu.memory_space<vmem>>)
      %run_scoped3A_372 = arith.constant 7 : i32
      %run_scoped3A_373 = arith.constant 1 : i32
      "tpu.region"() ({
        %run_scoped3A_380 = tpu.sem_alloc : memref<!tpu.dma_semaphore, #tpu.memory_space<semaphore_mem>>
        %dma_start3A_381 = arith.constant 0 : i32
        %dma_start3A_382 = tpu.memref_slice %arg6[%run_scoped3A_372, %run_scoped3A_373, %dma_start3A_381] : memref<8x2x128xi32, #tpu.memory_space<vmem>> -> memref<1x1x128xi32, #tpu.memory_space<vmem>>
        %dma_start3A_383 = tpu.memref_squeeze %dma_start3A_382 : memref<1x1x128xi32, #tpu.memory_space<vmem>> -> memref<128xi32, #tpu.memory_space<vmem>>
        %dma_start3A_384 = arith.constant 0 : i32
        %dma_start3A_385 = arith.constant 0 : i32
        %dma_start3A_386 = tpu.memref_slice %arg9[%dma_start3A_384, %dma_start3A_385] : memref<10240x128xf32, #tpu.memory_space<vmem_shared>> -> memref<10240x128xf32, #tpu.memory_space<vmem_shared>>
        tpu.enqueue_indirect_dma source(%arg8 : memref<128x128xf32, #tpu.memory_space<vmem>>) target(%dma_start3A_386 : memref<10240x128xf32, #tpu.memory_space<vmem_shared>>) offsets(%dma_start3A_383 : memref<128xi32, #tpu.memory_space<vmem>>) semaphore(%run_scoped3A_380 : memref<!tpu.dma_semaphore, #tpu.memory_space<semaphore_mem>>) {add = true}
        %dma_wait3A_387 = arith.constant 0 : i32
        %dma_wait3A_388 = tpu.memref_slice %arg6[%run_scoped3A_372, %run_scoped3A_373, %dma_wait3A_387] : memref<8x2x128xi32, #tpu.memory_space<vmem>> -> memref<1x1x128xi32, #tpu.memory_space<vmem>>
        %dma_wait3A_389 = tpu.memref_squeeze %dma_wait3A_388 : memref<1x1x128xi32, #tpu.memory_space<vmem>> -> memref<128xi32, #tpu.memory_space<vmem>>
        %dma_wait3A_390 = arith.constant 0 : i32
        %dma_wait3A_391 = arith.constant 0 : i32
        %dma_wait3A_392 = tpu.memref_slice %arg9[%dma_wait3A_390, %dma_wait3A_391] : memref<10240x128xf32, #tpu.memory_space<vmem_shared>> -> memref<10240x128xf32, #tpu.memory_space<vmem_shared>>
        tpu.wait_indirect_dma semaphore(%run_scoped3A_380 : memref<!tpu.dma_semaphore, #tpu.memory_space<semaphore_mem>>) src(%arg8 : memref<128x128xf32, #tpu.memory_space<vmem>>) dst(%dma_wait3A_392 : memref<10240x128xf32, #tpu.memory_space<vmem_shared>>)
        tpu.yield
      }) : () -> ()
      %convert_element_type3A_374 = arith.extui %lt3A_239 : i1 to i32
      %cond3A_375 = arith.constant 0 : i32
      %cond3A_376 = arith.cmpi ne, %convert_element_type3A_374, %cond3A_375 : i32
      scf.if %cond3A_376 {
        %dma_start3A_380 = arith.constant 1 : i32
        %dma_start3A_381 = arith.constant 0 : i32
        %dma_start3A_382 = arith.constant 0 : i32
        %dma_start3A_383 = tpu.memref_slice %arg5[%dma_start3A_380, %dma_start3A_381, %dma_start3A_382] : memref<8x2x128xi32, #tpu.memory_space<vmem>> -> memref<1x1x128xi32, #tpu.memory_space<vmem>>
        %dma_start3A_384 = tpu.memref_squeeze %dma_start3A_383 : memref<1x1x128xi32, #tpu.memory_space<vmem>> -> memref<128xi32, #tpu.memory_space<vmem>>
        %dma_start3A_385 = arith.constant 0 : i32
        %dma_start3A_386 = arith.constant 0 : i32
        %dma_start3A_387 = tpu.memref_slice %arg2[%dma_start3A_385, %dma_start3A_386] : memref<10240x128xf32, #tpu.memory_space<hbm>> -> memref<10240x128xf32, #tpu.memory_space<hbm>>
        tpu.enqueue_indirect_dma source(%dma_start3A_387 : memref<10240x128xf32, #tpu.memory_space<hbm>>) target(%arg8 : memref<128x128xf32, #tpu.memory_space<vmem>>) offsets(%dma_start3A_384 : memref<128xi32, #tpu.memory_space<vmem>>) semaphore(%arg12 : memref<!tpu.dma_semaphore, #tpu.memory_space<semaphore_mem>>)
      } else {
      }
      %convert_element_type3A_377 = arith.extui %lt3A_242 : i1 to i32
      %cond3A_378 = arith.constant 0 : i32
      %cond3A_379 = arith.cmpi ne, %convert_element_type3A_377, %cond3A_378 : i32
      scf.if %cond3A_379 {
        %add3A_380 = arith.constant 2 : i32
        %add3A_381 = arith.addi %add3A_98, %add3A_380 : i32
        %mul3A_382 = arith.constant 8 : i32
        %mul3A_383 = arith.muli %add3A_381, %mul3A_382 : i32
        %dma_start3A_384 = arith.constant 0 : i32
        %dma_start3A_385 = arith.constant 0 : i32
        %dma_start3A_386 = tpu.memref_slice %arg3[%arg1, %mul3A_383, %dma_start3A_384, %dma_start3A_385] : memref<16x160x2x128xi32, #tpu.memory_space<hbm>> -> memref<1x8x2x128xi32, #tpu.memory_space<hbm>>
        %dma_start3A_387 = tpu.memref_squeeze %dma_start3A_386 : memref<1x8x2x128xi32, #tpu.memory_space<hbm>> -> memref<8x2x128xi32, #tpu.memory_space<hbm>>
        %dma_start3A_388 = arith.constant 0 : i32
        %dma_start3A_389 = arith.constant 0 : i32
        %dma_start3A_390 = tpu.memref_slice %arg3[%arg1, %mul3A_383, %dma_start3A_388, %dma_start3A_389] : memref<16x160x2x128xi32, #tpu.memory_space<hbm>> -> memref<1x8x2x128xi32, #tpu.memory_space<hbm>>
        %dma_start3A_391 = tpu.memref_squeeze %dma_start3A_390 : memref<1x8x2x128xi32, #tpu.memory_space<hbm>> -> memref<8x2x128xi32, #tpu.memory_space<hbm>>
        tpu.enqueue_dma source(%dma_start3A_391 : memref<8x2x128xi32, #tpu.memory_space<hbm>>) target(%arg6 : memref<8x2x128xi32, #tpu.memory_space<vmem>>) target_semaphore(%arg10 : memref<!tpu.dma_semaphore, #tpu.memory_space<semaphore_mem>>)
      } else {
      }
    }
    %while3A_87 = arith.constant 1 : i32
    scf.for %while3A_93 = %while3A_85 to %while3A_81 step %while3A_87  : i32 {
      %mul3A_94 = arith.constant 2 : i32
      %mul3A_95 = arith.muli %mul3A_94, %while3A_93 : i32
      %add3A_96 = arith.addi %select_n3A, %mul3A_95 : i32
      %add3A_97 = arith.constant 1 : i32
      %add3A_98 = arith.addi %add3A_96, %add3A_97 : i32
      %sub3A_99 = arith.constant 1 : i32
      %sub3A_100 = arith.subi %select_n3A_6, %sub3A_99 : i32
      %lt3A = arith.cmpi slt, %add3A_96, %sub3A_100 : i32
      %sub3A_101 = arith.constant 2 : i32
      %sub3A_102 = arith.subi %select_n3A_6, %sub3A_101 : i32
      %lt3A_103 = arith.cmpi slt, %add3A_96, %sub3A_102 : i32
      %dma_wait3A = arith.constant 0 : i32
      %dma_wait3A_104 = arith.constant 0 : i32
      %dma_wait3A_105 = arith.constant 0 : i32
      %dma_wait3A_106 = tpu.memref_slice %arg5[%dma_wait3A, %dma_wait3A_104, %dma_wait3A_105] : memref<8x2x128xi32, #tpu.memory_space<vmem>> -> memref<1x1x128xi32, #tpu.memory_space<vmem>>
      %dma_wait3A_107 = tpu.memref_squeeze %dma_wait3A_106 : memref<1x1x128xi32, #tpu.memory_space<vmem>> -> memref<128xi32, #tpu.memory_space<vmem>>
      %dma_wait3A_108 = arith.constant 0 : i32
      %dma_wait3A_109 = arith.constant 0 : i32
      %dma_wait3A_110 = tpu.memref_slice %arg2[%dma_wait3A_108, %dma_wait3A_109] : memref<10240x128xf32, #tpu.memory_space<hbm>> -> memref<10240x128xf32, #tpu.memory_space<hbm>>
      tpu.wait_indirect_dma semaphore(%arg11 : memref<!tpu.dma_semaphore, #tpu.memory_space<semaphore_mem>>) src(%dma_wait3A_110 : memref<10240x128xf32, #tpu.memory_space<hbm>>) dst(%arg7 : memref<128x128xf32, #tpu.memory_space<vmem>>)
      %run_scoped3A = arith.constant 0 : i32
      %run_scoped3A_111 = arith.constant 1 : i32
      "tpu.region"() ({
        %run_scoped3A_380 = tpu.sem_alloc : memref<!tpu.dma_semaphore, #tpu.memory_space<semaphore_mem>>
        %dma_start3A_381 = arith.constant 0 : i32
        %dma_start3A_382 = tpu.memref_slice %arg5[%run_scoped3A, %run_scoped3A_111, %dma_start3A_381] : memref<8x2x128xi32, #tpu.memory_space<vmem>> -> memref<1x1x128xi32, #tpu.memory_space<vmem>>
        %dma_start3A_383 = tpu.memref_squeeze %dma_start3A_382 : memref<1x1x128xi32, #tpu.memory_space<vmem>> -> memref<128xi32, #tpu.memory_space<vmem>>
        %dma_start3A_384 = arith.constant 0 : i32
        %dma_start3A_385 = arith.constant 0 : i32
        %dma_start3A_386 = tpu.memref_slice %arg9[%dma_start3A_384, %dma_start3A_385] : memref<10240x128xf32, #tpu.memory_space<vmem_shared>> -> memref<10240x128xf32, #tpu.memory_space<vmem_shared>>
        tpu.enqueue_indirect_dma source(%arg7 : memref<128x128xf32, #tpu.memory_space<vmem>>) target(%dma_start3A_386 : memref<10240x128xf32, #tpu.memory_space<vmem_shared>>) offsets(%dma_start3A_383 : memref<128xi32, #tpu.memory_space<vmem>>) semaphore(%run_scoped3A_380 : memref<!tpu.dma_semaphore, #tpu.memory_space<semaphore_mem>>) {add = true}
        %dma_wait3A_387 = arith.constant 0 : i32
        %dma_wait3A_388 = tpu.memref_slice %arg5[%run_scoped3A, %run_scoped3A_111, %dma_wait3A_387] : memref<8x2x128xi32, #tpu.memory_space<vmem>> -> memref<1x1x128xi32, #tpu.memory_space<vmem>>
        %dma_wait3A_389 = tpu.memref_squeeze %dma_wait3A_388 : memref<1x1x128xi32, #tpu.memory_space<vmem>> -> memref<128xi32, #tpu.memory_space<vmem>>
        %dma_wait3A_390 = arith.constant 0 : i32
        %dma_wait3A_391 = arith.constant 0 : i32
        %dma_wait3A_392 = tpu.memref_slice %arg9[%dma_wait3A_390, %dma_wait3A_391] : memref<10240x128xf32, #tpu.memory_space<vmem_shared>> -> memref<10240x128xf32, #tpu.memory_space<vmem_shared>>
        tpu.wait_indirect_dma semaphore(%run_scoped3A_380 : memref<!tpu.dma_semaphore, #tpu.memory_space<semaphore_mem>>) src(%arg7 : memref<128x128xf32, #tpu.memory_space<vmem>>) dst(%dma_wait3A_392 : memref<10240x128xf32, #tpu.memory_space<vmem_shared>>)
        tpu.yield
      }) : () -> ()
      %dma_start3A_112 = arith.constant 2 : i32
      %dma_start3A_113 = arith.constant 0 : i32
      %dma_start3A_114 = arith.constant 0 : i32
      %dma_start3A_115 = tpu.memref_slice %arg5[%dma_start3A_112, %dma_start3A_113, %dma_start3A_114] : memref<8x2x128xi32, #tpu.memory_space<vmem>> -> memref<1x1x128xi32, #tpu.memory_space<vmem>>
      %dma_start3A_116 = tpu.memref_squeeze %dma_start3A_115 : memref<1x1x128xi32, #tpu.memory_space<vmem>> -> memref<128xi32, #tpu.memory_space<vmem>>
      %dma_start3A_117 = arith.constant 0 : i32
      %dma_start3A_118 = arith.constant 0 : i32
      %dma_start3A_119 = tpu.memref_slice %arg2[%dma_start3A_117, %dma_start3A_118] : memref<10240x128xf32, #tpu.memory_space<hbm>> -> memref<10240x128xf32, #tpu.memory_space<hbm>>
      tpu.enqueue_indirect_dma source(%dma_start3A_119 : memref<10240x128xf32, #tpu.memory_space<hbm>>) target(%arg7 : memref<128x128xf32, #tpu.memory_space<vmem>>) offsets(%dma_start3A_116 : memref<128xi32, #tpu.memory_space<vmem>>) semaphore(%arg11 : memref<!tpu.dma_semaphore, #tpu.memory_space<semaphore_mem>>)
      %dma_wait3A_120 = arith.constant 1 : i32
      %dma_wait3A_121 = arith.constant 0 : i32
      %dma_wait3A_122 = arith.constant 0 : i32
      %dma_wait3A_123 = tpu.memref_slice %arg5[%dma_wait3A_120, %dma_wait3A_121, %dma_wait3A_122] : memref<8x2x128xi32, #tpu.memory_space<vmem>> -> memref<1x1x128xi32, #tpu.memory_space<vmem>>
      %dma_wait3A_124 = tpu.memref_squeeze %dma_wait3A_123 : memref<1x1x128xi32, #tpu.memory_space<vmem>> -> memref<128xi32, #tpu.memory_space<vmem>>
      %dma_wait3A_125 = arith.constant 0 : i32
      %dma_wait3A_126 = arith.constant 0 : i32
      %dma_wait3A_127 = tpu.memref_slice %arg2[%dma_wait3A_125, %dma_wait3A_126] : memref<10240x128xf32, #tpu.memory_space<hbm>> -> memref<10240x128xf32, #tpu.memory_space<hbm>>
      tpu.wait_indirect_dma semaphore(%arg12 : memref<!tpu.dma_semaphore, #tpu.memory_space<semaphore_mem>>) src(%dma_wait3A_127 : memref<10240x128xf32, #tpu.memory_space<hbm>>) dst(%arg8 : memref<128x128xf32, #tpu.memory_space<vmem>>)
      %run_scoped3A_128 = arith.constant 1 : i32
      %run_scoped3A_129 = arith.constant 1 : i32
      "tpu.region"() ({
        %run_scoped3A_380 = tpu.sem_alloc : memref<!tpu.dma_semaphore, #tpu.memory_space<semaphore_mem>>
        %dma_start3A_381 = arith.constant 0 : i32
        %dma_start3A_382 = tpu.memref_slice %arg5[%run_scoped3A_128, %run_scoped3A_129, %dma_start3A_381] : memref<8x2x128xi32, #tpu.memory_space<vmem>> -> memref<1x1x128xi32, #tpu.memory_space<vmem>>
        %dma_start3A_383 = tpu.memref_squeeze %dma_start3A_382 : memref<1x1x128xi32, #tpu.memory_space<vmem>> -> memref<128xi32, #tpu.memory_space<vmem>>
        %dma_start3A_384 = arith.constant 0 : i32
        %dma_start3A_385 = arith.constant 0 : i32
        %dma_start3A_386 = tpu.memref_slice %arg9[%dma_start3A_384, %dma_start3A_385] : memref<10240x128xf32, #tpu.memory_space<vmem_shared>> -> memref<10240x128xf32, #tpu.memory_space<vmem_shared>>
        tpu.enqueue_indirect_dma source(%arg8 : memref<128x128xf32, #tpu.memory_space<vmem>>) target(%dma_start3A_386 : memref<10240x128xf32, #tpu.memory_space<vmem_shared>>) offsets(%dma_start3A_383 : memref<128xi32, #tpu.memory_space<vmem>>) semaphore(%run_scoped3A_380 : memref<!tpu.dma_semaphore, #tpu.memory_space<semaphore_mem>>) {add = true}
        %dma_wait3A_387 = arith.constant 0 : i32
        %dma_wait3A_388 = tpu.memref_slice %arg5[%run_scoped3A_128, %run_scoped3A_129, %dma_wait3A_387] : memref<8x2x128xi32, #tpu.memory_space<vmem>> -> memref<1x1x128xi32, #tpu.memory_space<vmem>>
        %dma_wait3A_389 = tpu.memref_squeeze %dma_wait3A_388 : memref<1x1x128xi32, #tpu.memory_space<vmem>> -> memref<128xi32, #tpu.memory_space<vmem>>
        %dma_wait3A_390 = arith.constant 0 : i32
        %dma_wait3A_391 = arith.constant 0 : i32
        %dma_wait3A_392 = tpu.memref_slice %arg9[%dma_wait3A_390, %dma_wait3A_391] : memref<10240x128xf32, #tpu.memory_space<vmem_shared>> -> memref<10240x128xf32, #tpu.memory_space<vmem_shared>>
        tpu.wait_indirect_dma semaphore(%run_scoped3A_380 : memref<!tpu.dma_semaphore, #tpu.memory_space<semaphore_mem>>) src(%arg8 : memref<128x128xf32, #tpu.memory_space<vmem>>) dst(%dma_wait3A_392 : memref<10240x128xf32, #tpu.memory_space<vmem_shared>>)
        tpu.yield
      }) : () -> ()
      %dma_start3A_130 = arith.constant 3 : i32
      %dma_start3A_131 = arith.constant 0 : i32
      %dma_start3A_132 = arith.constant 0 : i32
      %dma_start3A_133 = tpu.memref_slice %arg5[%dma_start3A_130, %dma_start3A_131, %dma_start3A_132] : memref<8x2x128xi32, #tpu.memory_space<vmem>> -> memref<1x1x128xi32, #tpu.memory_space<vmem>>
      %dma_start3A_134 = tpu.memref_squeeze %dma_start3A_133 : memref<1x1x128xi32, #tpu.memory_space<vmem>> -> memref<128xi32, #tpu.memory_space<vmem>>
      %dma_start3A_135 = arith.constant 0 : i32
      %dma_start3A_136 = arith.constant 0 : i32
      %dma_start3A_137 = tpu.memref_slice %arg2[%dma_start3A_135, %dma_start3A_136] : memref<10240x128xf32, #tpu.memory_space<hbm>> -> memref<10240x128xf32, #tpu.memory_space<hbm>>
      tpu.enqueue_indirect_dma source(%dma_start3A_137 : memref<10240x128xf32, #tpu.memory_space<hbm>>) target(%arg8 : memref<128x128xf32, #tpu.memory_space<vmem>>) offsets(%dma_start3A_134 : memref<128xi32, #tpu.memory_space<vmem>>) semaphore(%arg12 : memref<!tpu.dma_semaphore, #tpu.memory_space<semaphore_mem>>)
      %dma_wait3A_138 = arith.constant 2 : i32
      %dma_wait3A_139 = arith.constant 0 : i32
      %dma_wait3A_140 = arith.constant 0 : i32
      %dma_wait3A_141 = tpu.memref_slice %arg5[%dma_wait3A_138, %dma_wait3A_139, %dma_wait3A_140] : memref<8x2x128xi32, #tpu.memory_space<vmem>> -> memref<1x1x128xi32, #tpu.memory_space<vmem>>
      %dma_wait3A_142 = tpu.memref_squeeze %dma_wait3A_141 : memref<1x1x128xi32, #tpu.memory_space<vmem>> -> memref<128xi32, #tpu.memory_space<vmem>>
      %dma_wait3A_143 = arith.constant 0 : i32
      %dma_wait3A_144 = arith.constant 0 : i32
      %dma_wait3A_145 = tpu.memref_slice %arg2[%dma_wait3A_143, %dma_wait3A_144] : memref<10240x128xf32, #tpu.memory_space<hbm>> -> memref<10240x128xf32, #tpu.memory_space<hbm>>
      tpu.wait_indirect_dma semaphore(%arg11 : memref<!tpu.dma_semaphore, #tpu.memory_space<semaphore_mem>>) src(%dma_wait3A_145 : memref<10240x128xf32, #tpu.memory_space<hbm>>) dst(%arg7 : memref<128x128xf32, #tpu.memory_space<vmem>>)
      %run_scoped3A_146 = arith.constant 2 : i32
      %run_scoped3A_147 = arith.constant 1 : i32
      "tpu.region"() ({
        %run_scoped3A_380 = tpu.sem_alloc : memref<!tpu.dma_semaphore, #tpu.memory_space<semaphore_mem>>
        %dma_start3A_381 = arith.constant 0 : i32
        %dma_start3A_382 = tpu.memref_slice %arg5[%run_scoped3A_146, %run_scoped3A_147, %dma_start3A_381] : memref<8x2x128xi32, #tpu.memory_space<vmem>> -> memref<1x1x128xi32, #tpu.memory_space<vmem>>
        %dma_start3A_383 = tpu.memref_squeeze %dma_start3A_382 : memref<1x1x128xi32, #tpu.memory_space<vmem>> -> memref<128xi32, #tpu.memory_space<vmem>>
        %dma_start3A_384 = arith.constant 0 : i32
        %dma_start3A_385 = arith.constant 0 : i32
        %dma_start3A_386 = tpu.memref_slice %arg9[%dma_start3A_384, %dma_start3A_385] : memref<10240x128xf32, #tpu.memory_space<vmem_shared>> -> memref<10240x128xf32, #tpu.memory_space<vmem_shared>>
        tpu.enqueue_indirect_dma source(%arg7 : memref<128x128xf32, #tpu.memory_space<vmem>>) target(%dma_start3A_386 : memref<10240x128xf32, #tpu.memory_space<vmem_shared>>) offsets(%dma_start3A_383 : memref<128xi32, #tpu.memory_space<vmem>>) semaphore(%run_scoped3A_380 : memref<!tpu.dma_semaphore, #tpu.memory_space<semaphore_mem>>) {add = true}
        %dma_wait3A_387 = arith.constant 0 : i32
        %dma_wait3A_388 = tpu.memref_slice %arg5[%run_scoped3A_146, %run_scoped3A_147, %dma_wait3A_387] : memref<8x2x128xi32, #tpu.memory_space<vmem>> -> memref<1x1x128xi32, #tpu.memory_space<vmem>>
        %dma_wait3A_389 = tpu.memref_squeeze %dma_wait3A_388 : memref<1x1x128xi32, #tpu.memory_space<vmem>> -> memref<128xi32, #tpu.memory_space<vmem>>
        %dma_wait3A_390 = arith.constant 0 : i32
        %dma_wait3A_391 = arith.constant 0 : i32
        %dma_wait3A_392 = tpu.memref_slice %arg9[%dma_wait3A_390, %dma_wait3A_391] : memref<10240x128xf32, #tpu.memory_space<vmem_shared>> -> memref<10240x128xf32, #tpu.memory_space<vmem_shared>>
        tpu.wait_indirect_dma semaphore(%run_scoped3A_380 : memref<!tpu.dma_semaphore, #tpu.memory_space<semaphore_mem>>) src(%arg7 : memref<128x128xf32, #tpu.memory_space<vmem>>) dst(%dma_wait3A_392 : memref<10240x128xf32, #tpu.memory_space<vmem_shared>>)
        tpu.yield
      }) : () -> ()
      %dma_start3A_148 = arith.constant 4 : i32
      %dma_start3A_149 = arith.constant 0 : i32
      %dma_start3A_150 = arith.constant 0 : i32
      %dma_start3A_151 = tpu.memref_slice %arg5[%dma_start3A_148, %dma_start3A_149, %dma_start3A_150] : memref<8x2x128xi32, #tpu.memory_space<vmem>> -> memref<1x1x128xi32, #tpu.memory_space<vmem>>
      %dma_start3A_152 = tpu.memref_squeeze %dma_start3A_151 : memref<1x1x128xi32, #tpu.memory_space<vmem>> -> memref<128xi32, #tpu.memory_space<vmem>>
      %dma_start3A_153 = arith.constant 0 : i32
      %dma_start3A_154 = arith.constant 0 : i32
      %dma_start3A_155 = tpu.memref_slice %arg2[%dma_start3A_153, %dma_start3A_154] : memref<10240x128xf32, #tpu.memory_space<hbm>> -> memref<10240x128xf32, #tpu.memory_space<hbm>>
      tpu.enqueue_indirect_dma source(%dma_start3A_155 : memref<10240x128xf32, #tpu.memory_space<hbm>>) target(%arg7 : memref<128x128xf32, #tpu.memory_space<vmem>>) offsets(%dma_start3A_152 : memref<128xi32, #tpu.memory_space<vmem>>) semaphore(%arg11 : memref<!tpu.dma_semaphore, #tpu.memory_space<semaphore_mem>>)
      %dma_wait3A_156 = arith.constant 3 : i32
      %dma_wait3A_157 = arith.constant 0 : i32
      %dma_wait3A_158 = arith.constant 0 : i32
      %dma_wait3A_159 = tpu.memref_slice %arg5[%dma_wait3A_156, %dma_wait3A_157, %dma_wait3A_158] : memref<8x2x128xi32, #tpu.memory_space<vmem>> -> memref<1x1x128xi32, #tpu.memory_space<vmem>>
      %dma_wait3A_160 = tpu.memref_squeeze %dma_wait3A_159 : memref<1x1x128xi32, #tpu.memory_space<vmem>> -> memref<128xi32, #tpu.memory_space<vmem>>
      %dma_wait3A_161 = arith.constant 0 : i32
      %dma_wait3A_162 = arith.constant 0 : i32
      %dma_wait3A_163 = tpu.memref_slice %arg2[%dma_wait3A_161, %dma_wait3A_162] : memref<10240x128xf32, #tpu.memory_space<hbm>> -> memref<10240x128xf32, #tpu.memory_space<hbm>>
      tpu.wait_indirect_dma semaphore(%arg12 : memref<!tpu.dma_semaphore, #tpu.memory_space<semaphore_mem>>) src(%dma_wait3A_163 : memref<10240x128xf32, #tpu.memory_space<hbm>>) dst(%arg8 : memref<128x128xf32, #tpu.memory_space<vmem>>)
      %run_scoped3A_164 = arith.constant 3 : i32
      %run_scoped3A_165 = arith.constant 1 : i32
      "tpu.region"() ({
        %run_scoped3A_380 = tpu.sem_alloc : memref<!tpu.dma_semaphore, #tpu.memory_space<semaphore_mem>>
        %dma_start3A_381 = arith.constant 0 : i32
        %dma_start3A_382 = tpu.memref_slice %arg5[%run_scoped3A_164, %run_scoped3A_165, %dma_start3A_381] : memref<8x2x128xi32, #tpu.memory_space<vmem>> -> memref<1x1x128xi32, #tpu.memory_space<vmem>>
        %dma_start3A_383 = tpu.memref_squeeze %dma_start3A_382 : memref<1x1x128xi32, #tpu.memory_space<vmem>> -> memref<128xi32, #tpu.memory_space<vmem>>
        %dma_start3A_384 = arith.constant 0 : i32
        %dma_start3A_385 = arith.constant 0 : i32
        %dma_start3A_386 = tpu.memref_slice %arg9[%dma_start3A_384, %dma_start3A_385] : memref<10240x128xf32, #tpu.memory_space<vmem_shared>> -> memref<10240x128xf32, #tpu.memory_space<vmem_shared>>
        tpu.enqueue_indirect_dma source(%arg8 : memref<128x128xf32, #tpu.memory_space<vmem>>) target(%dma_start3A_386 : memref<10240x128xf32, #tpu.memory_space<vmem_shared>>) offsets(%dma_start3A_383 : memref<128xi32, #tpu.memory_space<vmem>>) semaphore(%run_scoped3A_380 : memref<!tpu.dma_semaphore, #tpu.memory_space<semaphore_mem>>) {add = true}
        %dma_wait3A_387 = arith.constant 0 : i32
        %dma_wait3A_388 = tpu.memref_slice %arg5[%run_scoped3A_164, %run_scoped3A_165, %dma_wait3A_387] : memref<8x2x128xi32, #tpu.memory_space<vmem>> -> memref<1x1x128xi32, #tpu.memory_space<vmem>>
        %dma_wait3A_389 = tpu.memref_squeeze %dma_wait3A_388 : memref<1x1x128xi32, #tpu.memory_space<vmem>> -> memref<128xi32, #tpu.memory_space<vmem>>
        %dma_wait3A_390 = arith.constant 0 : i32
        %dma_wait3A_391 = arith.constant 0 : i32
        %dma_wait3A_392 = tpu.memref_slice %arg9[%dma_wait3A_390, %dma_wait3A_391] : memref<10240x128xf32, #tpu.memory_space<vmem_shared>> -> memref<10240x128xf32, #tpu.memory_space<vmem_shared>>
        tpu.wait_indirect_dma semaphore(%run_scoped3A_380 : memref<!tpu.dma_semaphore, #tpu.memory_space<semaphore_mem>>) src(%arg8 : memref<128x128xf32, #tpu.memory_space<vmem>>) dst(%dma_wait3A_392 : memref<10240x128xf32, #tpu.memory_space<vmem_shared>>)
        tpu.yield
      }) : () -> ()
      %dma_start3A_166 = arith.constant 5 : i32
      %dma_start3A_167 = arith.constant 0 : i32
      %dma_start3A_168 = arith.constant 0 : i32
      %dma_start3A_169 = tpu.memref_slice %arg5[%dma_start3A_166, %dma_start3A_167, %dma_start3A_168] : memref<8x2x128xi32, #tpu.memory_space<vmem>> -> memref<1x1x128xi32, #tpu.memory_space<vmem>>
      %dma_start3A_170 = tpu.memref_squeeze %dma_start3A_169 : memref<1x1x128xi32, #tpu.memory_space<vmem>> -> memref<128xi32, #tpu.memory_space<vmem>>
      %dma_start3A_171 = arith.constant 0 : i32
      %dma_start3A_172 = arith.constant 0 : i32
      %dma_start3A_173 = tpu.memref_slice %arg2[%dma_start3A_171, %dma_start3A_172] : memref<10240x128xf32, #tpu.memory_space<hbm>> -> memref<10240x128xf32, #tpu.memory_space<hbm>>
      tpu.enqueue_indirect_dma source(%dma_start3A_173 : memref<10240x128xf32, #tpu.memory_space<hbm>>) target(%arg8 : memref<128x128xf32, #tpu.memory_space<vmem>>) offsets(%dma_start3A_170 : memref<128xi32, #tpu.memory_space<vmem>>) semaphore(%arg12 : memref<!tpu.dma_semaphore, #tpu.memory_space<semaphore_mem>>)
      %dma_wait3A_174 = arith.constant 4 : i32
      %dma_wait3A_175 = arith.constant 0 : i32
      %dma_wait3A_176 = arith.constant 0 : i32
      %dma_wait3A_177 = tpu.memref_slice %arg5[%dma_wait3A_174, %dma_wait3A_175, %dma_wait3A_176] : memref<8x2x128xi32, #tpu.memory_space<vmem>> -> memref<1x1x128xi32, #tpu.memory_space<vmem>>
      %dma_wait3A_178 = tpu.memref_squeeze %dma_wait3A_177 : memref<1x1x128xi32, #tpu.memory_space<vmem>> -> memref<128xi32, #tpu.memory_space<vmem>>
      %dma_wait3A_179 = arith.constant 0 : i32
      %dma_wait3A_180 = arith.constant 0 : i32
      %dma_wait3A_181 = tpu.memref_slice %arg2[%dma_wait3A_179, %dma_wait3A_180] : memref<10240x128xf32, #tpu.memory_space<hbm>> -> memref<10240x128xf32, #tpu.memory_space<hbm>>
      tpu.wait_indirect_dma semaphore(%arg11 : memref<!tpu.dma_semaphore, #tpu.memory_space<semaphore_mem>>) src(%dma_wait3A_181 : memref<10240x128xf32, #tpu.memory_space<hbm>>) dst(%arg7 : memref<128x128xf32, #tpu.memory_space<vmem>>)
      %run_scoped3A_182 = arith.constant 4 : i32
      %run_scoped3A_183 = arith.constant 1 : i32
      "tpu.region"() ({
        %run_scoped3A_380 = tpu.sem_alloc : memref<!tpu.dma_semaphore, #tpu.memory_space<semaphore_mem>>
        %dma_start3A_381 = arith.constant 0 : i32
        %dma_start3A_382 = tpu.memref_slice %arg5[%run_scoped3A_182, %run_scoped3A_183, %dma_start3A_381] : memref<8x2x128xi32, #tpu.memory_space<vmem>> -> memref<1x1x128xi32, #tpu.memory_space<vmem>>
        %dma_start3A_383 = tpu.memref_squeeze %dma_start3A_382 : memref<1x1x128xi32, #tpu.memory_space<vmem>> -> memref<128xi32, #tpu.memory_space<vmem>>
        %dma_start3A_384 = arith.constant 0 : i32
        %dma_start3A_385 = arith.constant 0 : i32
        %dma_start3A_386 = tpu.memref_slice %arg9[%dma_start3A_384, %dma_start3A_385] : memref<10240x128xf32, #tpu.memory_space<vmem_shared>> -> memref<10240x128xf32, #tpu.memory_space<vmem_shared>>
        tpu.enqueue_indirect_dma source(%arg7 : memref<128x128xf32, #tpu.memory_space<vmem>>) target(%dma_start3A_386 : memref<10240x128xf32, #tpu.memory_space<vmem_shared>>) offsets(%dma_start3A_383 : memref<128xi32, #tpu.memory_space<vmem>>) semaphore(%run_scoped3A_380 : memref<!tpu.dma_semaphore, #tpu.memory_space<semaphore_mem>>) {add = true}
        %dma_wait3A_387 = arith.constant 0 : i32
        %dma_wait3A_388 = tpu.memref_slice %arg5[%run_scoped3A_182, %run_scoped3A_183, %dma_wait3A_387] : memref<8x2x128xi32, #tpu.memory_space<vmem>> -> memref<1x1x128xi32, #tpu.memory_space<vmem>>
        %dma_wait3A_389 = tpu.memref_squeeze %dma_wait3A_388 : memref<1x1x128xi32, #tpu.memory_space<vmem>> -> memref<128xi32, #tpu.memory_space<vmem>>
        %dma_wait3A_390 = arith.constant 0 : i32
        %dma_wait3A_391 = arith.constant 0 : i32
        %dma_wait3A_392 = tpu.memref_slice %arg9[%dma_wait3A_390, %dma_wait3A_391] : memref<10240x128xf32, #tpu.memory_space<vmem_shared>> -> memref<10240x128xf32, #tpu.memory_space<vmem_shared>>
        tpu.wait_indirect_dma semaphore(%run_scoped3A_380 : memref<!tpu.dma_semaphore, #tpu.memory_space<semaphore_mem>>) src(%arg7 : memref<128x128xf32, #tpu.memory_space<vmem>>) dst(%dma_wait3A_392 : memref<10240x128xf32, #tpu.memory_space<vmem_shared>>)
        tpu.yield
      }) : () -> ()
      %dma_start3A_184 = arith.constant 6 : i32
      %dma_start3A_185 = arith.constant 0 : i32
      %dma_start3A_186 = arith.constant 0 : i32
      %dma_start3A_187 = tpu.memref_slice %arg5[%dma_start3A_184, %dma_start3A_185, %dma_start3A_186] : memref<8x2x128xi32, #tpu.memory_space<vmem>> -> memref<1x1x128xi32, #tpu.memory_space<vmem>>
      %dma_start3A_188 = tpu.memref_squeeze %dma_start3A_187 : memref<1x1x128xi32, #tpu.memory_space<vmem>> -> memref<128xi32, #tpu.memory_space<vmem>>
      %dma_start3A_189 = arith.constant 0 : i32
      %dma_start3A_190 = arith.constant 0 : i32
      %dma_start3A_191 = tpu.memref_slice %arg2[%dma_start3A_189, %dma_start3A_190] : memref<10240x128xf32, #tpu.memory_space<hbm>> -> memref<10240x128xf32, #tpu.memory_space<hbm>>
      tpu.enqueue_indirect_dma source(%dma_start3A_191 : memref<10240x128xf32, #tpu.memory_space<hbm>>) target(%arg7 : memref<128x128xf32, #tpu.memory_space<vmem>>) offsets(%dma_start3A_188 : memref<128xi32, #tpu.memory_space<vmem>>) semaphore(%arg11 : memref<!tpu.dma_semaphore, #tpu.memory_space<semaphore_mem>>)
      %dma_wait3A_192 = arith.constant 5 : i32
      %dma_wait3A_193 = arith.constant 0 : i32
      %dma_wait3A_194 = arith.constant 0 : i32
      %dma_wait3A_195 = tpu.memref_slice %arg5[%dma_wait3A_192, %dma_wait3A_193, %dma_wait3A_194] : memref<8x2x128xi32, #tpu.memory_space<vmem>> -> memref<1x1x128xi32, #tpu.memory_space<vmem>>
      %dma_wait3A_196 = tpu.memref_squeeze %dma_wait3A_195 : memref<1x1x128xi32, #tpu.memory_space<vmem>> -> memref<128xi32, #tpu.memory_space<vmem>>
      %dma_wait3A_197 = arith.constant 0 : i32
      %dma_wait3A_198 = arith.constant 0 : i32
      %dma_wait3A_199 = tpu.memref_slice %arg2[%dma_wait3A_197, %dma_wait3A_198] : memref<10240x128xf32, #tpu.memory_space<hbm>> -> memref<10240x128xf32, #tpu.memory_space<hbm>>
      tpu.wait_indirect_dma semaphore(%arg12 : memref<!tpu.dma_semaphore, #tpu.memory_space<semaphore_mem>>) src(%dma_wait3A_199 : memref<10240x128xf32, #tpu.memory_space<hbm>>) dst(%arg8 : memref<128x128xf32, #tpu.memory_space<vmem>>)
      %run_scoped3A_200 = arith.constant 5 : i32
      %run_scoped3A_201 = arith.constant 1 : i32
      "tpu.region"() ({
        %run_scoped3A_380 = tpu.sem_alloc : memref<!tpu.dma_semaphore, #tpu.memory_space<semaphore_mem>>
        %dma_start3A_381 = arith.constant 0 : i32
        %dma_start3A_382 = tpu.memref_slice %arg5[%run_scoped3A_200, %run_scoped3A_201, %dma_start3A_381] : memref<8x2x128xi32, #tpu.memory_space<vmem>> -> memref<1x1x128xi32, #tpu.memory_space<vmem>>
        %dma_start3A_383 = tpu.memref_squeeze %dma_start3A_382 : memref<1x1x128xi32, #tpu.memory_space<vmem>> -> memref<128xi32, #tpu.memory_space<vmem>>
        %dma_start3A_384 = arith.constant 0 : i32
        %dma_start3A_385 = arith.constant 0 : i32
        %dma_start3A_386 = tpu.memref_slice %arg9[%dma_start3A_384, %dma_start3A_385] : memref<10240x128xf32, #tpu.memory_space<vmem_shared>> -> memref<10240x128xf32, #tpu.memory_space<vmem_shared>>
        tpu.enqueue_indirect_dma source(%arg8 : memref<128x128xf32, #tpu.memory_space<vmem>>) target(%dma_start3A_386 : memref<10240x128xf32, #tpu.memory_space<vmem_shared>>) offsets(%dma_start3A_383 : memref<128xi32, #tpu.memory_space<vmem>>) semaphore(%run_scoped3A_380 : memref<!tpu.dma_semaphore, #tpu.memory_space<semaphore_mem>>) {add = true}
        %dma_wait3A_387 = arith.constant 0 : i32
        %dma_wait3A_388 = tpu.memref_slice %arg5[%run_scoped3A_200, %run_scoped3A_201, %dma_wait3A_387] : memref<8x2x128xi32, #tpu.memory_space<vmem>> -> memref<1x1x128xi32, #tpu.memory_space<vmem>>
        %dma_wait3A_389 = tpu.memref_squeeze %dma_wait3A_388 : memref<1x1x128xi32, #tpu.memory_space<vmem>> -> memref<128xi32, #tpu.memory_space<vmem>>
        %dma_wait3A_390 = arith.constant 0 : i32
        %dma_wait3A_391 = arith.constant 0 : i32
        %dma_wait3A_392 = tpu.memref_slice %arg9[%dma_wait3A_390, %dma_wait3A_391] : memref<10240x128xf32, #tpu.memory_space<vmem_shared>> -> memref<10240x128xf32, #tpu.memory_space<vmem_shared>>
        tpu.wait_indirect_dma semaphore(%run_scoped3A_380 : memref<!tpu.dma_semaphore, #tpu.memory_space<semaphore_mem>>) src(%arg8 : memref<128x128xf32, #tpu.memory_space<vmem>>) dst(%dma_wait3A_392 : memref<10240x128xf32, #tpu.memory_space<vmem_shared>>)
        tpu.yield
      }) : () -> ()
      %dma_start3A_202 = arith.constant 7 : i32
      %dma_start3A_203 = arith.constant 0 : i32
      %dma_start3A_204 = arith.constant 0 : i32
      %dma_start3A_205 = tpu.memref_slice %arg5[%dma_start3A_202, %dma_start3A_203, %dma_start3A_204] : memref<8x2x128xi32, #tpu.memory_space<vmem>> -> memref<1x1x128xi32, #tpu.memory_space<vmem>>
      %dma_start3A_206 = tpu.memref_squeeze %dma_start3A_205 : memref<1x1x128xi32, #tpu.memory_space<vmem>> -> memref<128xi32, #tpu.memory_space<vmem>>
      %dma_start3A_207 = arith.constant 0 : i32
      %dma_start3A_208 = arith.constant 0 : i32
      %dma_start3A_209 = tpu.memref_slice %arg2[%dma_start3A_207, %dma_start3A_208] : memref<10240x128xf32, #tpu.memory_space<hbm>> -> memref<10240x128xf32, #tpu.memory_space<hbm>>
      tpu.enqueue_indirect_dma source(%dma_start3A_209 : memref<10240x128xf32, #tpu.memory_space<hbm>>) target(%arg8 : memref<128x128xf32, #tpu.memory_space<vmem>>) offsets(%dma_start3A_206 : memref<128xi32, #tpu.memory_space<vmem>>) semaphore(%arg12 : memref<!tpu.dma_semaphore, #tpu.memory_space<semaphore_mem>>)
      %dma_wait3A_210 = arith.constant 6 : i32
      %dma_wait3A_211 = arith.constant 0 : i32
      %dma_wait3A_212 = arith.constant 0 : i32
      %dma_wait3A_213 = tpu.memref_slice %arg5[%dma_wait3A_210, %dma_wait3A_211, %dma_wait3A_212] : memref<8x2x128xi32, #tpu.memory_space<vmem>> -> memref<1x1x128xi32, #tpu.memory_space<vmem>>
      %dma_wait3A_214 = tpu.memref_squeeze %dma_wait3A_213 : memref<1x1x128xi32, #tpu.memory_space<vmem>> -> memref<128xi32, #tpu.memory_space<vmem>>
      %dma_wait3A_215 = arith.constant 0 : i32
      %dma_wait3A_216 = arith.constant 0 : i32
      %dma_wait3A_217 = tpu.memref_slice %arg2[%dma_wait3A_215, %dma_wait3A_216] : memref<10240x128xf32, #tpu.memory_space<hbm>> -> memref<10240x128xf32, #tpu.memory_space<hbm>>
      tpu.wait_indirect_dma semaphore(%arg11 : memref<!tpu.dma_semaphore, #tpu.memory_space<semaphore_mem>>) src(%dma_wait3A_217 : memref<10240x128xf32, #tpu.memory_space<hbm>>) dst(%arg7 : memref<128x128xf32, #tpu.memory_space<vmem>>)
      %run_scoped3A_218 = arith.constant 6 : i32
      %run_scoped3A_219 = arith.constant 1 : i32
      "tpu.region"() ({
        %run_scoped3A_380 = tpu.sem_alloc : memref<!tpu.dma_semaphore, #tpu.memory_space<semaphore_mem>>
        %dma_start3A_381 = arith.constant 0 : i32
        %dma_start3A_382 = tpu.memref_slice %arg5[%run_scoped3A_218, %run_scoped3A_219, %dma_start3A_381] : memref<8x2x128xi32, #tpu.memory_space<vmem>> -> memref<1x1x128xi32, #tpu.memory_space<vmem>>
        %dma_start3A_383 = tpu.memref_squeeze %dma_start3A_382 : memref<1x1x128xi32, #tpu.memory_space<vmem>> -> memref<128xi32, #tpu.memory_space<vmem>>
        %dma_start3A_384 = arith.constant 0 : i32
        %dma_start3A_385 = arith.constant 0 : i32
        %dma_start3A_386 = tpu.memref_slice %arg9[%dma_start3A_384, %dma_start3A_385] : memref<10240x128xf32, #tpu.memory_space<vmem_shared>> -> memref<10240x128xf32, #tpu.memory_space<vmem_shared>>
        tpu.enqueue_indirect_dma source(%arg7 : memref<128x128xf32, #tpu.memory_space<vmem>>) target(%dma_start3A_386 : memref<10240x128xf32, #tpu.memory_space<vmem_shared>>) offsets(%dma_start3A_383 : memref<128xi32, #tpu.memory_space<vmem>>) semaphore(%run_scoped3A_380 : memref<!tpu.dma_semaphore, #tpu.memory_space<semaphore_mem>>) {add = true}
        %dma_wait3A_387 = arith.constant 0 : i32
        %dma_wait3A_388 = tpu.memref_slice %arg5[%run_scoped3A_218, %run_scoped3A_219, %dma_wait3A_387] : memref<8x2x128xi32, #tpu.memory_space<vmem>> -> memref<1x1x128xi32, #tpu.memory_space<vmem>>
        %dma_wait3A_389 = tpu.memref_squeeze %dma_wait3A_388 : memref<1x1x128xi32, #tpu.memory_space<vmem>> -> memref<128xi32, #tpu.memory_space<vmem>>
        %dma_wait3A_390 = arith.constant 0 : i32
        %dma_wait3A_391 = arith.constant 0 : i32
        %dma_wait3A_392 = tpu.memref_slice %arg9[%dma_wait3A_390, %dma_wait3A_391] : memref<10240x128xf32, #tpu.memory_space<vmem_shared>> -> memref<10240x128xf32, #tpu.memory_space<vmem_shared>>
        tpu.wait_indirect_dma semaphore(%run_scoped3A_380 : memref<!tpu.dma_semaphore, #tpu.memory_space<semaphore_mem>>) src(%arg7 : memref<128x128xf32, #tpu.memory_space<vmem>>) dst(%dma_wait3A_392 : memref<10240x128xf32, #tpu.memory_space<vmem_shared>>)
        tpu.yield
      }) : () -> ()
      %convert_element_type3A = arith.extui %lt3A : i1 to i32
      %cond3A = arith.constant 0 : i32
      %cond3A_220 = arith.cmpi ne, %convert_element_type3A, %cond3A : i32
      scf.if %cond3A_220 {
        %dma_wait3A_380 = arith.constant 0 : i32
        %dma_wait3A_381 = arith.constant 0 : i32
        %dma_wait3A_382 = arith.constant 0 : i32
        %dma_wait3A_383 = tpu.memref_slice %arg3[%arg1, %dma_wait3A_380, %dma_wait3A_381, %dma_wait3A_382] : memref<16x160x2x128xi32, #tpu.memory_space<hbm>> -> memref<1x8x2x128xi32, #tpu.memory_space<hbm>>
        %dma_wait3A_384 = tpu.memref_squeeze %dma_wait3A_383 : memref<1x8x2x128xi32, #tpu.memory_space<hbm>> -> memref<8x2x128xi32, #tpu.memory_space<hbm>>
        %dma_wait3A_385 = arith.constant 0 : i32
        %dma_wait3A_386 = arith.constant 0 : i32
        %dma_wait3A_387 = arith.constant 0 : i32
        %dma_wait3A_388 = tpu.memref_slice %arg3[%arg1, %dma_wait3A_385, %dma_wait3A_386, %dma_wait3A_387] : memref<16x160x2x128xi32, #tpu.memory_space<hbm>> -> memref<1x8x2x128xi32, #tpu.memory_space<hbm>>
        %dma_wait3A_389 = tpu.memref_squeeze %dma_wait3A_388 : memref<1x8x2x128xi32, #tpu.memory_space<hbm>> -> memref<8x2x128xi32, #tpu.memory_space<hbm>>
        tpu.wait_dma2 semaphore(%arg10 : memref<!tpu.dma_semaphore, #tpu.memory_space<semaphore_mem>>) src(%dma_wait3A_389 : memref<8x2x128xi32, #tpu.memory_space<hbm>>) dst(%arg6 : memref<8x2x128xi32, #tpu.memory_space<vmem>>)
        %dma_start3A_390 = arith.constant 0 : i32
        %dma_start3A_391 = arith.constant 0 : i32
        %dma_start3A_392 = arith.constant 0 : i32
        %dma_start3A_393 = tpu.memref_slice %arg6[%dma_start3A_390, %dma_start3A_391, %dma_start3A_392] : memref<8x2x128xi32, #tpu.memory_space<vmem>> -> memref<1x1x128xi32, #tpu.memory_space<vmem>>
        %dma_start3A_394 = tpu.memref_squeeze %dma_start3A_393 : memref<1x1x128xi32, #tpu.memory_space<vmem>> -> memref<128xi32, #tpu.memory_space<vmem>>
        %dma_start3A_395 = arith.constant 0 : i32
        %dma_start3A_396 = arith.constant 0 : i32
        %dma_start3A_397 = tpu.memref_slice %arg2[%dma_start3A_395, %dma_start3A_396] : memref<10240x128xf32, #tpu.memory_space<hbm>> -> memref<10240x128xf32, #tpu.memory_space<hbm>>
        tpu.enqueue_indirect_dma source(%dma_start3A_397 : memref<10240x128xf32, #tpu.memory_space<hbm>>) target(%arg7 : memref<128x128xf32, #tpu.memory_space<vmem>>) offsets(%dma_start3A_394 : memref<128xi32, #tpu.memory_space<vmem>>) semaphore(%arg11 : memref<!tpu.dma_semaphore, #tpu.memory_space<semaphore_mem>>)
      } else {
      }
      %dma_wait3A_221 = arith.constant 7 : i32
      %dma_wait3A_222 = arith.constant 0 : i32
      %dma_wait3A_223 = arith.constant 0 : i32
      %dma_wait3A_224 = tpu.memref_slice %arg5[%dma_wait3A_221, %dma_wait3A_222, %dma_wait3A_223] : memref<8x2x128xi32, #tpu.memory_space<vmem>> -> memref<1x1x128xi32, #tpu.memory_space<vmem>>
      %dma_wait3A_225 = tpu.memref_squeeze %dma_wait3A_224 : memref<1x1x128xi32, #tpu.memory_space<vmem>> -> memref<128xi32, #tpu.memory_space<vmem>>
      %dma_wait3A_226 = arith.constant 0 : i32
      %dma_wait3A_227 = arith.constant 0 : i32
      %dma_wait3A_228 = tpu.memref_slice %arg2[%dma_wait3A_226, %dma_wait3A_227] : memref<10240x128xf32, #tpu.memory_space<hbm>> -> memref<10240x128xf32, #tpu.memory_space<hbm>>
      tpu.wait_indirect_dma semaphore(%arg12 : memref<!tpu.dma_semaphore, #tpu.memory_space<semaphore_mem>>) src(%dma_wait3A_228 : memref<10240x128xf32, #tpu.memory_space<hbm>>) dst(%arg8 : memref<128x128xf32, #tpu.memory_space<vmem>>)
      %run_scoped3A_229 = arith.constant 7 : i32
      %run_scoped3A_230 = arith.constant 1 : i32
      "tpu.region"() ({
        %run_scoped3A_380 = tpu.sem_alloc : memref<!tpu.dma_semaphore, #tpu.memory_space<semaphore_mem>>
        %dma_start3A_381 = arith.constant 0 : i32
        %dma_start3A_382 = tpu.memref_slice %arg5[%run_scoped3A_229, %run_scoped3A_230, %dma_start3A_381] : memref<8x2x128xi32, #tpu.memory_space<vmem>> -> memref<1x1x128xi32, #tpu.memory_space<vmem>>
        %dma_start3A_383 = tpu.memref_squeeze %dma_start3A_382 : memref<1x1x128xi32, #tpu.memory_space<vmem>> -> memref<128xi32, #tpu.memory_space<vmem>>
        %dma_start3A_384 = arith.constant 0 : i32
        %dma_start3A_385 = arith.constant 0 : i32
        %dma_start3A_386 = tpu.memref_slice %arg9[%dma_start3A_384, %dma_start3A_385] : memref<10240x128xf32, #tpu.memory_space<vmem_shared>> -> memref<10240x128xf32, #tpu.memory_space<vmem_shared>>
        tpu.enqueue_indirect_dma source(%arg8 : memref<128x128xf32, #tpu.memory_space<vmem>>) target(%dma_start3A_386 : memref<10240x128xf32, #tpu.memory_space<vmem_shared>>) offsets(%dma_start3A_383 : memref<128xi32, #tpu.memory_space<vmem>>) semaphore(%run_scoped3A_380 : memref<!tpu.dma_semaphore, #tpu.memory_space<semaphore_mem>>) {add = true}
        %dma_wait3A_387 = arith.constant 0 : i32
        %dma_wait3A_388 = tpu.memref_slice %arg5[%run_scoped3A_229, %run_scoped3A_230, %dma_wait3A_387] : memref<8x2x128xi32, #tpu.memory_space<vmem>> -> memref<1x1x128xi32, #tpu.memory_space<vmem>>
        %dma_wait3A_389 = tpu.memref_squeeze %dma_wait3A_388 : memref<1x1x128xi32, #tpu.memory_space<vmem>> -> memref<128xi32, #tpu.memory_space<vmem>>
        %dma_wait3A_390 = arith.constant 0 : i32
        %dma_wait3A_391 = arith.constant 0 : i32
        %dma_wait3A_392 = tpu.memref_slice %arg9[%dma_wait3A_390, %dma_wait3A_391] : memref<10240x128xf32, #tpu.memory_space<vmem_shared>> -> memref<10240x128xf32, #tpu.memory_space<vmem_shared>>
        tpu.wait_indirect_dma semaphore(%run_scoped3A_380 : memref<!tpu.dma_semaphore, #tpu.memory_space<semaphore_mem>>) src(%arg8 : memref<128x128xf32, #tpu.memory_space<vmem>>) dst(%dma_wait3A_392 : memref<10240x128xf32, #tpu.memory_space<vmem_shared>>)
        tpu.yield
      }) : () -> ()
      %convert_element_type3A_231 = arith.extui %lt3A : i1 to i32
      %cond3A_232 = arith.constant 0 : i32
      %cond3A_233 = arith.cmpi ne, %convert_element_type3A_231, %cond3A_232 : i32
      scf.if %cond3A_233 {
        %dma_start3A_380 = arith.constant 1 : i32
        %dma_start3A_381 = arith.constant 0 : i32
        %dma_start3A_382 = arith.constant 0 : i32
        %dma_start3A_383 = tpu.memref_slice %arg6[%dma_start3A_380, %dma_start3A_381, %dma_start3A_382] : memref<8x2x128xi32, #tpu.memory_space<vmem>> -> memref<1x1x128xi32, #tpu.memory_space<vmem>>
        %dma_start3A_384 = tpu.memref_squeeze %dma_start3A_383 : memref<1x1x128xi32, #tpu.memory_space<vmem>> -> memref<128xi32, #tpu.memory_space<vmem>>
        %dma_start3A_385 = arith.constant 0 : i32
        %dma_start3A_386 = arith.constant 0 : i32
        %dma_start3A_387 = tpu.memref_slice %arg2[%dma_start3A_385, %dma_start3A_386] : memref<10240x128xf32, #tpu.memory_space<hbm>> -> memref<10240x128xf32, #tpu.memory_space<hbm>>
        tpu.enqueue_indirect_dma source(%dma_start3A_387 : memref<10240x128xf32, #tpu.memory_space<hbm>>) target(%arg8 : memref<128x128xf32, #tpu.memory_space<vmem>>) offsets(%dma_start3A_384 : memref<128xi32, #tpu.memory_space<vmem>>) semaphore(%arg12 : memref<!tpu.dma_semaphore, #tpu.memory_space<semaphore_mem>>)
      } else {
      }
      %convert_element_type3A_234 = arith.extui %lt3A_103 : i1 to i32
      %cond3A_235 = arith.constant 0 : i32
      %cond3A_236 = arith.cmpi ne, %convert_element_type3A_234, %cond3A_235 : i32
      scf.if %cond3A_236 {
        %add3A_380 = arith.constant 2 : i32
        %add3A_381 = arith.addi %add3A_96, %add3A_380 : i32
        %mul3A_382 = arith.constant 8 : i32
        %mul3A_383 = arith.muli %add3A_381, %mul3A_382 : i32
        %dma_start3A_384 = arith.constant 0 : i32
        %dma_start3A_385 = arith.constant 0 : i32
        %dma_start3A_386 = tpu.memref_slice %arg3[%arg1, %mul3A_383, %dma_start3A_384, %dma_start3A_385] : memref<16x160x2x128xi32, #tpu.memory_space<hbm>> -> memref<1x8x2x128xi32, #tpu.memory_space<hbm>>
        %dma_start3A_387 = tpu.memref_squeeze %dma_start3A_386 : memref<1x8x2x128xi32, #tpu.memory_space<hbm>> -> memref<8x2x128xi32, #tpu.memory_space<hbm>>
        %dma_start3A_388 = arith.constant 0 : i32
        %dma_start3A_389 = arith.constant 0 : i32
        %dma_start3A_390 = tpu.memref_slice %arg3[%arg1, %mul3A_383, %dma_start3A_388, %dma_start3A_389] : memref<16x160x2x128xi32, #tpu.memory_space<hbm>> -> memref<1x8x2x128xi32, #tpu.memory_space<hbm>>
        %dma_start3A_391 = tpu.memref_squeeze %dma_start3A_390 : memref<1x8x2x128xi32, #tpu.memory_space<hbm>> -> memref<8x2x128xi32, #tpu.memory_space<hbm>>
        tpu.enqueue_dma source(%dma_start3A_391 : memref<8x2x128xi32, #tpu.memory_space<hbm>>) target(%arg5 : memref<8x2x128xi32, #tpu.memory_space<vmem>>) target_semaphore(%arg10 : memref<!tpu.dma_semaphore, #tpu.memory_space<semaphore_mem>>)
      } else {
      }
      %sub3A_237 = arith.constant 1 : i32
      %sub3A_238 = arith.subi %select_n3A_6, %sub3A_237 : i32
      %lt3A_239 = arith.cmpi slt, %add3A_98, %sub3A_238 : i32
      %sub3A_240 = arith.constant 2 : i32
      %sub3A_241 = arith.subi %select_n3A_6, %sub3A_240 : i32
      %lt3A_242 = arith.cmpi slt, %add3A_98, %sub3A_241 : i32
      %dma_wait3A_243 = arith.constant 0 : i32
      %dma_wait3A_244 = arith.constant 0 : i32
      %dma_wait3A_245 = arith.constant 0 : i32
      %dma_wait3A_246 = tpu.memref_slice %arg6[%dma_wait3A_243, %dma_wait3A_244, %dma_wait3A_245] : memref<8x2x128xi32, #tpu.memory_space<vmem>> -> memref<1x1x128xi32, #tpu.memory_space<vmem>>
      %dma_wait3A_247 = tpu.memref_squeeze %dma_wait3A_246 : memref<1x1x128xi32, #tpu.memory_space<vmem>> -> memref<128xi32, #tpu.memory_space<vmem>>
      %dma_wait3A_248 = arith.constant 0 : i32
      %dma_wait3A_249 = arith.constant 0 : i32
      %dma_wait3A_250 = tpu.memref_slice %arg2[%dma_wait3A_248, %dma_wait3A_249] : memref<10240x128xf32, #tpu.memory_space<hbm>> -> memref<10240x128xf32, #tpu.memory_space<hbm>>
      tpu.wait_indirect_dma semaphore(%arg11 : memref<!tpu.dma_semaphore, #tpu.memory_space<semaphore_mem>>) src(%dma_wait3A_250 : memref<10240x128xf32, #tpu.memory_space<hbm>>) dst(%arg7 : memref<128x128xf32, #tpu.memory_space<vmem>>)
      %run_scoped3A_251 = arith.constant 0 : i32
      %run_scoped3A_252 = arith.constant 1 : i32
      "tpu.region"() ({
        %run_scoped3A_380 = tpu.sem_alloc : memref<!tpu.dma_semaphore, #tpu.memory_space<semaphore_mem>>
        %dma_start3A_381 = arith.constant 0 : i32
        %dma_start3A_382 = tpu.memref_slice %arg6[%run_scoped3A_251, %run_scoped3A_252, %dma_start3A_381] : memref<8x2x128xi32, #tpu.memory_space<vmem>> -> memref<1x1x128xi32, #tpu.memory_space<vmem>>
        %dma_start3A_383 = tpu.memref_squeeze %dma_start3A_382 : memref<1x1x128xi32, #tpu.memory_space<vmem>> -> memref<128xi32, #tpu.memory_space<vmem>>
        %dma_start3A_384 = arith.constant 0 : i32
        %dma_start3A_385 = arith.constant 0 : i32
        %dma_start3A_386 = tpu.memref_slice %arg9[%dma_start3A_384, %dma_start3A_385] : memref<10240x128xf32, #tpu.memory_space<vmem_shared>> -> memref<10240x128xf32, #tpu.memory_space<vmem_shared>>
        tpu.enqueue_indirect_dma source(%arg7 : memref<128x128xf32, #tpu.memory_space<vmem>>) target(%dma_start3A_386 : memref<10240x128xf32, #tpu.memory_space<vmem_shared>>) offsets(%dma_start3A_383 : memref<128xi32, #tpu.memory_space<vmem>>) semaphore(%run_scoped3A_380 : memref<!tpu.dma_semaphore, #tpu.memory_space<semaphore_mem>>) {add = true}
        %dma_wait3A_387 = arith.constant 0 : i32
        %dma_wait3A_388 = tpu.memref_slice %arg6[%run_scoped3A_251, %run_scoped3A_252, %dma_wait3A_387] : memref<8x2x128xi32, #tpu.memory_space<vmem>> -> memref<1x1x128xi32, #tpu.memory_space<vmem>>
        %dma_wait3A_389 = tpu.memref_squeeze %dma_wait3A_388 : memref<1x1x128xi32, #tpu.memory_space<vmem>> -> memref<128xi32, #tpu.memory_space<vmem>>
        %dma_wait3A_390 = arith.constant 0 : i32
        %dma_wait3A_391 = arith.constant 0 : i32
        %dma_wait3A_392 = tpu.memref_slice %arg9[%dma_wait3A_390, %dma_wait3A_391] : memref<10240x128xf32, #tpu.memory_space<vmem_shared>> -> memref<10240x128xf32, #tpu.memory_space<vmem_shared>>
        tpu.wait_indirect_dma semaphore(%run_scoped3A_380 : memref<!tpu.dma_semaphore, #tpu.memory_space<semaphore_mem>>) src(%arg7 : memref<128x128xf32, #tpu.memory_space<vmem>>) dst(%dma_wait3A_392 : memref<10240x128xf32, #tpu.memory_space<vmem_shared>>)
        tpu.yield
      }) : () -> ()
      %dma_start3A_253 = arith.constant 2 : i32
      %dma_start3A_254 = arith.constant 0 : i32
      %dma_start3A_255 = arith.constant 0 : i32
      %dma_start3A_256 = tpu.memref_slice %arg6[%dma_start3A_253, %dma_start3A_254, %dma_start3A_255] : memref<8x2x128xi32, #tpu.memory_space<vmem>> -> memref<1x1x128xi32, #tpu.memory_space<vmem>>
      %dma_start3A_257 = tpu.memref_squeeze %dma_start3A_256 : memref<1x1x128xi32, #tpu.memory_space<vmem>> -> memref<128xi32, #tpu.memory_space<vmem>>
      %dma_start3A_258 = arith.constant 0 : i32
      %dma_start3A_259 = arith.constant 0 : i32
      %dma_start3A_260 = tpu.memref_slice %arg2[%dma_start3A_258, %dma_start3A_259] : memref<10240x128xf32, #tpu.memory_space<hbm>> -> memref<10240x128xf32, #tpu.memory_space<hbm>>
      tpu.enqueue_indirect_dma source(%dma_start3A_260 : memref<10240x128xf32, #tpu.memory_space<hbm>>) target(%arg7 : memref<128x128xf32, #tpu.memory_space<vmem>>) offsets(%dma_start3A_257 : memref<128xi32, #tpu.memory_space<vmem>>) semaphore(%arg11 : memref<!tpu.dma_semaphore, #tpu.memory_space<semaphore_mem>>)
      %dma_wait3A_261 = arith.constant 1 : i32
      %dma_wait3A_262 = arith.constant 0 : i32
      %dma_wait3A_263 = arith.constant 0 : i32
      %dma_wait3A_264 = tpu.memref_slice %arg6[%dma_wait3A_261, %dma_wait3A_262, %dma_wait3A_263] : memref<8x2x128xi32, #tpu.memory_space<vmem>> -> memref<1x1x128xi32, #tpu.memory_space<vmem>>
      %dma_wait3A_265 = tpu.memref_squeeze %dma_wait3A_264 : memref<1x1x128xi32, #tpu.memory_space<vmem>> -> memref<128xi32, #tpu.memory_space<vmem>>
      %dma_wait3A_266 = arith.constant 0 : i32
      %dma_wait3A_267 = arith.constant 0 : i32
      %dma_wait3A_268 = tpu.memref_slice %arg2[%dma_wait3A_266, %dma_wait3A_267] : memref<10240x128xf32, #tpu.memory_space<hbm>> -> memref<10240x128xf32, #tpu.memory_space<hbm>>
      tpu.wait_indirect_dma semaphore(%arg12 : memref<!tpu.dma_semaphore, #tpu.memory_space<semaphore_mem>>) src(%dma_wait3A_268 : memref<10240x128xf32, #tpu.memory_space<hbm>>) dst(%arg8 : memref<128x128xf32, #tpu.memory_space<vmem>>)
      %run_scoped3A_269 = arith.constant 1 : i32
      %run_scoped3A_270 = arith.constant 1 : i32
      "tpu.region"() ({
        %run_scoped3A_380 = tpu.sem_alloc : memref<!tpu.dma_semaphore, #tpu.memory_space<semaphore_mem>>
        %dma_start3A_381 = arith.constant 0 : i32
        %dma_start3A_382 = tpu.memref_slice %arg6[%run_scoped3A_269, %run_scoped3A_270, %dma_start3A_381] : memref<8x2x128xi32, #tpu.memory_space<vmem>> -> memref<1x1x128xi32, #tpu.memory_space<vmem>>
        %dma_start3A_383 = tpu.memref_squeeze %dma_start3A_382 : memref<1x1x128xi32, #tpu.memory_space<vmem>> -> memref<128xi32, #tpu.memory_space<vmem>>
        %dma_start3A_384 = arith.constant 0 : i32
        %dma_start3A_385 = arith.constant 0 : i32
        %dma_start3A_386 = tpu.memref_slice %arg9[%dma_start3A_384, %dma_start3A_385] : memref<10240x128xf32, #tpu.memory_space<vmem_shared>> -> memref<10240x128xf32, #tpu.memory_space<vmem_shared>>
        tpu.enqueue_indirect_dma source(%arg8 : memref<128x128xf32, #tpu.memory_space<vmem>>) target(%dma_start3A_386 : memref<10240x128xf32, #tpu.memory_space<vmem_shared>>) offsets(%dma_start3A_383 : memref<128xi32, #tpu.memory_space<vmem>>) semaphore(%run_scoped3A_380 : memref<!tpu.dma_semaphore, #tpu.memory_space<semaphore_mem>>) {add = true}
        %dma_wait3A_387 = arith.constant 0 : i32
        %dma_wait3A_388 = tpu.memref_slice %arg6[%run_scoped3A_269, %run_scoped3A_270, %dma_wait3A_387] : memref<8x2x128xi32, #tpu.memory_space<vmem>> -> memref<1x1x128xi32, #tpu.memory_space<vmem>>
        %dma_wait3A_389 = tpu.memref_squeeze %dma_wait3A_388 : memref<1x1x128xi32, #tpu.memory_space<vmem>> -> memref<128xi32, #tpu.memory_space<vmem>>
        %dma_wait3A_390 = arith.constant 0 : i32
        %dma_wait3A_391 = arith.constant 0 : i32
        %dma_wait3A_392 = tpu.memref_slice %arg9[%dma_wait3A_390, %dma_wait3A_391] : memref<10240x128xf32, #tpu.memory_space<vmem_shared>> -> memref<10240x128xf32, #tpu.memory_space<vmem_shared>>
        tpu.wait_indirect_dma semaphore(%run_scoped3A_380 : memref<!tpu.dma_semaphore, #tpu.memory_space<semaphore_mem>>) src(%arg8 : memref<128x128xf32, #tpu.memory_space<vmem>>) dst(%dma_wait3A_392 : memref<10240x128xf32, #tpu.memory_space<vmem_shared>>)
        tpu.yield
      }) : () -> ()
      %dma_start3A_271 = arith.constant 3 : i32
      %dma_start3A_272 = arith.constant 0 : i32
      %dma_start3A_273 = arith.constant 0 : i32
      %dma_start3A_274 = tpu.memref_slice %arg6[%dma_start3A_271, %dma_start3A_272, %dma_start3A_273] : memref<8x2x128xi32, #tpu.memory_space<vmem>> -> memref<1x1x128xi32, #tpu.memory_space<vmem>>
      %dma_start3A_275 = tpu.memref_squeeze %dma_start3A_274 : memref<1x1x128xi32, #tpu.memory_space<vmem>> -> memref<128xi32, #tpu.memory_space<vmem>>
      %dma_start3A_276 = arith.constant 0 : i32
      %dma_start3A_277 = arith.constant 0 : i32
      %dma_start3A_278 = tpu.memref_slice %arg2[%dma_start3A_276, %dma_start3A_277] : memref<10240x128xf32, #tpu.memory_space<hbm>> -> memref<10240x128xf32, #tpu.memory_space<hbm>>
      tpu.enqueue_indirect_dma source(%dma_start3A_278 : memref<10240x128xf32, #tpu.memory_space<hbm>>) target(%arg8 : memref<128x128xf32, #tpu.memory_space<vmem>>) offsets(%dma_start3A_275 : memref<128xi32, #tpu.memory_space<vmem>>) semaphore(%arg12 : memref<!tpu.dma_semaphore, #tpu.memory_space<semaphore_mem>>)
      %dma_wait3A_279 = arith.constant 2 : i32
      %dma_wait3A_280 = arith.constant 0 : i32
      %dma_wait3A_281 = arith.constant 0 : i32
      %dma_wait3A_282 = tpu.memref_slice %arg6[%dma_wait3A_279, %dma_wait3A_280, %dma_wait3A_281] : memref<8x2x128xi32, #tpu.memory_space<vmem>> -> memref<1x1x128xi32, #tpu.memory_space<vmem>>
      %dma_wait3A_283 = tpu.memref_squeeze %dma_wait3A_282 : memref<1x1x128xi32, #tpu.memory_space<vmem>> -> memref<128xi32, #tpu.memory_space<vmem>>
      %dma_wait3A_284 = arith.constant 0 : i32
      %dma_wait3A_285 = arith.constant 0 : i32
      %dma_wait3A_286 = tpu.memref_slice %arg2[%dma_wait3A_284, %dma_wait3A_285] : memref<10240x128xf32, #tpu.memory_space<hbm>> -> memref<10240x128xf32, #tpu.memory_space<hbm>>
      tpu.wait_indirect_dma semaphore(%arg11 : memref<!tpu.dma_semaphore, #tpu.memory_space<semaphore_mem>>) src(%dma_wait3A_286 : memref<10240x128xf32, #tpu.memory_space<hbm>>) dst(%arg7 : memref<128x128xf32, #tpu.memory_space<vmem>>)
      %run_scoped3A_287 = arith.constant 2 : i32
      %run_scoped3A_288 = arith.constant 1 : i32
      "tpu.region"() ({
        %run_scoped3A_380 = tpu.sem_alloc : memref<!tpu.dma_semaphore, #tpu.memory_space<semaphore_mem>>
        %dma_start3A_381 = arith.constant 0 : i32
        %dma_start3A_382 = tpu.memref_slice %arg6[%run_scoped3A_287, %run_scoped3A_288, %dma_start3A_381] : memref<8x2x128xi32, #tpu.memory_space<vmem>> -> memref<1x1x128xi32, #tpu.memory_space<vmem>>
        %dma_start3A_383 = tpu.memref_squeeze %dma_start3A_382 : memref<1x1x128xi32, #tpu.memory_space<vmem>> -> memref<128xi32, #tpu.memory_space<vmem>>
        %dma_start3A_384 = arith.constant 0 : i32
        %dma_start3A_385 = arith.constant 0 : i32
        %dma_start3A_386 = tpu.memref_slice %arg9[%dma_start3A_384, %dma_start3A_385] : memref<10240x128xf32, #tpu.memory_space<vmem_shared>> -> memref<10240x128xf32, #tpu.memory_space<vmem_shared>>
        tpu.enqueue_indirect_dma source(%arg7 : memref<128x128xf32, #tpu.memory_space<vmem>>) target(%dma_start3A_386 : memref<10240x128xf32, #tpu.memory_space<vmem_shared>>) offsets(%dma_start3A_383 : memref<128xi32, #tpu.memory_space<vmem>>) semaphore(%run_scoped3A_380 : memref<!tpu.dma_semaphore, #tpu.memory_space<semaphore_mem>>) {add = true}
        %dma_wait3A_387 = arith.constant 0 : i32
        %dma_wait3A_388 = tpu.memref_slice %arg6[%run_scoped3A_287, %run_scoped3A_288, %dma_wait3A_387] : memref<8x2x128xi32, #tpu.memory_space<vmem>> -> memref<1x1x128xi32, #tpu.memory_space<vmem>>
        %dma_wait3A_389 = tpu.memref_squeeze %dma_wait3A_388 : memref<1x1x128xi32, #tpu.memory_space<vmem>> -> memref<128xi32, #tpu.memory_space<vmem>>
        %dma_wait3A_390 = arith.constant 0 : i32
        %dma_wait3A_391 = arith.constant 0 : i32
        %dma_wait3A_392 = tpu.memref_slice %arg9[%dma_wait3A_390, %dma_wait3A_391] : memref<10240x128xf32, #tpu.memory_space<vmem_shared>> -> memref<10240x128xf32, #tpu.memory_space<vmem_shared>>
        tpu.wait_indirect_dma semaphore(%run_scoped3A_380 : memref<!tpu.dma_semaphore, #tpu.memory_space<semaphore_mem>>) src(%arg7 : memref<128x128xf32, #tpu.memory_space<vmem>>) dst(%dma_wait3A_392 : memref<10240x128xf32, #tpu.memory_space<vmem_shared>>)
        tpu.yield
      }) : () -> ()
      %dma_start3A_289 = arith.constant 4 : i32
      %dma_start3A_290 = arith.constant 0 : i32
      %dma_start3A_291 = arith.constant 0 : i32
      %dma_start3A_292 = tpu.memref_slice %arg6[%dma_start3A_289, %dma_start3A_290, %dma_start3A_291] : memref<8x2x128xi32, #tpu.memory_space<vmem>> -> memref<1x1x128xi32, #tpu.memory_space<vmem>>
      %dma_start3A_293 = tpu.memref_squeeze %dma_start3A_292 : memref<1x1x128xi32, #tpu.memory_space<vmem>> -> memref<128xi32, #tpu.memory_space<vmem>>
      %dma_start3A_294 = arith.constant 0 : i32
      %dma_start3A_295 = arith.constant 0 : i32
      %dma_start3A_296 = tpu.memref_slice %arg2[%dma_start3A_294, %dma_start3A_295] : memref<10240x128xf32, #tpu.memory_space<hbm>> -> memref<10240x128xf32, #tpu.memory_space<hbm>>
      tpu.enqueue_indirect_dma source(%dma_start3A_296 : memref<10240x128xf32, #tpu.memory_space<hbm>>) target(%arg7 : memref<128x128xf32, #tpu.memory_space<vmem>>) offsets(%dma_start3A_293 : memref<128xi32, #tpu.memory_space<vmem>>) semaphore(%arg11 : memref<!tpu.dma_semaphore, #tpu.memory_space<semaphore_mem>>)
      %dma_wait3A_297 = arith.constant 3 : i32
      %dma_wait3A_298 = arith.constant 0 : i32
      %dma_wait3A_299 = arith.constant 0 : i32
      %dma_wait3A_300 = tpu.memref_slice %arg6[%dma_wait3A_297, %dma_wait3A_298, %dma_wait3A_299] : memref<8x2x128xi32, #tpu.memory_space<vmem>> -> memref<1x1x128xi32, #tpu.memory_space<vmem>>
      %dma_wait3A_301 = tpu.memref_squeeze %dma_wait3A_300 : memref<1x1x128xi32, #tpu.memory_space<vmem>> -> memref<128xi32, #tpu.memory_space<vmem>>
      %dma_wait3A_302 = arith.constant 0 : i32
      %dma_wait3A_303 = arith.constant 0 : i32
      %dma_wait3A_304 = tpu.memref_slice %arg2[%dma_wait3A_302, %dma_wait3A_303] : memref<10240x128xf32, #tpu.memory_space<hbm>> -> memref<10240x128xf32, #tpu.memory_space<hbm>>
      tpu.wait_indirect_dma semaphore(%arg12 : memref<!tpu.dma_semaphore, #tpu.memory_space<semaphore_mem>>) src(%dma_wait3A_304 : memref<10240x128xf32, #tpu.memory_space<hbm>>) dst(%arg8 : memref<128x128xf32, #tpu.memory_space<vmem>>)
      %run_scoped3A_305 = arith.constant 3 : i32
      %run_scoped3A_306 = arith.constant 1 : i32
      "tpu.region"() ({
        %run_scoped3A_380 = tpu.sem_alloc : memref<!tpu.dma_semaphore, #tpu.memory_space<semaphore_mem>>
        %dma_start3A_381 = arith.constant 0 : i32
        %dma_start3A_382 = tpu.memref_slice %arg6[%run_scoped3A_305, %run_scoped3A_306, %dma_start3A_381] : memref<8x2x128xi32, #tpu.memory_space<vmem>> -> memref<1x1x128xi32, #tpu.memory_space<vmem>>
        %dma_start3A_383 = tpu.memref_squeeze %dma_start3A_382 : memref<1x1x128xi32, #tpu.memory_space<vmem>> -> memref<128xi32, #tpu.memory_space<vmem>>
        %dma_start3A_384 = arith.constant 0 : i32
        %dma_start3A_385 = arith.constant 0 : i32
        %dma_start3A_386 = tpu.memref_slice %arg9[%dma_start3A_384, %dma_start3A_385] : memref<10240x128xf32, #tpu.memory_space<vmem_shared>> -> memref<10240x128xf32, #tpu.memory_space<vmem_shared>>
        tpu.enqueue_indirect_dma source(%arg8 : memref<128x128xf32, #tpu.memory_space<vmem>>) target(%dma_start3A_386 : memref<10240x128xf32, #tpu.memory_space<vmem_shared>>) offsets(%dma_start3A_383 : memref<128xi32, #tpu.memory_space<vmem>>) semaphore(%run_scoped3A_380 : memref<!tpu.dma_semaphore, #tpu.memory_space<semaphore_mem>>) {add = true}
        %dma_wait3A_387 = arith.constant 0 : i32
        %dma_wait3A_388 = tpu.memref_slice %arg6[%run_scoped3A_305, %run_scoped3A_306, %dma_wait3A_387] : memref<8x2x128xi32, #tpu.memory_space<vmem>> -> memref<1x1x128xi32, #tpu.memory_space<vmem>>
        %dma_wait3A_389 = tpu.memref_squeeze %dma_wait3A_388 : memref<1x1x128xi32, #tpu.memory_space<vmem>> -> memref<128xi32, #tpu.memory_space<vmem>>
        %dma_wait3A_390 = arith.constant 0 : i32
        %dma_wait3A_391 = arith.constant 0 : i32
        %dma_wait3A_392 = tpu.memref_slice %arg9[%dma_wait3A_390, %dma_wait3A_391] : memref<10240x128xf32, #tpu.memory_space<vmem_shared>> -> memref<10240x128xf32, #tpu.memory_space<vmem_shared>>
        tpu.wait_indirect_dma semaphore(%run_scoped3A_380 : memref<!tpu.dma_semaphore, #tpu.memory_space<semaphore_mem>>) src(%arg8 : memref<128x128xf32, #tpu.memory_space<vmem>>) dst(%dma_wait3A_392 : memref<10240x128xf32, #tpu.memory_space<vmem_shared>>)
        tpu.yield
      }) : () -> ()
      %dma_start3A_307 = arith.constant 5 : i32
      %dma_start3A_308 = arith.constant 0 : i32
      %dma_start3A_309 = arith.constant 0 : i32
      %dma_start3A_310 = tpu.memref_slice %arg6[%dma_start3A_307, %dma_start3A_308, %dma_start3A_309] : memref<8x2x128xi32, #tpu.memory_space<vmem>> -> memref<1x1x128xi32, #tpu.memory_space<vmem>>
      %dma_start3A_311 = tpu.memref_squeeze %dma_start3A_310 : memref<1x1x128xi32, #tpu.memory_space<vmem>> -> memref<128xi32, #tpu.memory_space<vmem>>
      %dma_start3A_312 = arith.constant 0 : i32
      %dma_start3A_313 = arith.constant 0 : i32
      %dma_start3A_314 = tpu.memref_slice %arg2[%dma_start3A_312, %dma_start3A_313] : memref<10240x128xf32, #tpu.memory_space<hbm>> -> memref<10240x128xf32, #tpu.memory_space<hbm>>
      tpu.enqueue_indirect_dma source(%dma_start3A_314 : memref<10240x128xf32, #tpu.memory_space<hbm>>) target(%arg8 : memref<128x128xf32, #tpu.memory_space<vmem>>) offsets(%dma_start3A_311 : memref<128xi32, #tpu.memory_space<vmem>>) semaphore(%arg12 : memref<!tpu.dma_semaphore, #tpu.memory_space<semaphore_mem>>)
      %dma_wait3A_315 = arith.constant 4 : i32
      %dma_wait3A_316 = arith.constant 0 : i32
      %dma_wait3A_317 = arith.constant 0 : i32
      %dma_wait3A_318 = tpu.memref_slice %arg6[%dma_wait3A_315, %dma_wait3A_316, %dma_wait3A_317] : memref<8x2x128xi32, #tpu.memory_space<vmem>> -> memref<1x1x128xi32, #tpu.memory_space<vmem>>
      %dma_wait3A_319 = tpu.memref_squeeze %dma_wait3A_318 : memref<1x1x128xi32, #tpu.memory_space<vmem>> -> memref<128xi32, #tpu.memory_space<vmem>>
      %dma_wait3A_320 = arith.constant 0 : i32
      %dma_wait3A_321 = arith.constant 0 : i32
      %dma_wait3A_322 = tpu.memref_slice %arg2[%dma_wait3A_320, %dma_wait3A_321] : memref<10240x128xf32, #tpu.memory_space<hbm>> -> memref<10240x128xf32, #tpu.memory_space<hbm>>
      tpu.wait_indirect_dma semaphore(%arg11 : memref<!tpu.dma_semaphore, #tpu.memory_space<semaphore_mem>>) src(%dma_wait3A_322 : memref<10240x128xf32, #tpu.memory_space<hbm>>) dst(%arg7 : memref<128x128xf32, #tpu.memory_space<vmem>>)
      %run_scoped3A_323 = arith.constant 4 : i32
      %run_scoped3A_324 = arith.constant 1 : i32
      "tpu.region"() ({
        %run_scoped3A_380 = tpu.sem_alloc : memref<!tpu.dma_semaphore, #tpu.memory_space<semaphore_mem>>
        %dma_start3A_381 = arith.constant 0 : i32
        %dma_start3A_382 = tpu.memref_slice %arg6[%run_scoped3A_323, %run_scoped3A_324, %dma_start3A_381] : memref<8x2x128xi32, #tpu.memory_space<vmem>> -> memref<1x1x128xi32, #tpu.memory_space<vmem>>
        %dma_start3A_383 = tpu.memref_squeeze %dma_start3A_382 : memref<1x1x128xi32, #tpu.memory_space<vmem>> -> memref<128xi32, #tpu.memory_space<vmem>>
        %dma_start3A_384 = arith.constant 0 : i32
        %dma_start3A_385 = arith.constant 0 : i32
        %dma_start3A_386 = tpu.memref_slice %arg9[%dma_start3A_384, %dma_start3A_385] : memref<10240x128xf32, #tpu.memory_space<vmem_shared>> -> memref<10240x128xf32, #tpu.memory_space<vmem_shared>>
        tpu.enqueue_indirect_dma source(%arg7 : memref<128x128xf32, #tpu.memory_space<vmem>>) target(%dma_start3A_386 : memref<10240x128xf32, #tpu.memory_space<vmem_shared>>) offsets(%dma_start3A_383 : memref<128xi32, #tpu.memory_space<vmem>>) semaphore(%run_scoped3A_380 : memref<!tpu.dma_semaphore, #tpu.memory_space<semaphore_mem>>) {add = true}
        %dma_wait3A_387 = arith.constant 0 : i32
        %dma_wait3A_388 = tpu.memref_slice %arg6[%run_scoped3A_323, %run_scoped3A_324, %dma_wait3A_387] : memref<8x2x128xi32, #tpu.memory_space<vmem>> -> memref<1x1x128xi32, #tpu.memory_space<vmem>>
        %dma_wait3A_389 = tpu.memref_squeeze %dma_wait3A_388 : memref<1x1x128xi32, #tpu.memory_space<vmem>> -> memref<128xi32, #tpu.memory_space<vmem>>
        %dma_wait3A_390 = arith.constant 0 : i32
        %dma_wait3A_391 = arith.constant 0 : i32
        %dma_wait3A_392 = tpu.memref_slice %arg9[%dma_wait3A_390, %dma_wait3A_391] : memref<10240x128xf32, #tpu.memory_space<vmem_shared>> -> memref<10240x128xf32, #tpu.memory_space<vmem_shared>>
        tpu.wait_indirect_dma semaphore(%run_scoped3A_380 : memref<!tpu.dma_semaphore, #tpu.memory_space<semaphore_mem>>) src(%arg7 : memref<128x128xf32, #tpu.memory_space<vmem>>) dst(%dma_wait3A_392 : memref<10240x128xf32, #tpu.memory_space<vmem_shared>>)
        tpu.yield
      }) : () -> ()
      %dma_start3A_325 = arith.constant 6 : i32
      %dma_start3A_326 = arith.constant 0 : i32
      %dma_start3A_327 = arith.constant 0 : i32
      %dma_start3A_328 = tpu.memref_slice %arg6[%dma_start3A_325, %dma_start3A_326, %dma_start3A_327] : memref<8x2x128xi32, #tpu.memory_space<vmem>> -> memref<1x1x128xi32, #tpu.memory_space<vmem>>
      %dma_start3A_329 = tpu.memref_squeeze %dma_start3A_328 : memref<1x1x128xi32, #tpu.memory_space<vmem>> -> memref<128xi32, #tpu.memory_space<vmem>>
      %dma_start3A_330 = arith.constant 0 : i32
      %dma_start3A_331 = arith.constant 0 : i32
      %dma_start3A_332 = tpu.memref_slice %arg2[%dma_start3A_330, %dma_start3A_331] : memref<10240x128xf32, #tpu.memory_space<hbm>> -> memref<10240x128xf32, #tpu.memory_space<hbm>>
      tpu.enqueue_indirect_dma source(%dma_start3A_332 : memref<10240x128xf32, #tpu.memory_space<hbm>>) target(%arg7 : memref<128x128xf32, #tpu.memory_space<vmem>>) offsets(%dma_start3A_329 : memref<128xi32, #tpu.memory_space<vmem>>) semaphore(%arg11 : memref<!tpu.dma_semaphore, #tpu.memory_space<semaphore_mem>>)
      %dma_wait3A_333 = arith.constant 5 : i32
      %dma_wait3A_334 = arith.constant 0 : i32
      %dma_wait3A_335 = arith.constant 0 : i32
      %dma_wait3A_336 = tpu.memref_slice %arg6[%dma_wait3A_333, %dma_wait3A_334, %dma_wait3A_335] : memref<8x2x128xi32, #tpu.memory_space<vmem>> -> memref<1x1x128xi32, #tpu.memory_space<vmem>>
      %dma_wait3A_337 = tpu.memref_squeeze %dma_wait3A_336 : memref<1x1x128xi32, #tpu.memory_space<vmem>> -> memref<128xi32, #tpu.memory_space<vmem>>
      %dma_wait3A_338 = arith.constant 0 : i32
      %dma_wait3A_339 = arith.constant 0 : i32
      %dma_wait3A_340 = tpu.memref_slice %arg2[%dma_wait3A_338, %dma_wait3A_339] : memref<10240x128xf32, #tpu.memory_space<hbm>> -> memref<10240x128xf32, #tpu.memory_space<hbm>>
      tpu.wait_indirect_dma semaphore(%arg12 : memref<!tpu.dma_semaphore, #tpu.memory_space<semaphore_mem>>) src(%dma_wait3A_340 : memref<10240x128xf32, #tpu.memory_space<hbm>>) dst(%arg8 : memref<128x128xf32, #tpu.memory_space<vmem>>)
      %run_scoped3A_341 = arith.constant 5 : i32
      %run_scoped3A_342 = arith.constant 1 : i32
      "tpu.region"() ({
        %run_scoped3A_380 = tpu.sem_alloc : memref<!tpu.dma_semaphore, #tpu.memory_space<semaphore_mem>>
        %dma_start3A_381 = arith.constant 0 : i32
        %dma_start3A_382 = tpu.memref_slice %arg6[%run_scoped3A_341, %run_scoped3A_342, %dma_start3A_381] : memref<8x2x128xi32, #tpu.memory_space<vmem>> -> memref<1x1x128xi32, #tpu.memory_space<vmem>>
        %dma_start3A_383 = tpu.memref_squeeze %dma_start3A_382 : memref<1x1x128xi32, #tpu.memory_space<vmem>> -> memref<128xi32, #tpu.memory_space<vmem>>
        %dma_start3A_384 = arith.constant 0 : i32
        %dma_start3A_385 = arith.constant 0 : i32
        %dma_start3A_386 = tpu.memref_slice %arg9[%dma_start3A_384, %dma_start3A_385] : memref<10240x128xf32, #tpu.memory_space<vmem_shared>> -> memref<10240x128xf32, #tpu.memory_space<vmem_shared>>
        tpu.enqueue_indirect_dma source(%arg8 : memref<128x128xf32, #tpu.memory_space<vmem>>) target(%dma_start3A_386 : memref<10240x128xf32, #tpu.memory_space<vmem_shared>>) offsets(%dma_start3A_383 : memref<128xi32, #tpu.memory_space<vmem>>) semaphore(%run_scoped3A_380 : memref<!tpu.dma_semaphore, #tpu.memory_space<semaphore_mem>>) {add = true}
        %dma_wait3A_387 = arith.constant 0 : i32
        %dma_wait3A_388 = tpu.memref_slice %arg6[%run_scoped3A_341, %run_scoped3A_342, %dma_wait3A_387] : memref<8x2x128xi32, #tpu.memory_space<vmem>> -> memref<1x1x128xi32, #tpu.memory_space<vmem>>
        %dma_wait3A_389 = tpu.memref_squeeze %dma_wait3A_388 : memref<1x1x128xi32, #tpu.memory_space<vmem>> -> memref<128xi32, #tpu.memory_space<vmem>>
        %dma_wait3A_390 = arith.constant 0 : i32
        %dma_wait3A_391 = arith.constant 0 : i32
        %dma_wait3A_392 = tpu.memref_slice %arg9[%dma_wait3A_390, %dma_wait3A_391] : memref<10240x128xf32, #tpu.memory_space<vmem_shared>> -> memref<10240x128xf32, #tpu.memory_space<vmem_shared>>
        tpu.wait_indirect_dma semaphore(%run_scoped3A_380 : memref<!tpu.dma_semaphore, #tpu.memory_space<semaphore_mem>>) src(%arg8 : memref<128x128xf32, #tpu.memory_space<vmem>>) dst(%dma_wait3A_392 : memref<10240x128xf32, #tpu.memory_space<vmem_shared>>)
        tpu.yield
      }) : () -> ()
      %dma_start3A_343 = arith.constant 7 : i32
      %dma_start3A_344 = arith.constant 0 : i32
      %dma_start3A_345 = arith.constant 0 : i32
      %dma_start3A_346 = tpu.memref_slice %arg6[%dma_start3A_343, %dma_start3A_344, %dma_start3A_345] : memref<8x2x128xi32, #tpu.memory_space<vmem>> -> memref<1x1x128xi32, #tpu.memory_space<vmem>>
      %dma_start3A_347 = tpu.memref_squeeze %dma_start3A_346 : memref<1x1x128xi32, #tpu.memory_space<vmem>> -> memref<128xi32, #tpu.memory_space<vmem>>
      %dma_start3A_348 = arith.constant 0 : i32
      %dma_start3A_349 = arith.constant 0 : i32
      %dma_start3A_350 = tpu.memref_slice %arg2[%dma_start3A_348, %dma_start3A_349] : memref<10240x128xf32, #tpu.memory_space<hbm>> -> memref<10240x128xf32, #tpu.memory_space<hbm>>
      tpu.enqueue_indirect_dma source(%dma_start3A_350 : memref<10240x128xf32, #tpu.memory_space<hbm>>) target(%arg8 : memref<128x128xf32, #tpu.memory_space<vmem>>) offsets(%dma_start3A_347 : memref<128xi32, #tpu.memory_space<vmem>>) semaphore(%arg12 : memref<!tpu.dma_semaphore, #tpu.memory_space<semaphore_mem>>)
      %dma_wait3A_351 = arith.constant 6 : i32
      %dma_wait3A_352 = arith.constant 0 : i32
      %dma_wait3A_353 = arith.constant 0 : i32
      %dma_wait3A_354 = tpu.memref_slice %arg6[%dma_wait3A_351, %dma_wait3A_352, %dma_wait3A_353] : memref<8x2x128xi32, #tpu.memory_space<vmem>> -> memref<1x1x128xi32, #tpu.memory_space<vmem>>
      %dma_wait3A_355 = tpu.memref_squeeze %dma_wait3A_354 : memref<1x1x128xi32, #tpu.memory_space<vmem>> -> memref<128xi32, #tpu.memory_space<vmem>>
      %dma_wait3A_356 = arith.constant 0 : i32
      %dma_wait3A_357 = arith.constant 0 : i32
      %dma_wait3A_358 = tpu.memref_slice %arg2[%dma_wait3A_356, %dma_wait3A_357] : memref<10240x128xf32, #tpu.memory_space<hbm>> -> memref<10240x128xf32, #tpu.memory_space<hbm>>
      tpu.wait_indirect_dma semaphore(%arg11 : memref<!tpu.dma_semaphore, #tpu.memory_space<semaphore_mem>>) src(%dma_wait3A_358 : memref<10240x128xf32, #tpu.memory_space<hbm>>) dst(%arg7 : memref<128x128xf32, #tpu.memory_space<vmem>>)
      %run_scoped3A_359 = arith.constant 6 : i32
      %run_scoped3A_360 = arith.constant 1 : i32
      "tpu.region"() ({
        %run_scoped3A_380 = tpu.sem_alloc : memref<!tpu.dma_semaphore, #tpu.memory_space<semaphore_mem>>
        %dma_start3A_381 = arith.constant 0 : i32
        %dma_start3A_382 = tpu.memref_slice %arg6[%run_scoped3A_359, %run_scoped3A_360, %dma_start3A_381] : memref<8x2x128xi32, #tpu.memory_space<vmem>> -> memref<1x1x128xi32, #tpu.memory_space<vmem>>
        %dma_start3A_383 = tpu.memref_squeeze %dma_start3A_382 : memref<1x1x128xi32, #tpu.memory_space<vmem>> -> memref<128xi32, #tpu.memory_space<vmem>>
        %dma_start3A_384 = arith.constant 0 : i32
        %dma_start3A_385 = arith.constant 0 : i32
        %dma_start3A_386 = tpu.memref_slice %arg9[%dma_start3A_384, %dma_start3A_385] : memref<10240x128xf32, #tpu.memory_space<vmem_shared>> -> memref<10240x128xf32, #tpu.memory_space<vmem_shared>>
        tpu.enqueue_indirect_dma source(%arg7 : memref<128x128xf32, #tpu.memory_space<vmem>>) target(%dma_start3A_386 : memref<10240x128xf32, #tpu.memory_space<vmem_shared>>) offsets(%dma_start3A_383 : memref<128xi32, #tpu.memory_space<vmem>>) semaphore(%run_scoped3A_380 : memref<!tpu.dma_semaphore, #tpu.memory_space<semaphore_mem>>) {add = true}
        %dma_wait3A_387 = arith.constant 0 : i32
        %dma_wait3A_388 = tpu.memref_slice %arg6[%run_scoped3A_359, %run_scoped3A_360, %dma_wait3A_387] : memref<8x2x128xi32, #tpu.memory_space<vmem>> -> memref<1x1x128xi32, #tpu.memory_space<vmem>>
        %dma_wait3A_389 = tpu.memref_squeeze %dma_wait3A_388 : memref<1x1x128xi32, #tpu.memory_space<vmem>> -> memref<128xi32, #tpu.memory_space<vmem>>
        %dma_wait3A_390 = arith.constant 0 : i32
        %dma_wait3A_391 = arith.constant 0 : i32
        %dma_wait3A_392 = tpu.memref_slice %arg9[%dma_wait3A_390, %dma_wait3A_391] : memref<10240x128xf32, #tpu.memory_space<vmem_shared>> -> memref<10240x128xf32, #tpu.memory_space<vmem_shared>>
        tpu.wait_indirect_dma semaphore(%run_scoped3A_380 : memref<!tpu.dma_semaphore, #tpu.memory_space<semaphore_mem>>) src(%arg7 : memref<128x128xf32, #tpu.memory_space<vmem>>) dst(%dma_wait3A_392 : memref<10240x128xf32, #tpu.memory_space<vmem_shared>>)
        tpu.yield
      }) : () -> ()
      %convert_element_type3A_361 = arith.extui %lt3A_239 : i1 to i32
      %cond3A_362 = arith.constant 0 : i32
      %cond3A_363 = arith.cmpi ne, %convert_element_type3A_361, %cond3A_362 : i32
      scf.if %cond3A_363 {
        %dma_wait3A_380 = arith.constant 0 : i32
        %dma_wait3A_381 = arith.constant 0 : i32
        %dma_wait3A_382 = arith.constant 0 : i32
        %dma_wait3A_383 = tpu.memref_slice %arg3[%arg1, %dma_wait3A_380, %dma_wait3A_381, %dma_wait3A_382] : memref<16x160x2x128xi32, #tpu.memory_space<hbm>> -> memref<1x8x2x128xi32, #tpu.memory_space<hbm>>
        %dma_wait3A_384 = tpu.memref_squeeze %dma_wait3A_383 : memref<1x8x2x128xi32, #tpu.memory_space<hbm>> -> memref<8x2x128xi32, #tpu.memory_space<hbm>>
        %dma_wait3A_385 = arith.constant 0 : i32
        %dma_wait3A_386 = arith.constant 0 : i32
        %dma_wait3A_387 = arith.constant 0 : i32
        %dma_wait3A_388 = tpu.memref_slice %arg3[%arg1, %dma_wait3A_385, %dma_wait3A_386, %dma_wait3A_387] : memref<16x160x2x128xi32, #tpu.memory_space<hbm>> -> memref<1x8x2x128xi32, #tpu.memory_space<hbm>>
        %dma_wait3A_389 = tpu.memref_squeeze %dma_wait3A_388 : memref<1x8x2x128xi32, #tpu.memory_space<hbm>> -> memref<8x2x128xi32, #tpu.memory_space<hbm>>
        tpu.wait_dma2 semaphore(%arg10 : memref<!tpu.dma_semaphore, #tpu.memory_space<semaphore_mem>>) src(%dma_wait3A_389 : memref<8x2x128xi32, #tpu.memory_space<hbm>>) dst(%arg5 : memref<8x2x128xi32, #tpu.memory_space<vmem>>)
        %dma_start3A_390 = arith.constant 0 : i32
        %dma_start3A_391 = arith.constant 0 : i32
        %dma_start3A_392 = arith.constant 0 : i32
        %dma_start3A_393 = tpu.memref_slice %arg5[%dma_start3A_390, %dma_start3A_391, %dma_start3A_392] : memref<8x2x128xi32, #tpu.memory_space<vmem>> -> memref<1x1x128xi32, #tpu.memory_space<vmem>>
        %dma_start3A_394 = tpu.memref_squeeze %dma_start3A_393 : memref<1x1x128xi32, #tpu.memory_space<vmem>> -> memref<128xi32, #tpu.memory_space<vmem>>
        %dma_start3A_395 = arith.constant 0 : i32
        %dma_start3A_396 = arith.constant 0 : i32
        %dma_start3A_397 = tpu.memref_slice %arg2[%dma_start3A_395, %dma_start3A_396] : memref<10240x128xf32, #tpu.memory_space<hbm>> -> memref<10240x128xf32, #tpu.memory_space<hbm>>
        tpu.enqueue_indirect_dma source(%dma_start3A_397 : memref<10240x128xf32, #tpu.memory_space<hbm>>) target(%arg7 : memref<128x128xf32, #tpu.memory_space<vmem>>) offsets(%dma_start3A_394 : memref<128xi32, #tpu.memory_space<vmem>>) semaphore(%arg11 : memref<!tpu.dma_semaphore, #tpu.memory_space<semaphore_mem>>)
      } else {
      }
      %dma_wait3A_364 = arith.constant 7 : i32
      %dma_wait3A_365 = arith.constant 0 : i32
      %dma_wait3A_366 = arith.constant 0 : i32
      %dma_wait3A_367 = tpu.memref_slice %arg6[%dma_wait3A_364, %dma_wait3A_365, %dma_wait3A_366] : memref<8x2x128xi32, #tpu.memory_space<vmem>> -> memref<1x1x128xi32, #tpu.memory_space<vmem>>
      %dma_wait3A_368 = tpu.memref_squeeze %dma_wait3A_367 : memref<1x1x128xi32, #tpu.memory_space<vmem>> -> memref<128xi32, #tpu.memory_space<vmem>>
      %dma_wait3A_369 = arith.constant 0 : i32
      %dma_wait3A_370 = arith.constant 0 : i32
      %dma_wait3A_371 = tpu.memref_slice %arg2[%dma_wait3A_369, %dma_wait3A_370] : memref<10240x128xf32, #tpu.memory_space<hbm>> -> memref<10240x128xf32, #tpu.memory_space<hbm>>
      tpu.wait_indirect_dma semaphore(%arg12 : memref<!tpu.dma_semaphore, #tpu.memory_space<semaphore_mem>>) src(%dma_wait3A_371 : memref<10240x128xf32, #tpu.memory_space<hbm>>) dst(%arg8 : memref<128x128xf32, #tpu.memory_space<vmem>>)
      %run_scoped3A_372 = arith.constant 7 : i32
      %run_scoped3A_373 = arith.constant 1 : i32
      "tpu.region"() ({
        %run_scoped3A_380 = tpu.sem_alloc : memref<!tpu.dma_semaphore, #tpu.memory_space<semaphore_mem>>
        %dma_start3A_381 = arith.constant 0 : i32
        %dma_start3A_382 = tpu.memref_slice %arg6[%run_scoped3A_372, %run_scoped3A_373, %dma_start3A_381] : memref<8x2x128xi32, #tpu.memory_space<vmem>> -> memref<1x1x128xi32, #tpu.memory_space<vmem>>
        %dma_start3A_383 = tpu.memref_squeeze %dma_start3A_382 : memref<1x1x128xi32, #tpu.memory_space<vmem>> -> memref<128xi32, #tpu.memory_space<vmem>>
        %dma_start3A_384 = arith.constant 0 : i32
        %dma_start3A_385 = arith.constant 0 : i32
        %dma_start3A_386 = tpu.memref_slice %arg9[%dma_start3A_384, %dma_start3A_385] : memref<10240x128xf32, #tpu.memory_space<vmem_shared>> -> memref<10240x128xf32, #tpu.memory_space<vmem_shared>>
        tpu.enqueue_indirect_dma source(%arg8 : memref<128x128xf32, #tpu.memory_space<vmem>>) target(%dma_start3A_386 : memref<10240x128xf32, #tpu.memory_space<vmem_shared>>) offsets(%dma_start3A_383 : memref<128xi32, #tpu.memory_space<vmem>>) semaphore(%run_scoped3A_380 : memref<!tpu.dma_semaphore, #tpu.memory_space<semaphore_mem>>) {add = true}
        %dma_wait3A_387 = arith.constant 0 : i32
        %dma_wait3A_388 = tpu.memref_slice %arg6[%run_scoped3A_372, %run_scoped3A_373, %dma_wait3A_387] : memref<8x2x128xi32, #tpu.memory_space<vmem>> -> memref<1x1x128xi32, #tpu.memory_space<vmem>>
        %dma_wait3A_389 = tpu.memref_squeeze %dma_wait3A_388 : memref<1x1x128xi32, #tpu.memory_space<vmem>> -> memref<128xi32, #tpu.memory_space<vmem>>
        %dma_wait3A_390 = arith.constant 0 : i32
        %dma_wait3A_391 = arith.constant 0 : i32
        %dma_wait3A_392 = tpu.memref_slice %arg9[%dma_wait3A_390, %dma_wait3A_391] : memref<10240x128xf32, #tpu.memory_space<vmem_shared>> -> memref<10240x128xf32, #tpu.memory_space<vmem_shared>>
        tpu.wait_indirect_dma semaphore(%run_scoped3A_380 : memref<!tpu.dma_semaphore, #tpu.memory_space<semaphore_mem>>) src(%arg8 : memref<128x128xf32, #tpu.memory_space<vmem>>) dst(%dma_wait3A_392 : memref<10240x128xf32, #tpu.memory_space<vmem_shared>>)
        tpu.yield
      }) : () -> ()
      %convert_element_type3A_374 = arith.extui %lt3A_239 : i1 to i32
      %cond3A_375 = arith.constant 0 : i32
      %cond3A_376 = arith.cmpi ne, %convert_element_type3A_374, %cond3A_375 : i32
      scf.if %cond3A_376 {
        %dma_start3A_380 = arith.constant 1 : i32
        %dma_start3A_381 = arith.constant 0 : i32
        %dma_start3A_382 = arith.constant 0 : i32
        %dma_start3A_383 = tpu.memref_slice %arg5[%dma_start3A_380, %dma_start3A_381, %dma_start3A_382] : memref<8x2x128xi32, #tpu.memory_space<vmem>> -> memref<1x1x128xi32, #tpu.memory_space<vmem>>
        %dma_start3A_384 = tpu.memref_squeeze %dma_start3A_383 : memref<1x1x128xi32, #tpu.memory_space<vmem>> -> memref<128xi32, #tpu.memory_space<vmem>>
        %dma_start3A_385 = arith.constant 0 : i32
        %dma_start3A_386 = arith.constant 0 : i32
        %dma_start3A_387 = tpu.memref_slice %arg2[%dma_start3A_385, %dma_start3A_386] : memref<10240x128xf32, #tpu.memory_space<hbm>> -> memref<10240x128xf32, #tpu.memory_space<hbm>>
        tpu.enqueue_indirect_dma source(%dma_start3A_387 : memref<10240x128xf32, #tpu.memory_space<hbm>>) target(%arg8 : memref<128x128xf32, #tpu.memory_space<vmem>>) offsets(%dma_start3A_384 : memref<128xi32, #tpu.memory_space<vmem>>) semaphore(%arg12 : memref<!tpu.dma_semaphore, #tpu.memory_space<semaphore_mem>>)
      } else {
      }
      %convert_element_type3A_377 = arith.extui %lt3A_242 : i1 to i32
      %cond3A_378 = arith.constant 0 : i32
      %cond3A_379 = arith.cmpi ne, %convert_element_type3A_377, %cond3A_378 : i32
      scf.if %cond3A_379 {
        %add3A_380 = arith.constant 2 : i32
        %add3A_381 = arith.addi %add3A_98, %add3A_380 : i32
        %mul3A_382 = arith.constant 8 : i32
        %mul3A_383 = arith.muli %add3A_381, %mul3A_382 : i32
        %dma_start3A_384 = arith.constant 0 : i32
        %dma_start3A_385 = arith.constant 0 : i32
        %dma_start3A_386 = tpu.memref_slice %arg3[%arg1, %mul3A_383, %dma_start3A_384, %dma_start3A_385] : memref<16x160x2x128xi32, #tpu.memory_space<hbm>> -> memref<1x8x2x128xi32, #tpu.memory_space<hbm>>
        %dma_start3A_387 = tpu.memref_squeeze %dma_start3A_386 : memref<1x8x2x128xi32, #tpu.memory_space<hbm>> -> memref<8x2x128xi32, #tpu.memory_space<hbm>>
        %dma_start3A_388 = arith.constant 0 : i32
        %dma_start3A_389 = arith.constant 0 : i32
        %dma_start3A_390 = tpu.memref_slice %arg3[%arg1, %mul3A_383, %dma_start3A_388, %dma_start3A_389] : memref<16x160x2x128xi32, #tpu.memory_space<hbm>> -> memref<1x8x2x128xi32, #tpu.memory_space<hbm>>
        %dma_start3A_391 = tpu.memref_squeeze %dma_start3A_390 : memref<1x8x2x128xi32, #tpu.memory_space<hbm>> -> memref<8x2x128xi32, #tpu.memory_space<hbm>>
        tpu.enqueue_dma source(%dma_start3A_391 : memref<8x2x128xi32, #tpu.memory_space<hbm>>) target(%arg6 : memref<8x2x128xi32, #tpu.memory_space<vmem>>) target_semaphore(%arg10 : memref<!tpu.dma_semaphore, #tpu.memory_space<semaphore_mem>>)
      } else {
      }
    }
    %barrier3A_88 = arith.constant 0 : index
    tpu.barrier barrier_id(%barrier3A_88)
    %mul3A_89 = arith.constant 640 : i32
    %mul3A_90 = arith.muli %arg1, %mul3A_89 : i32
    %mul3A_91 = arith.constant 640 : i32
    %mul3A_92 = arith.muli %arg1, %mul3A_91 : i32
    "tpu.region"() ({
      %run_scoped3A = tpu.sem_alloc : memref<!tpu.dma_semaphore, #tpu.memory_space<semaphore_mem>>
      %dma_start3A_93 = arith.constant 0 : i32
      %dma_start3A_94 = tpu.memref_slice %arg4[%arg0, %mul3A_92, %dma_start3A_93] : memref<2x10240x128xf32, #tpu.memory_space<hbm>> -> memref<1x640x128xf32, #tpu.memory_space<hbm>>
      %dma_start3A_95 = tpu.memref_squeeze %dma_start3A_94 : memref<1x640x128xf32, #tpu.memory_space<hbm>> -> memref<640x128xf32, #tpu.memory_space<hbm>>
      %dma_start3A_96 = arith.constant 0 : i32
      %dma_start3A_97 = tpu.memref_slice %arg9[%mul3A_90, %dma_start3A_96] : memref<10240x128xf32, #tpu.memory_space<vmem_shared>> -> memref<640x128xf32, #tpu.memory_space<vmem_shared>>
      tpu.enqueue_dma source(%dma_start3A_97 : memref<640x128xf32, #tpu.memory_space<vmem_shared>>) target(%dma_start3A_95 : memref<640x128xf32, #tpu.memory_space<hbm>>) target_semaphore(%run_scoped3A : memref<!tpu.dma_semaphore, #tpu.memory_space<semaphore_mem>>)
      %dma_wait3A = arith.constant 0 : i32
      %dma_wait3A_98 = tpu.memref_slice %arg4[%arg0, %mul3A_92, %dma_wait3A] : memref<2x10240x128xf32, #tpu.memory_space<hbm>> -> memref<1x640x128xf32, #tpu.memory_space<hbm>>
      %dma_wait3A_99 = tpu.memref_squeeze %dma_wait3A_98 : memref<1x640x128xf32, #tpu.memory_space<hbm>> -> memref<640x128xf32, #tpu.memory_space<hbm>>
      %dma_wait3A_100 = arith.constant 0 : i32
      %dma_wait3A_101 = tpu.memref_slice %arg9[%mul3A_90, %dma_wait3A_100] : memref<10240x128xf32, #tpu.memory_space<vmem_shared>> -> memref<640x128xf32, #tpu.memory_space<vmem_shared>>
      tpu.wait_dma2 semaphore(%run_scoped3A : memref<!tpu.dma_semaphore, #tpu.memory_space<semaphore_mem>>) src(%dma_wait3A_101 : memref<640x128xf32, #tpu.memory_space<vmem_shared>>) dst(%dma_wait3A_99 : memref<640x128xf32, #tpu.memory_space<hbm>>)
      tpu.yield
    }) : () -> ()
    return
  }
}

#map = affine_map<(d0, d1) -> (0, 0, 0, 0)>
#map1 = affine_map<(d0, d1) -> (0)>
#map2 = affine_map<(d0, d1) -> (0, 0)>
module attributes {stable_mosaic.version = 14 : i64} {
  func.func @_deg_body(%arg0: i32, %arg1: i32, %arg2: memref<2x16x80x128xi32, #tpu.memory_space<hbm>>, %arg3: memref<128xf32, #tpu.memory_space<hbm>>, %arg4: memref<640xf32, #tpu.memory_space<hbm>>, %arg5: memref<2x10240xf32, #tpu.memory_space<hbm>>, %arg6: memref<80x128xi32, #tpu.memory_space<vmem>>, %arg7: memref<128xf32, #tpu.memory_space<vmem>>, %arg8: memref<10240xf32, #tpu.memory_space<vmem_shared>>, %arg9: memref<!tpu.dma_semaphore, #tpu.memory_space<semaphore_mem>>) attributes {dimension_semantics = [#tpu.dimension_semantics<core_parallel>, #tpu.dimension_semantics<subcore_parallel>], iteration_bounds = array<i64: 2, 16>, scalar_prefetch = 0 : i64, scratch_operands = 4 : i64, tpu.core_type = #tpu.core_type<sc_vector_subcore>, window_params = [{transform_indices = #map}, {transform_indices = #map1}, {transform_indices = #map1}, {transform_indices = #map2}]} {
    "tpu.region"() ({
      %run_scoped3A = tpu.sem_alloc : memref<!tpu.dma_semaphore, #tpu.memory_space<semaphore_mem>>
      %dma_start3A = arith.constant 0 : i32
      %dma_start3A_11 = arith.constant 0 : i32
      %dma_start3A_12 = tpu.memref_slice %arg2[%arg0, %arg1, %dma_start3A, %dma_start3A_11] : memref<2x16x80x128xi32, #tpu.memory_space<hbm>> -> memref<1x1x80x128xi32, #tpu.memory_space<hbm>>
      %dma_start3A_13 = tpu.memref_squeeze %dma_start3A_12 : memref<1x1x80x128xi32, #tpu.memory_space<hbm>> -> memref<80x128xi32, #tpu.memory_space<hbm>>
      %dma_start3A_14 = arith.constant 0 : i32
      %dma_start3A_15 = arith.constant 0 : i32
      %dma_start3A_16 = tpu.memref_slice %arg2[%arg0, %arg1, %dma_start3A_14, %dma_start3A_15] : memref<2x16x80x128xi32, #tpu.memory_space<hbm>> -> memref<1x1x80x128xi32, #tpu.memory_space<hbm>>
      %dma_start3A_17 = tpu.memref_squeeze %dma_start3A_16 : memref<1x1x80x128xi32, #tpu.memory_space<hbm>> -> memref<80x128xi32, #tpu.memory_space<hbm>>
      tpu.enqueue_dma source(%dma_start3A_17 : memref<80x128xi32, #tpu.memory_space<hbm>>) target(%arg6 : memref<80x128xi32, #tpu.memory_space<vmem>>) target_semaphore(%run_scoped3A : memref<!tpu.dma_semaphore, #tpu.memory_space<semaphore_mem>>)
      %dma_wait3A = arith.constant 0 : i32
      %dma_wait3A_18 = arith.constant 0 : i32
      %dma_wait3A_19 = tpu.memref_slice %arg2[%arg0, %arg1, %dma_wait3A, %dma_wait3A_18] : memref<2x16x80x128xi32, #tpu.memory_space<hbm>> -> memref<1x1x80x128xi32, #tpu.memory_space<hbm>>
      %dma_wait3A_20 = tpu.memref_squeeze %dma_wait3A_19 : memref<1x1x80x128xi32, #tpu.memory_space<hbm>> -> memref<80x128xi32, #tpu.memory_space<hbm>>
      %dma_wait3A_21 = arith.constant 0 : i32
      %dma_wait3A_22 = arith.constant 0 : i32
      %dma_wait3A_23 = tpu.memref_slice %arg2[%arg0, %arg1, %dma_wait3A_21, %dma_wait3A_22] : memref<2x16x80x128xi32, #tpu.memory_space<hbm>> -> memref<1x1x80x128xi32, #tpu.memory_space<hbm>>
      %dma_wait3A_24 = tpu.memref_squeeze %dma_wait3A_23 : memref<1x1x80x128xi32, #tpu.memory_space<hbm>> -> memref<80x128xi32, #tpu.memory_space<hbm>>
      tpu.wait_dma2 semaphore(%run_scoped3A : memref<!tpu.dma_semaphore, #tpu.memory_space<semaphore_mem>>) src(%dma_wait3A_24 : memref<80x128xi32, #tpu.memory_space<hbm>>) dst(%arg6 : memref<80x128xi32, #tpu.memory_space<vmem>>)
      tpu.yield
    }) : () -> ()
    "tpu.region"() ({
      %run_scoped3A = tpu.sem_alloc : memref<!tpu.dma_semaphore, #tpu.memory_space<semaphore_mem>>
      tpu.enqueue_dma source(%arg3 : memref<128xf32, #tpu.memory_space<hbm>>) target(%arg7 : memref<128xf32, #tpu.memory_space<vmem>>) target_semaphore(%run_scoped3A : memref<!tpu.dma_semaphore, #tpu.memory_space<semaphore_mem>>)
      tpu.wait_dma2 semaphore(%run_scoped3A : memref<!tpu.dma_semaphore, #tpu.memory_space<semaphore_mem>>) src(%arg3 : memref<128xf32, #tpu.memory_space<hbm>>) dst(%arg7 : memref<128xf32, #tpu.memory_space<vmem>>)
      tpu.yield
    }) : () -> ()
    %mul3A = arith.constant 640 : i32
    %mul3A_0 = arith.muli %arg1, %mul3A : i32
    "tpu.region"() ({
      %run_scoped3A = tpu.sem_alloc : memref<!tpu.dma_semaphore, #tpu.memory_space<semaphore_mem>>
      %dma_start3A = tpu.memref_slice %arg8[%mul3A_0] : memref<10240xf32, #tpu.memory_space<vmem_shared>> -> memref<640xf32, #tpu.memory_space<vmem_shared>>
      tpu.enqueue_dma source(%arg4 : memref<640xf32, #tpu.memory_space<hbm>>) target(%dma_start3A : memref<640xf32, #tpu.memory_space<vmem_shared>>) target_semaphore(%run_scoped3A : memref<!tpu.dma_semaphore, #tpu.memory_space<semaphore_mem>>)
      %dma_wait3A = tpu.memref_slice %arg8[%mul3A_0] : memref<10240xf32, #tpu.memory_space<vmem_shared>> -> memref<640xf32, #tpu.memory_space<vmem_shared>>
      tpu.wait_dma2 semaphore(%run_scoped3A : memref<!tpu.dma_semaphore, #tpu.memory_space<semaphore_mem>>) src(%arg4 : memref<640xf32, #tpu.memory_space<hbm>>) dst(%dma_wait3A : memref<640xf32, #tpu.memory_space<vmem_shared>>)
      tpu.yield
    }) : () -> ()
    %barrier3A = arith.constant 0 : index
    tpu.barrier barrier_id(%barrier3A)
    %scan3A = arith.constant 0 : i32
    %scan3A_1 = arith.constant 0 : i32
    %scan3A_2 = arith.constant 80 : i32
    %scan3A_3 = arith.addi %scan3A_1, %scan3A_2 : i32
    %scan3A_4 = arith.constant 1 : i32
    scf.for %scan3A_11 = %scan3A_1 to %scan3A_3 step %scan3A_4  : i32 {
      "tpu.region"() ({
        %run_scoped3A = tpu.sem_alloc : memref<!tpu.dma_semaphore, #tpu.memory_space<semaphore_mem>>
        %dma_start3A = arith.constant 0 : i32
        %dma_start3A_12 = tpu.memref_slice %arg6[%scan3A_11, %dma_start3A] : memref<80x128xi32, #tpu.memory_space<vmem>> -> memref<1x128xi32, #tpu.memory_space<vmem>>
        %dma_start3A_13 = tpu.memref_squeeze %dma_start3A_12 : memref<1x128xi32, #tpu.memory_space<vmem>> -> memref<128xi32, #tpu.memory_space<vmem>>
        %dma_start3A_14 = arith.constant 0 : i32
        %dma_start3A_15 = tpu.memref_slice %arg8[%dma_start3A_14] : memref<10240xf32, #tpu.memory_space<vmem_shared>> -> memref<10240xf32, #tpu.memory_space<vmem_shared>>
        tpu.enqueue_indirect_dma source(%arg7 : memref<128xf32, #tpu.memory_space<vmem>>) target(%dma_start3A_15 : memref<10240xf32, #tpu.memory_space<vmem_shared>>) offsets(%dma_start3A_13 : memref<128xi32, #tpu.memory_space<vmem>>) semaphore(%run_scoped3A : memref<!tpu.dma_semaphore, #tpu.memory_space<semaphore_mem>>) {add = true}
        %dma_wait3A = arith.constant 0 : i32
        %dma_wait3A_16 = tpu.memref_slice %arg6[%scan3A_11, %dma_wait3A] : memref<80x128xi32, #tpu.memory_space<vmem>> -> memref<1x128xi32, #tpu.memory_space<vmem>>
        %dma_wait3A_17 = tpu.memref_squeeze %dma_wait3A_16 : memref<1x128xi32, #tpu.memory_space<vmem>> -> memref<128xi32, #tpu.memory_space<vmem>>
        %dma_wait3A_18 = arith.constant 0 : i32
        %dma_wait3A_19 = tpu.memref_slice %arg8[%dma_wait3A_18] : memref<10240xf32, #tpu.memory_space<vmem_shared>> -> memref<10240xf32, #tpu.memory_space<vmem_shared>>
        tpu.wait_indirect_dma semaphore(%run_scoped3A : memref<!tpu.dma_semaphore, #tpu.memory_space<semaphore_mem>>) src(%arg7 : memref<128xf32, #tpu.memory_space<vmem>>) dst(%dma_wait3A_19 : memref<10240xf32, #tpu.memory_space<vmem_shared>>)
        tpu.yield
      }) : () -> ()
    }
    %scan3A_5 = arith.constant 80 : i32
    %barrier3A_6 = arith.constant 0 : index
    tpu.barrier barrier_id(%barrier3A_6)
    %mul3A_7 = arith.constant 640 : i32
    %mul3A_8 = arith.muli %arg1, %mul3A_7 : i32
    %mul3A_9 = arith.constant 640 : i32
    %mul3A_10 = arith.muli %arg1, %mul3A_9 : i32
    "tpu.region"() ({
      %run_scoped3A = tpu.sem_alloc : memref<!tpu.dma_semaphore, #tpu.memory_space<semaphore_mem>>
      %dma_start3A = tpu.memref_slice %arg5[%arg0, %mul3A_10] : memref<2x10240xf32, #tpu.memory_space<hbm>> -> memref<1x640xf32, #tpu.memory_space<hbm>>
      %dma_start3A_11 = tpu.memref_squeeze %dma_start3A : memref<1x640xf32, #tpu.memory_space<hbm>> -> memref<640xf32, #tpu.memory_space<hbm>>
      %dma_start3A_12 = tpu.memref_slice %arg8[%mul3A_8] : memref<10240xf32, #tpu.memory_space<vmem_shared>> -> memref<640xf32, #tpu.memory_space<vmem_shared>>
      tpu.enqueue_dma source(%dma_start3A_12 : memref<640xf32, #tpu.memory_space<vmem_shared>>) target(%dma_start3A_11 : memref<640xf32, #tpu.memory_space<hbm>>) target_semaphore(%run_scoped3A : memref<!tpu.dma_semaphore, #tpu.memory_space<semaphore_mem>>)
      %dma_wait3A = tpu.memref_slice %arg5[%arg0, %mul3A_10] : memref<2x10240xf32, #tpu.memory_space<hbm>> -> memref<1x640xf32, #tpu.memory_space<hbm>>
      %dma_wait3A_13 = tpu.memref_squeeze %dma_wait3A : memref<1x640xf32, #tpu.memory_space<hbm>> -> memref<640xf32, #tpu.memory_space<hbm>>
      %dma_wait3A_14 = tpu.memref_slice %arg8[%mul3A_8] : memref<10240xf32, #tpu.memory_space<vmem_shared>> -> memref<640xf32, #tpu.memory_space<vmem_shared>>
      tpu.wait_dma2 semaphore(%run_scoped3A : memref<!tpu.dma_semaphore, #tpu.memory_space<semaphore_mem>>) src(%dma_wait3A_14 : memref<640xf32, #tpu.memory_space<vmem_shared>>) dst(%dma_wait3A_13 : memref<640xf32, #tpu.memory_space<hbm>>)
      tpu.yield
    }) : () -> ()
    return
  }
}

module attributes {stable_mosaic.version = 14 : i64} {
  func.func @_matmul_scale_body(%arg0: i32, %arg1: memref<1024x128xf32, #tpu.memory_space<vmem>>, %arg2: memref<128x128xf32, #tpu.memory_space<vmem>>, %arg3: memref<2x10240xf32, #tpu.memory_space<vmem>>, %arg4: memref<1024x128xf32, #tpu.memory_space<vmem>>) attributes {dimension_semantics = [#tpu.dimension_semantics<arbitrary>], iteration_bounds = array<i64: 10>, scalar_prefetch = 0 : i64, scratch_operands = 0 : i64, tpu.core_type = #tpu.core_type<tc>, window_params = [{transform_indices = @transform_0, window_bounds = array<i64: 1024, 128>}, {pipeline_mode = #tpu.pipeline_mode<synchronous>, transform_indices = @transform_1, window_bounds = array<i64: 128, 128>}, {pipeline_mode = #tpu.pipeline_mode<synchronous>, transform_indices = @transform_2, window_bounds = array<i64: 2, 10240>}, {transform_indices = @transform_3, window_bounds = array<i64: 1024, 128>}]} {
    %get3A = arith.constant 0 : index
    %get3A_0 = arith.constant 0 : index
    %get3A_1 = vector.load %arg1[%get3A, %get3A_0] : memref<1024x128xf32, #tpu.memory_space<vmem>>, vector<1024x128xf32>
    %get3A_2 = arith.constant 0 : index
    %get3A_3 = arith.constant 0 : index
    %get3A_4 = vector.load %arg2[%get3A_2, %get3A_3] : memref<128x128xf32, #tpu.memory_space<vmem>>, vector<128x128xf32>
    %dot_general3A = arith.constant dense<0.000000e+00> : vector<1024x128xf32>
    %dot_general3A_5 = tpu.matmul %get3A_1, %get3A_4, %dot_general3A {dimension_numbers = #tpu.dot_dimension_numbers<[1], [0], [0], [1], [0, 0, 1, 1], [], []>, transpose_lhs_hint = false} : vector<1024x128xf32>, vector<128x128xf32>, vector<1024x128xf32> -> vector<1024x128xf32>
    %mul3A = arith.constant 1024 : i32
    %mul3A_6 = arith.muli %arg0, %mul3A : i32
    %get3A_7 = arith.constant 0 : index
    %get3A_8 = arith.index_cast %mul3A_6 : i32 to index
    %get3A_9 = vector.load %arg3[%get3A_7, %get3A_8] : memref<2x10240xf32, #tpu.memory_space<vmem>>, vector<1x1024xf32>
    %get3A_10 = vector.shape_cast %get3A_9 : vector<1x1024xf32> to vector<1024xf32>
    %mul3A_11 = arith.constant 1024 : i32
    %mul3A_12 = arith.muli %arg0, %mul3A_11 : i32
    %get3A_13 = arith.constant 1 : index
    %get3A_14 = arith.index_cast %mul3A_12 : i32 to index
    %get3A_15 = vector.load %arg3[%get3A_13, %get3A_14] : memref<2x10240xf32, #tpu.memory_space<vmem>>, vector<1x1024xf32>
    %get3A_16 = vector.shape_cast %get3A_15 : vector<1x1024xf32> to vector<1024xf32>
    %add3A = arith.addf %get3A_10, %get3A_16 : vector<1024xf32>
    %add3A_17 = arith.constant 1.000000e+00 : f32
    %add3A_18 = vector.broadcast %add3A_17 : f32 to vector<1024xf32>
    %add3A_19 = arith.addf %add3A, %add3A_18 : vector<1024xf32>
    %rsqrt3A = math.rsqrt %add3A_19 : vector<1024xf32>
    %broadcast_in_dim3A = vector.shape_cast %rsqrt3A : vector<1024xf32> to vector<1024x1xf32>
    %mul3A_20 = vector.broadcast %broadcast_in_dim3A : vector<1024x1xf32> to vector<1024x128xf32>
    %mul3A_21 = arith.mulf %dot_general3A_5, %mul3A_20 : vector<1024x128xf32>
    %swap3A = arith.constant 0 : index
    %swap3A_22 = arith.constant 0 : index
    %swap3A_23 = vector.load %arg4[%swap3A, %swap3A_22] : memref<1024x128xf32, #tpu.memory_space<vmem>>, vector<1024x128xf32>
    tpu.vector_store %arg4[%swap3A, %swap3A_22], %mul3A_21 {strides = array<i32>} : memref<1024x128xf32, #tpu.memory_space<vmem>>, vector<1024x128xf32>,
    return
  }
  func.func @transform_0(%arg0: i32) -> (i32, i32) {
    %c0_i32 = arith.constant 0 : i32
    %c0_i32_0 = arith.constant 0 : i32
    return %arg0, %c0_i32 : i32, i32
  }
  func.func @transform_1(%arg0: i32) -> (i32, i32) {
    %c0_i32 = arith.constant 0 : i32
    %c0_i32_0 = arith.constant 0 : i32
    %c0_i32_1 = arith.constant 0 : i32
    return %c0_i32, %c0_i32_0 : i32, i32
  }
  func.func @transform_2(%arg0: i32) -> (i32, i32) {
    %c0_i32 = arith.constant 0 : i32
    %c0_i32_0 = arith.constant 0 : i32
    %c0_i32_1 = arith.constant 0 : i32
    return %c0_i32, %c0_i32_0 : i32, i32
  }
  func.func @transform_3(%arg0: i32) -> (i32, i32) {
    %c0_i32 = arith.constant 0 : i32
    %c0_i32_0 = arith.constant 0 : i32
    return %arg0, %c0_i32 : i32, i32
  }
}

module attributes {stable_mosaic.version = 14 : i64} {
  func.func @_finalize_body(%arg0: i32, %arg1: memref<2x1024x128xf32, #tpu.memory_space<vmem>>, %arg2: memref<1024x128xf32, #tpu.memory_space<vmem>>, %arg3: memref<2x10240xf32, #tpu.memory_space<vmem>>, %arg4: memref<128xf32, #tpu.memory_space<vmem>>, %arg5: memref<1024x128xf32, #tpu.memory_space<vmem>>) attributes {dimension_semantics = [#tpu.dimension_semantics<arbitrary>], iteration_bounds = array<i64: 10>, scalar_prefetch = 0 : i64, scratch_operands = 0 : i64, tpu.core_type = #tpu.core_type<tc>, window_params = [{transform_indices = @transform_0, window_bounds = array<i64: 2, 1024, 128>}, {transform_indices = @transform_1, window_bounds = array<i64: 1024, 128>}, {pipeline_mode = #tpu.pipeline_mode<synchronous>, transform_indices = @transform_2, window_bounds = array<i64: 2, 10240>}, {pipeline_mode = #tpu.pipeline_mode<synchronous>, transform_indices = @transform_3, window_bounds = array<i64: 128>}, {transform_indices = @transform_4, window_bounds = array<i64: 1024, 128>}]} {
    %get3A = arith.constant 0 : index
    %get3A_0 = arith.constant 0 : index
    %get3A_1 = arith.constant 0 : index
    %get3A_2 = vector.load %arg1[%get3A, %get3A_0, %get3A_1] : memref<2x1024x128xf32, #tpu.memory_space<vmem>>, vector<1x1024x128xf32>
    %get3A_3 = vector.shape_cast %get3A_2 : vector<1x1024x128xf32> to vector<1024x128xf32>
    %get3A_4 = arith.constant 1 : index
    %get3A_5 = arith.constant 0 : index
    %get3A_6 = arith.constant 0 : index
    %get3A_7 = vector.load %arg1[%get3A_4, %get3A_5, %get3A_6] : memref<2x1024x128xf32, #tpu.memory_space<vmem>>, vector<1x1024x128xf32>
    %get3A_8 = vector.shape_cast %get3A_7 : vector<1x1024x128xf32> to vector<1024x128xf32>
    %add3A = arith.addf %get3A_3, %get3A_8 : vector<1024x128xf32>
    %get3A_9 = arith.constant 0 : index
    %get3A_10 = arith.constant 0 : index
    %get3A_11 = vector.load %arg2[%get3A_9, %get3A_10] : memref<1024x128xf32, #tpu.memory_space<vmem>>, vector<1024x128xf32>
    %add3A_12 = arith.addf %add3A, %get3A_11 : vector<1024x128xf32>
    %mul3A = arith.constant 1024 : i32
    %mul3A_13 = arith.muli %arg0, %mul3A : i32
    %get3A_14 = arith.constant 0 : index
    %get3A_15 = arith.index_cast %mul3A_13 : i32 to index
    %get3A_16 = vector.load %arg3[%get3A_14, %get3A_15] : memref<2x10240xf32, #tpu.memory_space<vmem>>, vector<1x1024xf32>
    %get3A_17 = vector.shape_cast %get3A_16 : vector<1x1024xf32> to vector<1024xf32>
    %mul3A_18 = arith.constant 1024 : i32
    %mul3A_19 = arith.muli %arg0, %mul3A_18 : i32
    %get3A_20 = arith.constant 1 : index
    %get3A_21 = arith.index_cast %mul3A_19 : i32 to index
    %get3A_22 = vector.load %arg3[%get3A_20, %get3A_21] : memref<2x10240xf32, #tpu.memory_space<vmem>>, vector<1x1024xf32>
    %get3A_23 = vector.shape_cast %get3A_22 : vector<1x1024xf32> to vector<1024xf32>
    %add3A_24 = arith.addf %get3A_17, %get3A_23 : vector<1024xf32>
    %add3A_25 = arith.constant 1.000000e+00 : f32
    %add3A_26 = vector.broadcast %add3A_25 : f32 to vector<1024xf32>
    %add3A_27 = arith.addf %add3A_24, %add3A_26 : vector<1024xf32>
    %rsqrt3A = math.rsqrt %add3A_27 : vector<1024xf32>
    %broadcast_in_dim3A = vector.shape_cast %rsqrt3A : vector<1024xf32> to vector<1024x1xf32>
    %mul3A_28 = vector.broadcast %broadcast_in_dim3A : vector<1024x1xf32> to vector<1024x128xf32>
    %mul3A_29 = arith.mulf %add3A_12, %mul3A_28 : vector<1024x128xf32>
    %get3A_30 = arith.constant 0 : index
    %get3A_31 = vector.load %arg4[%get3A_30] : memref<128xf32, #tpu.memory_space<vmem>>, vector<128xf32>
    %broadcast_in_dim3A_32 = vector.shape_cast %get3A_31 : vector<128xf32> to vector<1x128xf32>
    %add3A_33 = vector.broadcast %broadcast_in_dim3A_32 : vector<1x128xf32> to vector<1024x128xf32>
    %add3A_34 = arith.addf %mul3A_29, %add3A_33 : vector<1024x128xf32>
    %swap3A = arith.constant 0 : index
    %swap3A_35 = arith.constant 0 : index
    %swap3A_36 = vector.load %arg5[%swap3A, %swap3A_35] : memref<1024x128xf32, #tpu.memory_space<vmem>>, vector<1024x128xf32>
    tpu.vector_store %arg5[%swap3A, %swap3A_35], %add3A_34 {strides = array<i32>} : memref<1024x128xf32, #tpu.memory_space<vmem>>, vector<1024x128xf32>,
    return
  }
  func.func @transform_0(%arg0: i32) -> (i32, i32, i32) {
    %c0_i32 = arith.constant 0 : i32
    %c0_i32_0 = arith.constant 0 : i32
    %c0_i32_1 = arith.constant 0 : i32
    return %c0_i32, %arg0, %c0_i32_0 : i32, i32, i32
  }
  func.func @transform_1(%arg0: i32) -> (i32, i32) {
    %c0_i32 = arith.constant 0 : i32
    %c0_i32_0 = arith.constant 0 : i32
    return %arg0, %c0_i32 : i32, i32
  }
  func.func @transform_2(%arg0: i32) -> (i32, i32) {
    %c0_i32 = arith.constant 0 : i32
    %c0_i32_0 = arith.constant 0 : i32
    %c0_i32_1 = arith.constant 0 : i32
    return %c0_i32, %c0_i32_0 : i32, i32
  }
  func.func @transform_3(%arg0: i32) -> i32 {
    %c0_i32 = arith.constant 0 : i32
    %c0_i32_0 = arith.constant 0 : i32
    return %c0_i32 : i32
  }
  func.func @transform_4(%arg0: i32) -> (i32, i32) {
    %c0_i32 = arith.constant 0 : i32
    %c0_i32_0 = arith.constant 0 : i32
    return %arg0, %c0_i32 : i32, i32
  }
}

</mosaic_0001>

<sc_bundles>
// kernel: kernel.6.cloned.1.call-start
scs
__scs_entry_jumppad:
0x0: {  	(pc) =	sbr.rel $0x88, $3  }
0x1: {  	(tag) =	ssettag $0x0;
	lr =	simm.s32 $0x1  }
0x2: {  	[smem:$0x3F9D] =	sst lr;
	_ =	strace $0xD0000000  }
0x3: {  	_ = 	snop  }
0x4: {  	_ = 	snop  }
0x5: {  	_ = 	snop  }
0x6: {  	_ = 	snop  }
0x7: {  	_ = 	snop  }
__scs_overlays_trampoline_lowered:
0x8: {  	[smem:$0x3FAC] =	sst s0  }
0x9: {  	[smem:$0x3FAD] =	sst s1  }
0xa: {  	[smem:$0x3FAE] =	sst s2  }
0xb: {  	[smem:$0x3FAF] =	sst s3  }
0xc: {  	[smem:$0x3FB0] =	sst s4  }
0xd: {  	[smem:$0x3FB1] =	sst s5  }
0xe: {  	[smem:$0x3FB2] =	sst s6  }
0xf: {  	[smem:$0x3FB3] =	sst s7  }
0x10: {  	[smem:$0x3FB4] =	sst s8  }
0x11: {  	[smem:$0x3FB5] =	sst s9;
	s0 =	simm.s32 @!p0 $0x0  }
0x12: {  	s1 =	sld [smem:$0x3F9B];
	s0 =	simm.s32 @p0 $0x1  }
0x13: {  	[smem:$0x3FB6] =	sst s0;
	s0 =	simm.s32 @!p1 $0x0  }
0x14: {  	s2 =	sld [smem:$0x3F9A];
	s0 =	simm.s32 @p1 $0x1  }
0x15: {  	[smem:$0x3FB7] =	sst s0;
	s0 =	simm.s32 @!p2 $0x0  }
0x16: {  	s3 =	sld [smem:$0x3FDB];
	s0 =	simm.s32 @p2 $0x1  }
0x17: {  	s4 =	simm.s32 $0x1BF5;
	[smem:$0x3FB9] =	sst s0  }
0x18: {  	s0 =	sld [smem:$0x3F9C];
	_ =	swait.ge [sflag:s4], $0x0  }
0x19: {  	s7 =	sld [smem:$0x3F9D]  }
0x1a: {  	s8 =	sadd.s32 $0xFFFFE003, lr  }
0x1b: {  	s9 =	sadd.s32 $0xFFFFFEF7, lr;
	s5 =	simm.s32 $0xFFFFFFFF;
	p2 =	slt.u32 s8, $0xFFFFF086  }
0x1c: {  	p1 =	slt.u32 s9, $0xF7A;
	s5 =	simm.s32 @!p2 $0x0  }
0x1d: {  	s5 =	simm.s32 @p1 $0x1;
	p0 =	seq.s32 s7, s2  }
0x1e: {  	s7 =	smul.u32 @!p0 $0xF7A, s2;
	p2 =	seq.s32 @!p0 s5, $0x0  }
0x1f: {  	s9 =	smul.u32 $0xF7A, s1;
	s8 =	simm.s32 @!p0 $0x1BF5;
	p2 =	por !p2, p0  }
0x20: {  	[sflag:s8] =	ssyncset.s32 @!p0 $0xFFFFF086;
	s6 =	sadd.s32 @!p0 s3, s7;
	s7 =	simm.s32 @!p0 $0x108  }
0x21: {  	s3 =	sadd.s32 s3, s9;
	s6 =	sadd.s32 @!p0 $0x88, s6;
	s7 =	simm.s32 @p2 $0x1082  }
0x22: {  	[simem:s7], [sflag:s8] =	dma.local @!p0 [hbm:s6], $0xF7A  }
0x23: {  	s9 =	sor.u32 $0xD0000000, s2;
	s6 =	simm.s32 $0x108;
	_ =	swait.ge @!p0 [sflag:s8], $0x0  }
0x24: {  	s3 =	sadd.s32 $0x88, s3;
	s6 =	simm.s32 @!p1 $0x1082;
	[sflag:s4] =	ssyncset.s32 $0xFFFFF086  }
0x25: {  	[simem:s6], [sflag:s4] =	dma.local [hbm:s3], $0xF7A  }
0x26: {  	[smem:$0x3F9D] =	sst s1;
	(tag) =	ssettag s2;
	_ =	strace s9  }
0x27: {  	s1 =	sld [smem:$0x3FAD]  }
0x28: {  	s2 =	sld [smem:$0x3FAE]  }
0x29: {  	s4 =	sld [smem:$0x3FB0]  }
0x2a: {  	p0 =	seq.s32 s5, $0x0;
	s5 =	sld [smem:$0x3FB1]  }
0x2b: {  	s6 =	sld [smem:$0x3FB2]  }
0x2c: {  	s7 =	sld [smem:$0x3FB3]  }
0x2d: {  	s3 =	simm.s32 $0x108;
	s8 =	sld [smem:$0x3FB4]  }
0x2e: {  	s3 =	simm.s32 @!p0 $0x1082;
	s9 =	sld [smem:$0x3FB5]  }
0x2f: {  	lr =	sadd.s32 s0, s3;
	s0 =	sld [smem:$0x3FAC]  }
0x30: {  	s3 =	sld [smem:$0x3FAF]  }
0x31: {  	[smem:$0x3FB8] =	sst s10  }
0x32: {  	s10 =	sld [smem:$0x3FB6];
	_ =	sdelay $0x3  }
0x33: {  	p0 =	seq.s32 s10, $0x1;
	s10 =	sld [smem:$0x3FB8];
	_ =	sdelay $0x3  }
0x34: {  	[smem:$0x3FB8] =	sst s10  }
0x35: {  	s10 =	sld [smem:$0x3FB7];
	_ =	sdelay $0x3  }
0x36: {  	p1 =	seq.s32 s10, $0x1;
	s10 =	sld [smem:$0x3FB8];
	_ =	sdelay $0x3  }
0x37: {  	[smem:$0x3FB8] =	sst s10  }
0x38: {  	s10 =	sld [smem:$0x3FB9]  }
0x39: {  	_ = 	snop;
	(pc) =	sbr.ind lr, $3  }
0x3a: {  	_ = 	snop  }
0x3b: {  	_ = 	snop  }
0x3c: {  	p2 =	seq.s32 s10, $0x1;
	s10 =	sld [smem:$0x3FB8]  }
0x3d: {  	_ =	shalt  }
0x3e: {  	_ =	shalt  }
0x3f: {  	_ =	shalt  }
0x40: {  	_ =	shalt  }
0x41: {  	_ =	shalt  }
0x42: {  	_ =	shalt  }
0x43: {  	_ =	shalt  }
0x44: {  	_ =	shalt  }
0x45: {  	_ =	shalt  }
0x46: {  	_ =	shalt  }
0x47: {  	_ =	shalt  }
0x48: {  	_ =	shalt  }
0x49: {  	_ =	shalt  }
0x4a: {  	_ =	shalt  }
0x4b: {  	_ =	shalt  }
0x4c: {  	_ =	shalt  }
0x4d: {  	_ =	shalt  }
0x4e: {  	_ =	shalt  }
0x4f: {  	_ =	shalt  }
0x50: {  	_ =	shalt  }
0x51: {  	_ =	shalt  }
0x52: {  	_ =	shalt  }
0x53: {  	_ =	shalt  }
0x54: {  	_ =	shalt  }
0x55: {  	_ =	shalt  }
0x56: {  	_ =	shalt  }
0x57: {  	_ =	shalt  }
0x58: {  	_ =	shalt  }
0x59: {  	_ =	shalt  }
0x5a: {  	_ =	shalt  }
0x5b: {  	_ =	shalt  }
0x5c: {  	_ =	shalt  }
0x5d: {  	_ =	shalt  }
0x5e: {  	_ =	shalt  }
0x5f: {  	_ =	shalt  }
0x60: {  	_ =	shalt  }
0x61: {  	_ =	shalt  }
0x62: {  	_ =	shalt  }
0x63: {  	_ =	shalt  }
0x64: {  	_ =	shalt  }
0x65: {  	_ =	shalt  }
0x66: {  	_ =	shalt  }
0x67: {  	_ =	shalt  }
0x68: {  	_ =	shalt  }
0x69: {  	_ =	shalt  }
0x6a: {  	_ =	shalt  }
0x6b: {  	_ =	shalt  }
0x6c: {  	_ =	shalt  }
0x6d: {  	_ =	shalt  }
0x6e: {  	_ =	shalt  }
0x6f: {  	_ =	shalt  }
0x70: {  	_ =	shalt  }
0x71: {  	_ =	shalt  }
0x72: {  	_ =	shalt  }
0x73: {  	_ =	shalt  }
0x74: {  	_ =	shalt  }
0x75: {  	_ =	shalt  }
0x76: {  	_ =	shalt  }
0x77: {  	_ =	shalt  }
0x78: {  	_ =	shalt  }
0x79: {  	_ =	shalt  }
0x7a: {  	_ =	shalt  }
0x7b: {  	_ =	shalt  }
0x7c: {  	_ =	shalt  }
0x7d: {  	_ =	shalt  }
0x7e: {  	_ =	shalt  }
0x7f: {  	_ =	shalt  }
0x80: {  	_ =	shalt  }
0x81: {  	_ =	shalt  }
0x82: {  	_ =	shalt  }
0x83: {  	_ =	shalt  }
0x84: {  	_ =	shalt  }
0x85: {  	_ =	shalt  }
0x86: {  	_ =	shalt  }
0x87: {  	_ =	shalt  }
.Lfunc_end0:
.L_simem_size_0:
called_computation_lowered:
.L_overlay_start_0:
0x88: {  	s2 =	sld [smem:$0x3FD9]  }
0x89: {  	s3 =	sld [smem:$0x3FFE];
	_ =	sdelay $0x1  }
0x8a: {  	s1 =	srdreg.scid  }
0x8b: {  	s0 =	sand.u32 $0x1, s1  }
0x8c: {  	s16 =	sshll.u32 s0, $0xA;
	s2 =	sadd.s32 s3, s2  }
0x8d: {  	s2 =	sadd.s32 s2, s16  }
0x8e: {  	[smem:$0x3FC4] =	sst s2  }
0x8f: {  	_ = 	snop  }
0x90: {  	(tm) =	ssettm $0x1  }
0x91: {  	s17 =	sld [smem:$0x3FFB];
	_ =	sdelay $0x3  }
0x92: {  	_ =	strace s17  }
0x93: {  	s2 =	sld [smem:$0x3FFC];
	_ =	sdelay $0x3  }
0x94: {  	_ =	strace s2  }
0x95: {  	s2 =	sld [smem:$0x3FFD];
	_ =	sdelay $0x3  }
0x96: {  	_ =	strace s2  }
0x97: {  	_ =	strace $0x8FFFFFFF  }
0x98: {  	s18 =	sld [smem:$0x3FDB];
	_ =	sdelay $0x1  }
0x99: {  	s19 =	simm.s32 $_scs_section_size  }
0x9a: {  	s4 =	simm.s32 $_size__tile_overlayer_lowered;
	s5 =	simm.s32 $_tile_overlayer_lowered  }
0x9b: {  	s22 =	simm.s32 $0x1BFF;
	s21 =	sshll.u32 s5, $0x1;
	s2 =	sadd.s32 s19, s18  }
0x9c: {  	s6 =	simm.s32 $0x0;
	s20 =	sshll.u32 s4, $0x1;
	s4 =	sadd.s32 s21, s2  }
0x9d: {  	[timem:s6], [sflag:s22] =	dma.local [hbm:s4], s20  }
0x9e: {  	_ =	swait.ge [sflag:s22], s20  }
0x9f: {  	s3 =	ssub.s32 $0x0, s20;
	[sflag:s22] =	ssyncset.done $0x0  }
0xa0: {  	[sflag:s22] =	ssyncadd.s32 s3;
	_ =	sdelay $0x1  }
0xa1: {  	s23 =	simm.s32 $0x1B8B  }
0xa2: {  	_ =	swait.ge [sflag:s23], $0x1  }
0xa3: {  	[sflag:s23] =	ssyncset.done $0x0  }
0xa4: {  	s25 =	simm.s32 $0x1B8E;
	s24 =	sld [smem:$0x3FFE];
	[sflag:s23] =	ssyncadd.s32 $0xFFFFFFFF  }
0xa5: {  	s26 =	simm.s32 $execute0_lowered;
	[smem:$0x3FD2] =	sst s25  }
0xa6: {  	s4 =	sshll.u32 s26, $0x1;
	_ =	strace $0x80000046;
	[dreg:$0x1] =	wrdreg $0xFFFFFFFF  }
0xa7: {  	s28 =	simm.s32 $_size_execute0_lowered;
	s2 =	sadd.s32 s2, s4;
	[dreg:$0x0] =	wrdreg $0x0  }
0xa8: {  	s4 =	sshll.u32 s28, $0x1;
	[dreg:$0x2] =	wrdreg s2  }
0xa9: {  	[dreg:$0x3] =	wrdreg s4  }
0xaa: {  	[dreg:$0x4] =	wrdreg $0xC0  }
0xab: {  	_ =	task [dreg:s6], $0x5FFFF  }
0xac: {  	[dreg:$0x1] =	wrdreg $0xFFFFFFFF  }
0xad: {  	[dreg:$0x0] =	wrdreg $0x60  }
0xae: {  	[dreg:$0x2] =	wrdreg s24  }
0xaf: {  	[dreg:$0x3] =	wrdreg $0x28800  }
0xb0: {  	[dreg:$0x4] =	wrdreg $0x9  }
0xb1: {  	_ =	task.clear_ibuf [dreg:s6], $0x5FFFF;
	_ =	strace $0x90000046  }
0xb2: {  	s29 =	simm.s32 $0x9;
	_ =	strace $0x80000048  }
0xb3: {  	_ =	swait.ge [sflag:s29], $0x1  }
0xb4: {  	[sflag:s29] =	ssyncadd.s32 $0xFFFFFFFF  }
0xb5: {  	_ =	strace $0x90000048  }
0xb6: {  	_ =	sfence  }
0xb7: {  	s30 =	sld [smem:$0x0];
	_ =	sdelay $0x2  }
0xb8: {  	s31 =	sshll.u32 s1, $0xD;
	s1 =	sshrl.u32 s1, $0x2  }
0xb9: {  	s3 =	sand.u32 $0x4000, s31;
	s1 =	sadd.s32 s1, s30  }
0xba: {  	s0 =	sor.u32 s3, s0;
	s1 =	sshll.u32 s1, $0x11  }
0xbb: {  	s0 =	sor.u32 s1, s0  }
0xbc: {  	s0 =	sadd.s32 $0x8F2B, s0  }
0xbd: {  	[sflag:s0] =	ssyncadd.remote.s32 $0x1  }
0xbe: {  	_ =	sfence.sel $0xFFFF  }
0xbf: {  	[dreg:$0x0] =	wrdreg $0xFFFFFFFF;
	(pc) =	sbr.abs _section_cstart, $3  }
0xc0: {  	[dreg:$0x1] =	wrdreg $0xFFFFFFFF  }
0xc1: {  	_ =	task.clear_ibuf [dreg:s6], $0x2FFFF;
	_ =	strace $0x9FFFFFFF  }
0xc2: {  	(tm) =	ssettm $0x7FFFFFFF  }
0xc3: {  	_ =	shalt  }
tec
execute0_lowered:
.L_overlay_start_1:
0x0: {  	(tag) =	ssettag $0x1  }
0x1: {  	s6 =	rddreg [dreg:$0x0]  }
0x2: {  	s0 =	srdreg.scid;
	s2 =	rddreg [dreg:$0x1]  }
0x3: {  	s1 =	rddreg [dreg:$0x2];
	s3 =	simm.s32 $0x0;
	s5 =	sand.u32 $0x1, s0  }
0x4: {  	s13 =	simm.s32 $0x80;
	s0 =	stileid.u32;
	s4 =	smul.u32 $0x28000, s5  }
0x5: {  	s14 =	simm.s32 $0x20;
	s15 =	simm.s32 $0x10;
	s7 =	smul.u32 $0x2800, s0  }
0x6: {  	s16 =	simm.s32 $0x0;
	[smem:$0x7FF] =	sst s3;
	s28 =	smul.u32 $0x500, s0  }
0x7: {  	_ =	strace $0x80000047;
	s8 =	sshll.u32 s5, $0x7;
	s29 =	ssub.s32 $0x2, s5  }
0x8: {  	s10 =	smul.u32 $0xA00, s0;
	s5 =	sadd.s32 $0xB800, s6;
	s11 =	sshll.u32 s0, $0x6  }
0x9: {  	s30 =	sshrl.u32 s29, $0x1;
	s11 =	sor.u32 $0x1C01, s11;
	s4 =	sadd.s32 s7, s4  }
0xa: {  	s7 =	sor.u32 s8, s28;
	s8 =	ssub.s32 s29, s30;
	s31 =	sshrl.u32 s10, $0x2  }
0xb: {  	s10 =	simm.s32 $0x2800;
	s4 =	sshrl.u32 s4, $0x3;
	s7 =	sshrl.u32 s7, $0x3  }
0xc: {  	s12 =	sadd.s32 s31, s2;
	s8 =	smax.u32 s8, $0x1;
	s9 =	sadd.s32 s4, s6  }
0xd: {  	s4 =	sadd.s32 $0xB600, s6;
	s7 =	sadd.s32 s7, s6;
	s12 =	sshrl.u32 s12, $0x3  }
0xe: {  	s6 =	sadd.s32 $0x1600, s9;
	s7 =	sadd.s32 $0xBA00, s7;
	s9 =	simm.s32 $0x1  }
.LBB2_1:
0xf: {  	[tilespmem:s3], [sflag:$0x1] =	stream.linear.gather [hbm4b:s6+s3], $0x2800, $0x38;
	[tilespmem:$0x2B00] =	vst v63  }
0x10: {  	_ =	swait.ge [sflag:s9], $0x2800  }
0x11: {  	[sflag:s9] =	ssyncset.done $0x0  }
0x12: {  	[sflag:s9] =	ssyncadd.s32 $0xFFFFD800  }
0x13: {  	[tilespmem:s10], [sflag:$0x1] =	stream.linear.gather [hbm4b:s4+s3], $0x80, $0x38;
	[tilespmem:$0x2B00] =	vst v63  }
0x14: {  	_ =	swait.ge [sflag:s9], $0x80  }
0x15: {  	[sflag:s9] =	ssyncset.done $0x0  }
0x16: {  	[sflag:s9] =	ssyncadd.s32 $0xFFFFFF80  }
0x17: {  	[spmem:s12], [sflag:s11] =	dma.local [hbm:s5], $0x50  }
0x18: {  	_ =	swait.ge [sflag:s9], $0x50  }
0x19: {  	[sflag:s9] =	ssyncset.done $0x0  }
0x1a: {  	[sflag:s9] =	ssyncadd.s32 $0xFFFFFFB0  }
0x1b: {  	s17 =	simm.s32 $0x0;
	[bflag:$0x0] =	sbarrier.arrive $0xFFFF  }
0x1c: {  	[spmem:s2] =	stream.indirect.scatter.add.f32 [tilespmem:s10], [sflag:$0x1], $0x1, s17, s13, $0xb8;
	[tilespmem:$0x2B00] =	vst v63  }
0x1d: {  	_ =	swait.ge [sflag:s9], $0x80  }
0x1e: {  	s17 =	simm.s32 $0x200;
	[sflag:s9] =	ssyncset.done $0x0  }
.LBB2_2:
0x1f: {  	s18 =	sshra.s32 s17, $0x2;
	[sflag:s9] =	ssyncadd.s32 $0xFFFFFF80;
	p0 =	sne.s32 s17, $0x9E00  }
0x20: {  	[spmem:s2] =	stream.indirect.scatter.add.f32 [tilespmem:s10], [sflag:$0x1], $0x1, s18, s13, $0xb8;
	[tilespmem:$0x2B00] =	vst v63  }
.Ltmp0:
0x21: {  	_ = 	snop;
	(pc) =	sbr.rel @p0 .LBB2_2-.Ltmp0, $4  }
0x22: {  	_ = 	snop  }
0x23: {  	s17 =	sadd.s32 $0x200, s17  }
0x24: {  	_ =	swait.ge [sflag:s9], $0x80  }
0x25: {  	[sflag:s9] =	ssyncset.done $0x0  }
0x26: {  	s16 =	sadd.s32 $0x1, s16  }
0x27: {  	[sflag:s9] =	ssyncadd.s32 $0xFFFFFF80;
	p0 =	sne.s32 s16, s8  }
.Ltmp1:
0x28: {  	[bflag:$0x0] =	sbarrier.arrive $0xFFFF;
	(pc) =	sbr.rel @p0 .LBB2_1-.Ltmp1, $4  }
0x29: {  	[hbm:s7@s14], [sflag:s11] =	dma.strided [spmem:s12@s15], $0x50, s9, $0x10   }
0x2a: {  	_ =	swait.ge [sflag:s9], $0x50  }
0x2b: {  	[sflag:s9] =	ssyncset.done $0x0  }
0x2c: {  	[sflag:s9] =	ssyncadd.s32 $0xFFFFFFB0  }
0x2d: {  	_ =	sfence.sel $0x180000  }
0x2e: {  	[bflag:$0x0] =	sbarrier.arrive $0xFFFF  }
0x2f: {  	p0 =	sne.s32 s0, $0x0;
	_ =	strace $0x90000047  }
0x30: {  	s0 =	sadd.s32 @!p0 $0x100000, s1;
	[bflag:$0x2] =	sbarrier.arrive $0xFFFF  }
0x31: {  	[sflag:s0] =	ssyncadd.tile.s32 @!p0 $0x1;
	_ =	shalt  }
.Lfunc_end2:
_tile_overlayer_lowered:
.L_overlay_start_2:
0x32: {  	(tag) =	ssettag $0x2  }
0x33: {  	s0 =	rddreg [dreg:$0x0];
	s2 =	stileid.u32  }
0x34: {  	s1 =	rddreg [dreg:$0x1];
	p0 =	sne.s32 s2, $0x0  }
0x35: {  	s3 =	rddreg [dreg:$0x2];
	[bflag:$0x3] =	sbarrier.arrive $0xFFFF;
	s2 =	simm.s32 @!p0 $0x1C01  }
0x36: {  	[timem:s3], [sflag:s2] =	dma.local @!p0 [hbm:s0], s1  }
0x37: {  	s0 =	simm.s32 @!p0 $0x1  }
0x38: {  	_ =	swait.ge @!p0 [sflag:s0], s1  }
0x39: {  	s1 =	ssub.s32 @!p0 $0x0, s1;
	[sflag:s0] =	ssyncset.done @!p0 $0x0  }
0x3a: {  	[sflag:s0] =	ssyncadd.s32 @!p0 s1  }
0x3b: {  	[bflag:$0x3] =	sbarrier.arrive $0xFFFF  }
0x3c: {  	_ =	shalt  }

// kernel: kernel.9.cloned.1.call-start
scs
__scs_entry_jumppad:
0x0: {  	(pc) =	sbr.rel $0x88, $3  }
0x1: {  	(tag) =	ssettag $0x0;
	lr =	simm.s32 $0x1  }
0x2: {  	[smem:$0x3F9D] =	sst lr;
	_ =	strace $0xD0000000  }
0x3: {  	_ = 	snop  }
0x4: {  	_ = 	snop  }
0x5: {  	_ = 	snop  }
0x6: {  	_ = 	snop  }
0x7: {  	_ = 	snop  }
__scs_overlays_trampoline_lowered:
0x8: {  	[smem:$0x3FAC] =	sst s0  }
0x9: {  	[smem:$0x3FAD] =	sst s1  }
0xa: {  	[smem:$0x3FAE] =	sst s2  }
0xb: {  	[smem:$0x3FAF] =	sst s3  }
0xc: {  	[smem:$0x3FB0] =	sst s4  }
0xd: {  	[smem:$0x3FB1] =	sst s5  }
0xe: {  	[smem:$0x3FB2] =	sst s6  }
0xf: {  	[smem:$0x3FB3] =	sst s7  }
0x10: {  	[smem:$0x3FB4] =	sst s8  }
0x11: {  	[smem:$0x3FB5] =	sst s9;
	s0 =	simm.s32 @!p0 $0x0  }
0x12: {  	s1 =	sld [smem:$0x3F9B];
	s0 =	simm.s32 @p0 $0x1  }
0x13: {  	[smem:$0x3FB6] =	sst s0;
	s0 =	simm.s32 @!p1 $0x0  }
0x14: {  	s2 =	sld [smem:$0x3F9A];
	s0 =	simm.s32 @p1 $0x1  }
0x15: {  	[smem:$0x3FB7] =	sst s0;
	s0 =	simm.s32 @!p2 $0x0  }
0x16: {  	s3 =	sld [smem:$0x3FDB];
	s0 =	simm.s32 @p2 $0x1  }
0x17: {  	s4 =	simm.s32 $0x1BF5;
	[smem:$0x3FB9] =	sst s0  }
0x18: {  	s0 =	sld [smem:$0x3F9C];
	_ =	swait.ge [sflag:s4], $0x0  }
0x19: {  	s7 =	sld [smem:$0x3F9D]  }
0x1a: {  	s8 =	sadd.s32 $0xFFFFE003, lr  }
0x1b: {  	s9 =	sadd.s32 $0xFFFFFEF7, lr;
	s5 =	simm.s32 $0xFFFFFFFF;
	p2 =	slt.u32 s8, $0xFFFFF086  }
0x1c: {  	p1 =	slt.u32 s9, $0xF7A;
	s5 =	simm.s32 @!p2 $0x0  }
0x1d: {  	s5 =	simm.s32 @p1 $0x1;
	p0 =	seq.s32 s7, s2  }
0x1e: {  	s7 =	smul.u32 @!p0 $0xF7A, s2;
	p2 =	seq.s32 @!p0 s5, $0x0  }
0x1f: {  	s9 =	smul.u32 $0xF7A, s1;
	s8 =	simm.s32 @!p0 $0x1BF5;
	p2 =	por !p2, p0  }
0x20: {  	[sflag:s8] =	ssyncset.s32 @!p0 $0xFFFFF086;
	s6 =	sadd.s32 @!p0 s3, s7;
	s7 =	simm.s32 @!p0 $0x108  }
0x21: {  	s3 =	sadd.s32 s3, s9;
	s6 =	sadd.s32 @!p0 $0x88, s6;
	s7 =	simm.s32 @p2 $0x1082  }
0x22: {  	[simem:s7], [sflag:s8] =	dma.local @!p0 [hbm:s6], $0xF7A  }
0x23: {  	s9 =	sor.u32 $0xD0000000, s2;
	s6 =	simm.s32 $0x108;
	_ =	swait.ge @!p0 [sflag:s8], $0x0  }
0x24: {  	s3 =	sadd.s32 $0x88, s3;
	s6 =	simm.s32 @!p1 $0x1082;
	[sflag:s4] =	ssyncset.s32 $0xFFFFF086  }
0x25: {  	[simem:s6], [sflag:s4] =	dma.local [hbm:s3], $0xF7A  }
0x26: {  	[smem:$0x3F9D] =	sst s1;
	(tag) =	ssettag s2;
	_ =	strace s9  }
0x27: {  	s1 =	sld [smem:$0x3FAD]  }
0x28: {  	s2 =	sld [smem:$0x3FAE]  }
0x29: {  	s4 =	sld [smem:$0x3FB0]  }
0x2a: {  	p0 =	seq.s32 s5, $0x0;
	s5 =	sld [smem:$0x3FB1]  }
0x2b: {  	s6 =	sld [smem:$0x3FB2]  }
0x2c: {  	s7 =	sld [smem:$0x3FB3]  }
0x2d: {  	s3 =	simm.s32 $0x108;
	s8 =	sld [smem:$0x3FB4]  }
0x2e: {  	s3 =	simm.s32 @!p0 $0x1082;
	s9 =	sld [smem:$0x3FB5]  }
0x2f: {  	lr =	sadd.s32 s0, s3;
	s0 =	sld [smem:$0x3FAC]  }
0x30: {  	s3 =	sld [smem:$0x3FAF]  }
0x31: {  	[smem:$0x3FB8] =	sst s10  }
0x32: {  	s10 =	sld [smem:$0x3FB6];
	_ =	sdelay $0x3  }
0x33: {  	p0 =	seq.s32 s10, $0x1;
	s10 =	sld [smem:$0x3FB8];
	_ =	sdelay $0x3  }
0x34: {  	[smem:$0x3FB8] =	sst s10  }
0x35: {  	s10 =	sld [smem:$0x3FB7];
	_ =	sdelay $0x3  }
0x36: {  	p1 =	seq.s32 s10, $0x1;
	s10 =	sld [smem:$0x3FB8];
	_ =	sdelay $0x3  }
0x37: {  	[smem:$0x3FB8] =	sst s10  }
0x38: {  	s10 =	sld [smem:$0x3FB9]  }
0x39: {  	_ = 	snop;
	(pc) =	sbr.ind lr, $3  }
0x3a: {  	_ = 	snop  }
0x3b: {  	_ = 	snop  }
0x3c: {  	p2 =	seq.s32 s10, $0x1;
	s10 =	sld [smem:$0x3FB8]  }
0x3d: {  	_ =	shalt  }
0x3e: {  	_ =	shalt  }
0x3f: {  	_ =	shalt  }
0x40: {  	_ =	shalt  }
0x41: {  	_ =	shalt  }
0x42: {  	_ =	shalt  }
0x43: {  	_ =	shalt  }
0x44: {  	_ =	shalt  }
0x45: {  	_ =	shalt  }
0x46: {  	_ =	shalt  }
0x47: {  	_ =	shalt  }
0x48: {  	_ =	shalt  }
0x49: {  	_ =	shalt  }
0x4a: {  	_ =	shalt  }
0x4b: {  	_ =	shalt  }
0x4c: {  	_ =	shalt  }
0x4d: {  	_ =	shalt  }
0x4e: {  	_ =	shalt  }
0x4f: {  	_ =	shalt  }
0x50: {  	_ =	shalt  }
0x51: {  	_ =	shalt  }
0x52: {  	_ =	shalt  }
0x53: {  	_ =	shalt  }
0x54: {  	_ =	shalt  }
0x55: {  	_ =	shalt  }
0x56: {  	_ =	shalt  }
0x57: {  	_ =	shalt  }
0x58: {  	_ =	shalt  }
0x59: {  	_ =	shalt  }
0x5a: {  	_ =	shalt  }
0x5b: {  	_ =	shalt  }
0x5c: {  	_ =	shalt  }
0x5d: {  	_ =	shalt  }
0x5e: {  	_ =	shalt  }
0x5f: {  	_ =	shalt  }
0x60: {  	_ =	shalt  }
0x61: {  	_ =	shalt  }
0x62: {  	_ =	shalt  }
0x63: {  	_ =	shalt  }
0x64: {  	_ =	shalt  }
0x65: {  	_ =	shalt  }
0x66: {  	_ =	shalt  }
0x67: {  	_ =	shalt  }
0x68: {  	_ =	shalt  }
0x69: {  	_ =	shalt  }
0x6a: {  	_ =	shalt  }
0x6b: {  	_ =	shalt  }
0x6c: {  	_ =	shalt  }
0x6d: {  	_ =	shalt  }
0x6e: {  	_ =	shalt  }
0x6f: {  	_ =	shalt  }
0x70: {  	_ =	shalt  }
0x71: {  	_ =	shalt  }
0x72: {  	_ =	shalt  }
0x73: {  	_ =	shalt  }
0x74: {  	_ =	shalt  }
0x75: {  	_ =	shalt  }
0x76: {  	_ =	shalt  }
0x77: {  	_ =	shalt  }
0x78: {  	_ =	shalt  }
0x79: {  	_ =	shalt  }
0x7a: {  	_ =	shalt  }
0x7b: {  	_ =	shalt  }
0x7c: {  	_ =	shalt  }
0x7d: {  	_ =	shalt  }
0x7e: {  	_ =	shalt  }
0x7f: {  	_ =	shalt  }
0x80: {  	_ =	shalt  }
0x81: {  	_ =	shalt  }
0x82: {  	_ =	shalt  }
0x83: {  	_ =	shalt  }
0x84: {  	_ =	shalt  }
0x85: {  	_ =	shalt  }
0x86: {  	_ =	shalt  }
0x87: {  	_ =	shalt  }
.Lfunc_end0:
.L_simem_size_0:
called_computation.1_lowered:
.L_overlay_start_0:
0x88: {  	s2 =	sld [smem:$0x3FD9]  }
0x89: {  	s3 =	sld [smem:$0x3FFE];
	_ =	sdelay $0x1  }
0x8a: {  	s1 =	srdreg.scid  }
0x8b: {  	s0 =	sand.u32 $0x1, s1  }
0x8c: {  	s17 =	sshll.u32 s0, $0xA;
	s2 =	sadd.s32 s3, s2  }
0x8d: {  	s2 =	sadd.s32 s2, s17  }
0x8e: {  	[smem:$0x3FC4] =	sst s2  }
0x8f: {  	_ = 	snop  }
0x90: {  	s2 =	sld [smem:$0x3FD0];
	(tm) =	ssettm $0x1  }
0x91: {  	s18 =	sld [smem:$0x3FFB];
	_ =	sdelay $0x3  }
0x92: {  	_ =	strace s18  }
0x93: {  	s3 =	sld [smem:$0x3FFC];
	_ =	sdelay $0x3  }
0x94: {  	_ =	strace s3  }
0x95: {  	s3 =	sld [smem:$0x3FFD];
	_ =	sdelay $0x3  }
0x96: {  	_ =	strace s3  }
0x97: {  	_ =	strace $0x8FFFFFFF  }
0x98: {  	s19 =	sld [smem:$0x3FDB];
	_ =	sdelay $0x1  }
0x99: {  	s4 =	simm.s32 $_scs_section_size  }
0x9a: {  	s5 =	simm.s32 $_size__tile_overlayer_lowered;
	s6 =	simm.s32 $_tile_overlayer_lowered  }
0x9b: {  	s22 =	simm.s32 $0x1BFF;
	s21 =	sshll.u32 s6, $0x1;
	s3 =	sadd.s32 s4, s19  }
0x9c: {  	s7 =	simm.s32 $0x0;
	s20 =	sshll.u32 s5, $0x1;
	s5 =	sadd.s32 s21, s3  }
0x9d: {  	[timem:s7], [sflag:s22] =	dma.local [hbm:s5], s20  }
0x9e: {  	_ =	swait.ge [sflag:s22], s20  }
0x9f: {  	s4 =	ssub.s32 $0x0, s20;
	[sflag:s22] =	ssyncset.done $0x0  }
0xa0: {  	[sflag:s22] =	ssyncadd.s32 s4;
	_ =	sdelay $0x1  }
0xa1: {  	s23 =	simm.s32 $0x1B8B  }
0xa2: {  	_ =	swait.ge [sflag:s23], $0x1  }
0xa3: {  	[sflag:s23] =	ssyncset.done $0x0  }
0xa4: {  	s25 =	simm.s32 $0x1B8E;
	s24 =	sld [smem:$0x3FFE];
	[sflag:s23] =	ssyncadd.s32 $0xFFFFFFFF  }
0xa5: {  	s26 =	simm.s32 $execute0_lowered;
	[smem:$0x3FD2] =	sst s25  }
0xa6: {  	s5 =	sshll.u32 s26, $0x1;
	_ =	strace $0x80000049;
	[dreg:$0x1] =	wrdreg $0xFFFFFFFF  }
0xa7: {  	s28 =	simm.s32 $_size_execute0_lowered;
	s3 =	sadd.s32 s3, s5;
	[dreg:$0x0] =	wrdreg $0x0  }
0xa8: {  	s5 =	sshll.u32 s28, $0x1;
	[dreg:$0x2] =	wrdreg s3  }
0xa9: {  	[dreg:$0x3] =	wrdreg s5  }
0xaa: {  	[dreg:$0x4] =	wrdreg $0xC0  }
0xab: {  	_ =	task [dreg:s7], $0x5FFFF  }
0xac: {  	[dreg:$0x1] =	wrdreg $0xFFFFFFFF  }
0xad: {  	[dreg:$0x0] =	wrdreg $0x60  }
0xae: {  	[dreg:$0x2] =	wrdreg s24  }
0xaf: {  	[dreg:$0x3] =	wrdreg s2  }
0xb0: {  	[dreg:$0x4] =	wrdreg $0x90000  }
0xb1: {  	[dreg:$0x5] =	wrdreg $0x9  }
0xb2: {  	_ =	task.clear_ibuf [dreg:s7], $0x6FFFF;
	_ =	strace $0x90000049  }
0xb3: {  	s29 =	simm.s32 $0x9;
	_ =	strace $0x8000004B  }
0xb4: {  	_ =	swait.ge [sflag:s29], $0x1  }
0xb5: {  	[sflag:s29] =	ssyncadd.s32 $0xFFFFFFFF  }
0xb6: {  	_ =	strace $0x9000004B  }
0xb7: {  	_ =	sfence  }
0xb8: {  	s30 =	sld [smem:$0x0];
	_ =	sdelay $0x2  }
0xb9: {  	s31 =	sshll.u32 s1, $0xD;
	s1 =	sshrl.u32 s1, $0x2  }
0xba: {  	s3 =	sand.u32 $0x4000, s31;
	s1 =	sadd.s32 s1, s30  }
0xbb: {  	s0 =	sor.u32 s3, s0;
	s1 =	sshll.u32 s1, $0x11  }
0xbc: {  	s0 =	sor.u32 s1, s0  }
0xbd: {  	s0 =	sadd.s32 $0x8F2B, s0  }
0xbe: {  	[sflag:s0] =	ssyncadd.remote.s32 $0x1  }
0xbf: {  	_ =	sfence.sel $0xFFFF  }
0xc0: {  	[dreg:$0x0] =	wrdreg $0xFFFFFFFF;
	(pc) =	sbr.abs _section_cstart, $3  }
0xc1: {  	[dreg:$0x1] =	wrdreg $0xFFFFFFFF  }
0xc2: {  	_ =	task.clear_ibuf [dreg:s7], $0x2FFFF;
	_ =	strace $0x9FFFFFFF  }
0xc3: {  	(tm) =	ssettm $0x7FFFFFFF  }
tec
execute0_lowered:
.L_overlay_start_1:
0x0: {  	(tag) =	ssettag $0x1  }
0x1: {  	s0 =	rddreg [dreg:$0x0]  }
0x2: {  	s1 =	rddreg [dreg:$0x1]  }
0x3: {  	s2 =	rddreg [dreg:$0x2];
	s3 =	srdreg.scid  }
0x4: {  	s4 =	simm.s32 $0x0;
	s12 =	stileid.u32;
	s15 =	simm.s32 $0x10  }
0x5: {  	s21 =	simm.s32 $0x200;
	s23 =	simm.s32 $0x180;
	[smem:$0x7FF] =	sst s4  }
0x6: {  	s10 =	simm.s32 $0x300;
	_ =	strace $0x8000004A;
	[dreg:$0x4] =	wrdreg s21  }
0x7: {  	s11 =	simm.s32 $0x280;
	s30 =	simm.s32 $0x400;
	[dreg:$0x5] =	wrdreg s23  }
0x8: {  	s31 =	simm.s32 $0x380;
	s13 =	simm.s32 $0x600;
	[dreg:$0x6] =	wrdreg s10  }
0x9: {  	s14 =	simm.s32 $0x700;
	s18 =	simm.s32 $0x880;
	[dreg:$0x7] =	wrdreg s11  }
0xa: {  	s28 =	simm.s32 $0x3;
	s7 =	smul.u32 $0x14000, s12;
	[dreg:$0x8] =	wrdreg s30  }
0xb: {  	s29 =	simm.s32 $0x0;
	s9 =	smul.u32 $0x50000, s12;
	[dreg:$0x9] =	wrdreg s31  }
0xc: {  	s3 =	sand.u32 $0x1, s3;
	s12 =	smul.u32 $0xA000, s12;
	[dreg:$0xc] =	wrdreg s13  }
0xd: {  	s5 =	sadd.s32 $0x1600, s0;
	s6 =	smul.u32 $0x140000, s3;
	[dreg:$0xe] =	wrdreg s14  }
0xe: {  	s19 =	ssub.s32 $0x2, s3;
	s14 =	simm.s32 $0x680;
	[dreg:$0x10] =	wrdreg s18  }
0xf: {  	p0 =	seq.s32 s3, $0x0;
	s18 =	simm.s32 $0x980;
	[dreg:$0xf] =	wrdreg s14  }
0x10: {  	s21 =	simm.s32 $0xA80;
	s23 =	simm.s32 $0xD00;
	[dreg:$0x12] =	wrdreg s18  }
0x11: {  	s30 =	simm.s32 $0xF00;
	s31 =	simm.s32 $0xE80;
	[dreg:$0x14] =	wrdreg s21  }
0x12: {  	s8 =	sshrl.u32 s19, $0x1;
	s20 =	sshrl.u32 s9, $0x2;
	[dreg:$0x17] =	wrdreg s23  }
0x13: {  	s15 =	simm.s32 @!p0 $0x14;
	s9 =	simm.s32 $0x580;
	[dreg:$0x1b] =	wrdreg s30  }
0x14: {  	s21 =	simm.s32 $0x4;
	s23 =	simm.s32 $0x80;
	[dreg:$0x1c] =	wrdreg s31  }
0x15: {  	s6 =	sadd.s32 s7, s6;
	s7 =	simm.s32 $0x500;
	[dreg:$0xd] =	wrdreg s9  }
0x16: {  	s17 =	ssub.s32 s19, s8;
	s8 =	simm.s32 $0x480;
	[dreg:$0xa] =	wrdreg s7  }
0x17: {  	s19 =	simm.s32 $0xA00;
	s14 =	sadd.s32 $0xFFFFFFFF, s15;
	[dreg:$0xb] =	wrdreg s8  }
0x18: {  	s15 =	sadd.s32 $0xFFFFFFFE, s15;
	s6 =	sshrl.u32 s6, $0x3;
	[dreg:$0x11] =	wrdreg s19  }
0x19: {  	s17 =	smax.u32 s17, $0x1;
	s19 =	simm.s32 $0xB80;
	s16 =	sadd.s32 s6, s0  }
0x1a: {  	s6 =	sadd.s32 s20, s2;
	s20 =	simm.s32 $0xB00;
	[dreg:$0x16] =	wrdreg s19  }
0x1b: {  	s0 =	sshll.u32 s3, $0x4;
	s22 =	sadd.s32 $0x4000, s6;
	[dreg:$0x13] =	wrdreg s20  }
0x1c: {  	s3 =	sshll.u32 s3, $0xF;
	s24 =	sadd.s32 $0x8000, s6;
	[dreg:$0x1d] =	wrdreg s22  }
0x1d: {  	s25 =	sadd.s32 $0xC000, s6;
	s26 =	sadd.s32 $0x10000, s6;
	[dreg:$0x1e] =	wrdreg s24  }
0x1e: {  	s3 =	sadd.s32 s3, s12;
	s16 =	sadd.s32 $0x29600, s16;
	[dreg:$0x1f] =	wrdreg s25  }
0x1f: {  	s19 =	sor.u32 $0x1, s0;
	s20 =	simm.s32 $0x1000;
	[smem:$0x7FD] =	sst s26  }
0x20: {  	s12 =	sshrl.u32 s3, $0x3;
	s10 =	sor.u32 $0x800, s3;
	s22 =	simm.s32 $0xC00  }
0x21: {  	s18 =	sor.u32 $0x1000, s3;
	s24 =	simm.s32 $0xC80;
	[dreg:$0x15] =	wrdreg s22  }
0x22: {  	s25 =	simm.s32 $0xE00;
	s26 =	simm.s32 $0xD80;
	[dreg:$0x18] =	wrdreg s24  }
0x23: {  	s11 =	sadd.s32 s1, s12;
	s13 =	sshrl.u32 s10, $0x3;
	[dreg:$0x19] =	wrdreg s25  }
0x24: {  	[dreg:$0x1a] =	wrdreg s26;
	s12 =	sadd.s32 s1, s13;
	s13 =	simm.s32 $0x8  }
0x25: {  	v0 =	vimm.f32 $0.0e+00;
	s25 =	simm.s32 $0x5000;
	s26 =	simm.s32 $0x2;
	s13 =	simm.s32 @!p0 $0x2  }
.LBB2_1:
0x26: {  	s0 =	simm.s32 $0x0;
	s3 =	simm.s32 $0x200  }
.LBB2_2:
0x27: {  	p0 =	sne.s32 s3, $0xFE00;
	[tilespmem:s0+$0x1070] =	vst v0  }
0x28: {  	[tilespmem:s0+$0x1000] =	vst v0  }
0x29: {  	[tilespmem:s0+$0x1010] =	vst v0  }
.Ltmp0:
0x2a: {  	[tilespmem:s0+$0x1020] =	vst v0;
	(pc) =	sbr.rel @p0 .LBB2_2-.Ltmp0, $4  }
0x2b: {  	[tilespmem:s0+$0x1030] =	vst v0  }
0x2c: {  	[tilespmem:s0+$0x1040] =	vst v0  }
0x2d: {  	[tilespmem:s0+$0x1050] =	vst v0  }
0x2e: {  	[tilespmem:s0+$0x1060] =	vst v0;
	s0 =	sshra.s32 s3, $0x2;
	s3 =	sadd.s32 $0x200, s3  }
0x2f: {  	[tilespmem:s0+$0x1070] =	vst v0  }
0x30: {  	[tilespmem:s0+$0x1000] =	vst v0  }
0x31: {  	[tilespmem:s0+$0x1010] =	vst v0  }
0x32: {  	[tilespmem:s0+$0x1020] =	vst v0  }
0x33: {  	[tilespmem:s0+$0x1030] =	vst v0  }
0x34: {  	[tilespmem:s0+$0x1040] =	vst v0  }
0x35: {  	[tilespmem:s0+$0x1050] =	vst v0  }
0x36: {  	[tilespmem:s0+$0x1060] =	vst v0  }
0x37: {  	[spmem:s6] =	stream.linear.scatter [tilespmem:s20], [sflag:$0x4], $0x4000, $0x38;
	[tilespmem:$0x1D000] =	vst v63  }
0x38: {  	_ =	swait.ge [sflag:s21], $0x4000  }
0x39: {  	[sflag:s21] =	ssyncset.done $0x0  }
0x3a: {  	s8 =	rddreg [dreg:$0x1d];
	[sflag:s21] =	ssyncadd.s32 $0xFFFFC000  }
0x3b: {  	[spmem:s8] =	stream.linear.scatter [tilespmem:s20], [sflag:$0x4], $0x4000, $0x38;
	[tilespmem:$0x1D000] =	vst v63  }
0x3c: {  	_ =	swait.ge [sflag:s21], $0x4000  }
0x3d: {  	[sflag:s21] =	ssyncset.done $0x0  }
0x3e: {  	s9 =	rddreg [dreg:$0x1e];
	[sflag:s21] =	ssyncadd.s32 $0xFFFFC000  }
0x3f: {  	[spmem:s9] =	stream.linear.scatter [tilespmem:s20], [sflag:$0x4], $0x4000, $0x38;
	[tilespmem:$0x1D000] =	vst v63  }
0x40: {  	_ =	swait.ge [sflag:s21], $0x4000  }
0x41: {  	[sflag:s21] =	ssyncset.done $0x0  }
0x42: {  	s10 =	rddreg [dreg:$0x1f];
	[sflag:s21] =	ssyncadd.s32 $0xFFFFC000  }
0x43: {  	[spmem:s10] =	stream.linear.scatter [tilespmem:s20], [sflag:$0x4], $0x4000, $0x38;
	[tilespmem:$0x1D000] =	vst v63  }
0x44: {  	_ =	swait.ge [sflag:s21], $0x4000  }
0x45: {  	s22 =	sld [smem:$0x7FD]  }
0x46: {  	[sflag:s21] =	ssyncset.done $0x0  }
0x47: {  	[sflag:s21] =	ssyncadd.s32 $0xFFFFC000  }
0x48: {  	[spmem:s22] =	stream.linear.scatter [tilespmem:s20], [sflag:$0x4], $0x4000, $0x38;
	[tilespmem:$0x1D000] =	vst v63  }
0x49: {  	_ =	swait.ge [sflag:s21], $0x4000  }
0x4a: {  	[sflag:s21] =	ssyncset.done $0x0  }
0x4b: {  	[sflag:s21] =	ssyncadd.s32 $0xFFFFC000  }
0x4c: {  	[bflag:$0x0] =	sbarrier.arrive $0xFFFF  }
0x4d: {  	[tilespmem:s4], [sflag:$0x4] =	stream.linear.gather [hbm4b:s11+s4], $0x800, $0x38;
	[tilespmem:$0x1D000] =	vst v63  }
0x4e: {  	_ =	swait.ge [sflag:s21], $0x800  }
0x4f: {  	[sflag:s21] =	ssyncset.done $0x0  }
0x50: {  	s24 =	simm.s32 $0x800;
	[sflag:s21] =	ssyncadd.s32 $0xFFFFF800  }
0x51: {  	[tilespmem:s24], [sflag:$0x1] =	stream.linear.gather [hbm4b:s12+s4], $0x800, $0x38;
	[tilespmem:$0x1D000] =	vst v63  }
0x52: {  	_ = 	snop  }
0x53: {  	[tilespmem:s20], [sflag:$0x2] =	stream.indirect.gather [hbm4b:s5+s23], $0x80, s4, s23, $0xb8;
	[tilespmem:$0x1D000] =	vst v63  }
0x54: {  	s3 =	simm.s32 $0x100  }
0x55: {  	[tilespmem:s25], [sflag:$0x3] =	stream.indirect.gather [hbm4b:s5+s23], $0x80, s3, s23, $0xb8;
	[tilespmem:$0x1D000] =	vst v63  }
0x56: {  	_ =	swait.ge [sflag:s26], $0x4000  }
0x57: {  	[sflag:s26] =	ssyncset.done $0x0  }
0x58: {  	[sflag:s26] =	ssyncadd.s32 $0xFFFFC000  }
0x59: {  	[spmem:s2] =	stream.indirect.scatter.add.f32 [tilespmem:s20], [sflag:$0x4], $0x80, s23, s23, $0xb8;
	[tilespmem:$0x1D000] =	vst v63  }
0x5a: {  	_ =	swait.ge [sflag:s21], $0x4000  }
0x5b: {  	[sflag:s21] =	ssyncset.done $0x0  }
0x5c: {  	s7 =	rddreg [dreg:$0x4];
	[sflag:s21] =	ssyncadd.s32 $0xFFFFC000  }
0x5d: {  	[tilespmem:s20], [sflag:$0x2] =	stream.indirect.gather [hbm4b:s5+s23], $0x80, s7, s23, $0xb8;
	[tilespmem:$0x1D000] =	vst v63  }
0x5e: {  	_ =	swait.ge [sflag:s28], $0x4000  }
0x5f: {  	[sflag:s28] =	ssyncset.done $0x0  }
0x60: {  	s8 =	rddreg [dreg:$0x5];
	[sflag:s28] =	ssyncadd.s32 $0xFFFFC000  }
0x61: {  	[spmem:s2] =	stream.indirect.scatter.add.f32 [tilespmem:s25], [sflag:$0x4], $0x80, s8, s23, $0xb8;
	[tilespmem:$0x1D000] =	vst v63  }
0x62: {  	_ =	swait.ge [sflag:s21], $0x4000  }
0x63: {  	[sflag:s21] =	ssyncset.done $0x0  }
0x64: {  	s9 =	rddreg [dreg:$0x6];
	[sflag:s21] =	ssyncadd.s32 $0xFFFFC000  }
0x65: {  	[tilespmem:s25], [sflag:$0x3] =	stream.indirect.gather [hbm4b:s5+s23], $0x80, s9, s23, $0xb8;
	[tilespmem:$0x1D000] =	vst v63  }
0x66: {  	_ =	swait.ge [sflag:s26], $0x4000  }
0x67: {  	[sflag:s26] =	ssyncset.done $0x0  }
0x68: {  	s10 =	rddreg [dreg:$0x7];
	[sflag:s26] =	ssyncadd.s32 $0xFFFFC000  }
0x69: {  	[spmem:s2] =	stream.indirect.scatter.add.f32 [tilespmem:s20], [sflag:$0x4], $0x80, s10, s23, $0xb8;
	[tilespmem:$0x1D000] =	vst v63  }
0x6a: {  	_ =	swait.ge [sflag:s21], $0x4000  }
0x6b: {  	[sflag:s21] =	ssyncset.done $0x0  }
0x6c: {  	s22 =	rddreg [dreg:$0x8];
	[sflag:s21] =	ssyncadd.s32 $0xFFFFC000  }
0x6d: {  	[tilespmem:s20], [sflag:$0x2] =	stream.indirect.gather [hbm4b:s5+s23], $0x80, s22, s23, $0xb8;
	[tilespmem:$0x1D000] =	vst v63  }
0x6e: {  	_ =	swait.ge [sflag:s28], $0x4000  }
0x6f: {  	[sflag:s28] =	ssyncset.done $0x0  }
0x70: {  	s24 =	rddreg [dreg:$0x9];
	[sflag:s28] =	ssyncadd.s32 $0xFFFFC000  }
0x71: {  	[spmem:s2] =	stream.indirect.scatter.add.f32 [tilespmem:s25], [sflag:$0x4], $0x80, s24, s23, $0xb8;
	[tilespmem:$0x1D000] =	vst v63  }
0x72: {  	_ =	swait.ge [sflag:s21], $0x4000  }
0x73: {  	[sflag:s21] =	ssyncset.done $0x0  }
0x74: {  	s3 =	rddreg [dreg:$0xa];
	[sflag:s21] =	ssyncadd.s32 $0xFFFFC000  }
0x75: {  	[tilespmem:s25], [sflag:$0x3] =	stream.indirect.gather [hbm4b:s5+s23], $0x80, s3, s23, $0xb8;
	[tilespmem:$0x1D000] =	vst v63  }
0x76: {  	_ =	swait.ge [sflag:s26], $0x4000  }
0x77: {  	[sflag:s26] =	ssyncset.done $0x0  }
0x78: {  	s7 =	rddreg [dreg:$0xb];
	[sflag:s26] =	ssyncadd.s32 $0xFFFFC000  }
0x79: {  	[spmem:s2] =	stream.indirect.scatter.add.f32 [tilespmem:s20], [sflag:$0x4], $0x80, s7, s23, $0xb8;
	[tilespmem:$0x1D000] =	vst v63  }
0x7a: {  	_ =	swait.ge [sflag:s21], $0x4000  }
0x7b: {  	[sflag:s21] =	ssyncset.done $0x0  }
0x7c: {  	s8 =	rddreg [dreg:$0xc];
	[sflag:s21] =	ssyncadd.s32 $0xFFFFC000  }
0x7d: {  	[tilespmem:s20], [sflag:$0x2] =	stream.indirect.gather [hbm4b:s5+s23], $0x80, s8, s23, $0xb8;
	[tilespmem:$0x1D000] =	vst v63  }
0x7e: {  	_ =	swait.ge [sflag:s28], $0x4000  }
0x7f: {  	[sflag:s28] =	ssyncset.done $0x0  }
0x80: {  	s9 =	rddreg [dreg:$0xd];
	[sflag:s28] =	ssyncadd.s32 $0xFFFFC000  }
0x81: {  	[spmem:s2] =	stream.indirect.scatter.add.f32 [tilespmem:s25], [sflag:$0x4], $0x80, s9, s23, $0xb8;
	[tilespmem:$0x1D000] =	vst v63  }
0x82: {  	_ =	swait.ge [sflag:s21], $0x4000  }
0x83: {  	[sflag:s21] =	ssyncset.done $0x0  }
0x84: {  	s10 =	rddreg [dreg:$0xe];
	[sflag:s21] =	ssyncadd.s32 $0xFFFFC000  }
0x85: {  	[tilespmem:s25], [sflag:$0x3] =	stream.indirect.gather [hbm4b:s5+s23], $0x80, s10, s23, $0xb8;
	[tilespmem:$0x1D000] =	vst v63  }
0x86: {  	_ =	swait.ge [sflag:s26], $0x4000  }
0x87: {  	[sflag:s26] =	ssyncset.done $0x0  }
0x88: {  	s22 =	rddreg [dreg:$0xf];
	[sflag:s26] =	ssyncadd.s32 $0xFFFFC000  }
0x89: {  	[spmem:s2] =	stream.indirect.scatter.add.f32 [tilespmem:s20], [sflag:$0x4], $0x80, s22, s23, $0xb8;
	[tilespmem:$0x1D000] =	vst v63  }
0x8a: {  	s24 =	sadd.s32 $0xFFFFFFFF, s19;
	_ =	swait.ge [sflag:s21], $0x4000  }
0x8b: {  	p0 =	sge.u32 s24, s14;
	[sflag:s21] =	ssyncset.done $0x0  }
0x8c: {  	s3 =	simm.s32 @p0 $0x3;
	[sflag:s21] =	ssyncadd.s32 $0xFFFFC000  }
0x8d: {  	_ =	swait.ge @p0 [sflag:s3], $0x4000  }
0x8e: {  	s30 =	simm.s32 @p0 $0x4;
	s31 =	simm.s32 @p0 $0x780;
	[sflag:s3] =	ssyncset.done @p0 $0x0  }
0x8f: {  	s22 =	simm.s32 @p0 $0x5000;
	[sflag:s3] =	ssyncadd.s32 @p0 $0xFFFFC000;
	s3 =	simm.s32 @p0 $0x80  }
0x90: {  	[spmem:s2] =	stream.indirect.scatter.add.f32 @p0 [tilespmem:s22], [sflag:$0x4], $0x80, s31, s3, $0xb8;
	[tilespmem:$0x1D000] =	vst v63  }
0x91: {  	_ =	swait.ge @p0 [sflag:s30], $0x4000  }
0x92: {  	[sflag:s30] =	ssyncset.done @p0 $0x0  }
0x93: {  	s3 =	simm.s32 @!p0 $0x1;
	[sflag:s30] =	ssyncadd.s32 @p0 $0xFFFFC000  }
0x94: {  	_ =	swait.ge @!p0 [sflag:s3], $0x800  }
0x95: {  	s22 =	simm.s32 @!p0 $0x1000;
	s31 =	simm.s32 @!p0 $0x800;
	[sflag:s3] =	ssyncset.done @!p0 $0x0  }
0x96: {  	s30 =	simm.s32 @!p0 $0x3;
	[sflag:s3] =	ssyncadd.s32 @!p0 $0xFFFFF800;
	s3 =	simm.s32 @!p0 $0x80  }
0x97: {  	[tilespmem:s22], [sflag:$0x2] =	stream.indirect.gather @!p0 [hbm4b:s5+s3], $0x80, s31, s3, $0xb8;
	[tilespmem:$0x1D000] =	vst v63  }
0x98: {  	_ =	swait.ge @!p0 [sflag:s30], $0x4000  }
0x99: {  	s22 =	simm.s32 @!p0 $0x4;
	[sflag:s30] =	ssyncset.done @!p0 $0x0  }
0x9a: {  	s31 =	simm.s32 @!p0 $0x5000;
	[sflag:s30] =	ssyncadd.s32 @!p0 $0xFFFFC000;
	s30 =	simm.s32 @!p0 $0x780  }
0x9b: {  	[spmem:s2] =	stream.indirect.scatter.add.f32 @!p0 [tilespmem:s31], [sflag:$0x4], $0x80, s30, s3, $0xb8;
	[tilespmem:$0x1D000] =	vst v63  }
0x9c: {  	_ =	swait.ge @!p0 [sflag:s22], $0x4000  }
0x9d: {  	p1 =	sge.u32 s24, s15;
	[sflag:s22] =	ssyncset.done @!p0 $0x0  }
0x9e: {  	s0 =	sshrl.u32 @!p1 s18, $0x3;
	[sflag:s22] =	ssyncadd.s32 @!p0 $0xFFFFC000;
	s22 =	simm.s32 @!p0 $0x900  }
0x9f: {  	[tilespmem:s31], [sflag:$0x3] =	stream.indirect.gather @!p0 [hbm4b:s5+s3], $0x80, s22, s3, $0xb8;
	[tilespmem:$0x1D000] =	vst v63  }
0xa0: {  	s0 =	sadd.s32 @!p1 s1, s0;
	s3 =	simm.s32 @!p1 $0x0  }
0xa1: {  	[tilespmem:s3], [sflag:$0x1] =	stream.linear.gather @!p1 [hbm4b:s0+s3], $0x800, $0x38;
	[tilespmem:$0x1D000] =	vst v63  }
0xa2: {  	_ =	swait.ge [sflag:s26], $0x4000  }
0xa3: {  	[sflag:s26] =	ssyncset.done $0x0  }
0xa4: {  	s7 =	rddreg [dreg:$0x10];
	[sflag:s26] =	ssyncadd.s32 $0xFFFFC000  }
0xa5: {  	[spmem:s2] =	stream.indirect.scatter.add.f32 [tilespmem:s20], [sflag:$0x4], $0x80, s7, s23, $0xb8;
	[tilespmem:$0x1D000] =	vst v63  }
0xa6: {  	_ =	swait.ge [sflag:s21], $0x4000  }
0xa7: {  	[sflag:s21] =	ssyncset.done $0x0  }
0xa8: {  	s8 =	rddreg [dreg:$0x11];
	[sflag:s21] =	ssyncadd.s32 $0xFFFFC000  }
0xa9: {  	[tilespmem:s20], [sflag:$0x2] =	stream.indirect.gather [hbm4b:s5+s23], $0x80, s8, s23, $0xb8;
	[tilespmem:$0x1D000] =	vst v63  }
0xaa: {  	_ =	swait.ge [sflag:s28], $0x4000  }
0xab: {  	[sflag:s28] =	ssyncset.done $0x0  }
0xac: {  	s9 =	rddreg [dreg:$0x12];
	[sflag:s28] =	ssyncadd.s32 $0xFFFFC000  }
0xad: {  	[spmem:s2] =	stream.indirect.scatter.add.f32 [tilespmem:s25], [sflag:$0x4], $0x80, s9, s23, $0xb8;
	[tilespmem:$0x1D000] =	vst v63  }
0xae: {  	_ =	swait.ge [sflag:s21], $0x4000  }
0xaf: {  	[sflag:s21] =	ssyncset.done $0x0  }
0xb0: {  	s10 =	rddreg [dreg:$0x13];
	[sflag:s21] =	ssyncadd.s32 $0xFFFFC000  }
0xb1: {  	[tilespmem:s25], [sflag:$0x3] =	stream.indirect.gather [hbm4b:s5+s23], $0x80, s10, s23, $0xb8;
	[tilespmem:$0x1D000] =	vst v63  }
0xb2: {  	_ =	swait.ge [sflag:s26], $0x4000  }
0xb3: {  	[sflag:s26] =	ssyncset.done $0x0  }
0xb4: {  	s22 =	rddreg [dreg:$0x14];
	[sflag:s26] =	ssyncadd.s32 $0xFFFFC000  }
0xb5: {  	[spmem:s2] =	stream.indirect.scatter.add.f32 [tilespmem:s20], [sflag:$0x4], $0x80, s22, s23, $0xb8;
	[tilespmem:$0x1D000] =	vst v63  }
0xb6: {  	_ =	swait.ge [sflag:s21], $0x4000  }
0xb7: {  	[sflag:s21] =	ssyncset.done $0x0  }
0xb8: {  	s24 =	rddreg [dreg:$0x15];
	[sflag:s21] =	ssyncadd.s32 $0xFFFFC000  }
0xb9: {  	[tilespmem:s20], [sflag:$0x2] =	stream.indirect.gather [hbm4b:s5+s23], $0x80, s24, s23, $0xb8;
	[tilespmem:$0x1D000] =	vst v63  }
0xba: {  	_ =	swait.ge [sflag:s28], $0x4000  }
0xbb: {  	[sflag:s28] =	ssyncset.done $0x0  }
0xbc: {  	s3 =	rddreg [dreg:$0x16];
	[sflag:s28] =	ssyncadd.s32 $0xFFFFC000  }
0xbd: {  	[spmem:s2] =	stream.indirect.scatter.add.f32 [tilespmem:s25], [sflag:$0x4], $0x80, s3, s23, $0xb8;
	[tilespmem:$0x1D000] =	vst v63  }
0xbe: {  	_ =	swait.ge [sflag:s21], $0x4000  }
0xbf: {  	[sflag:s21] =	ssyncset.done $0x0  }
0xc0: {  	s7 =	rddreg [dreg:$0x17];
	[sflag:s21] =	ssyncadd.s32 $0xFFFFC000  }
0xc1: {  	[tilespmem:s25], [sflag:$0x3] =	stream.indirect.gather [hbm4b:s5+s23], $0x80, s7, s23, $0xb8;
	[tilespmem:$0x1D000] =	vst v63  }
0xc2: {  	_ =	swait.ge [sflag:s26], $0x4000  }
0xc3: {  	[sflag:s26] =	ssyncset.done $0x0  }
0xc4: {  	s8 =	rddreg [dreg:$0x18];
	[sflag:s26] =	ssyncadd.s32 $0xFFFFC000  }
0xc5: {  	[spmem:s2] =	stream.indirect.scatter.add.f32 [tilespmem:s20], [sflag:$0x4], $0x80, s8, s23, $0xb8;
	[tilespmem:$0x1D000] =	vst v63  }
0xc6: {  	_ =	swait.ge [sflag:s21], $0x4000  }
0xc7: {  	[sflag:s21] =	ssyncset.done $0x0  }
0xc8: {  	s9 =	rddreg [dreg:$0x19];
	[sflag:s21] =	ssyncadd.s32 $0xFFFFC000  }
0xc9: {  	[tilespmem:s20], [sflag:$0x2] =	stream.indirect.gather [hbm4b:s5+s23], $0x80, s9, s23, $0xb8;
	[tilespmem:$0x1D000] =	vst v63  }
0xca: {  	_ =	swait.ge [sflag:s28], $0x4000  }
0xcb: {  	[sflag:s28] =	ssyncset.done $0x0  }
0xcc: {  	s10 =	rddreg [dreg:$0x1a];
	[sflag:s28] =	ssyncadd.s32 $0xFFFFC000  }
0xcd: {  	[spmem:s2] =	stream.indirect.scatter.add.f32 [tilespmem:s25], [sflag:$0x4], $0x80, s10, s23, $0xb8;
	[tilespmem:$0x1D000] =	vst v63  }
0xce: {  	_ =	swait.ge [sflag:s21], $0x4000  }
0xcf: {  	[sflag:s21] =	ssyncset.done $0x0  }
0xd0: {  	s22 =	rddreg [dreg:$0x1b];
	[sflag:s21] =	ssyncadd.s32 $0xFFFFC000  }
0xd1: {  	[tilespmem:s25], [sflag:$0x3] =	stream.indirect.gather [hbm4b:s5+s23], $0x80, s22, s23, $0xb8;
	[tilespmem:$0x1D000] =	vst v63  }
0xd2: {  	_ =	swait.ge [sflag:s26], $0x4000  }
0xd3: {  	[sflag:s26] =	ssyncset.done $0x0  }
0xd4: {  	s24 =	rddreg [dreg:$0x1c];
	[sflag:s26] =	ssyncadd.s32 $0xFFFFC000  }
0xd5: {  	[spmem:s2] =	stream.indirect.scatter.add.f32 [tilespmem:s20], [sflag:$0x4], $0x80, s24, s23, $0xb8;
	[tilespmem:$0x1D000] =	vst v63  }
0xd6: {  	_ =	swait.ge [sflag:s21], $0x4000  }
0xd7: {  	p0 =	sge.u32 s19, s14;
	[sflag:s21] =	ssyncset.done $0x0  }
0xd8: {  	s0 =	simm.s32 @p0 $0x3;
	[sflag:s21] =	ssyncadd.s32 $0xFFFFC000  }
0xd9: {  	_ =	swait.ge @p0 [sflag:s0], $0x4000  }
0xda: {  	s30 =	simm.s32 @p0 $0xF80;
	s3 =	simm.s32 @p0 $0x5000;
	[sflag:s0] =	ssyncset.done @p0 $0x0  }
0xdb: {  	s22 =	simm.s32 @p0 $0x80;
	[sflag:s0] =	ssyncadd.s32 @p0 $0xFFFFC000;
	s0 =	simm.s32 @p0 $0x4  }
0xdc: {  	[spmem:s2] =	stream.indirect.scatter.add.f32 @p0 [tilespmem:s3], [sflag:$0x4], $0x80, s30, s22, $0xb8;
	[tilespmem:$0x1D000] =	vst v63  }
0xdd: {  	_ =	swait.ge @p0 [sflag:s0], $0x4000  }
0xde: {  	[sflag:s0] =	ssyncset.done @p0 $0x0  }
0xdf: {  	s3 =	simm.s32 @!p0 $0x1;
	[sflag:s0] =	ssyncadd.s32 @p0 $0xFFFFC000  }
0xe0: {  	_ =	swait.ge @!p0 [sflag:s3], $0x800  }
0xe1: {  	s22 =	simm.s32 @!p0 $0x80;
	s30 =	simm.s32 @!p0 $0x0;
	[sflag:s3] =	ssyncset.done @!p0 $0x0  }
0xe2: {  	s0 =	simm.s32 @!p0 $0x1000;
	[sflag:s3] =	ssyncadd.s32 @!p0 $0xFFFFF800;
	s3 =	simm.s32 @!p0 $0x3  }
0xe3: {  	[tilespmem:s0], [sflag:$0x2] =	stream.indirect.gather @!p0 [hbm4b:s5+s22], $0x80, s30, s22, $0xb8;
	[tilespmem:$0x1D000] =	vst v63  }
0xe4: {  	_ =	swait.ge @!p0 [sflag:s3], $0x4000  }
0xe5: {  	s31 =	simm.s32 @!p0 $0x5000;
	[sflag:s3] =	ssyncset.done @!p0 $0x0  }
0xe6: {  	s0 =	simm.s32 @!p0 $0xF80;
	[sflag:s3] =	ssyncadd.s32 @!p0 $0xFFFFC000;
	s3 =	simm.s32 @!p0 $0x4  }
0xe7: {  	[spmem:s2] =	stream.indirect.scatter.add.f32 @!p0 [tilespmem:s31], [sflag:$0x4], $0x80, s0, s22, $0xb8;
	[tilespmem:$0x1D000] =	vst v63  }
0xe8: {  	_ =	swait.ge @!p0 [sflag:s3], $0x4000  }
0xe9: {  	[sflag:s3] =	ssyncset.done @!p0 $0x0  }
0xea: {  	s30 =	sadd.s32 $0xFFFFFFFF, s13;
	s0 =	simm.s32 @!p0 $0x100;
	[sflag:s3] =	ssyncadd.s32 @!p0 $0xFFFFC000  }
0xeb: {  	[tilespmem:s31], [sflag:$0x3] =	stream.indirect.gather @!p0 [hbm4b:s5+s22], $0x80, s0, s22, $0xb8;
	[tilespmem:$0x1D000] =	vst v63  }
0xec: {  	p0 =	sne.s32 s30, $0x0  }
.Ltmp1:
0xed: {  	_ = 	snop;
	(pc) =	sbr.rel @!p0 .LBB2_5-.Ltmp1, $4  }
0xee: {  	_ = 	snop  }
0xef: {  	p2 =	sge.u32 s19, s15  }
0xf0: {  	s3 =	sadd.s32 @!p2 $0x800, s18;
	s31 =	sadd.s32 $0x2, s19  }
0xf1: {  	s0 =	sadd.s32 $0x1000, s18;
	s22 =	sshrl.u32 @!p2 s3, $0x3;
	s3 =	simm.s32 @!p2 $0x0  }
.LBB2_4:
0xf2: {  	s22 =	sadd.s32 @!p2 s1, s22;
	s24 =	simm.s32 @!p2 $0x800  }
0xf3: {  	[tilespmem:s24], [sflag:$0x1] =	stream.linear.gather @!p2 [hbm4b:s22+s3], $0x800, $0x38;
	[tilespmem:$0x1D000] =	vst v63  }
0xf4: {  	_ =	swait.ge [sflag:s26], $0x4000  }
0xf5: {  	[sflag:s26] =	ssyncset.done $0x0  }
0xf6: {  	[sflag:s26] =	ssyncadd.s32 $0xFFFFC000  }
0xf7: {  	[spmem:s2] =	stream.indirect.scatter.add.f32 [tilespmem:s20], [sflag:$0x4], $0x80, s23, s23, $0xb8;
	[tilespmem:$0x1D000] =	vst v63  }
0xf8: {  	_ =	swait.ge [sflag:s21], $0x4000  }
0xf9: {  	[sflag:s21] =	ssyncset.done $0x0  }
0xfa: {  	s7 =	rddreg [dreg:$0x4];
	[sflag:s21] =	ssyncadd.s32 $0xFFFFC000  }
0xfb: {  	[tilespmem:s20], [sflag:$0x2] =	stream.indirect.gather [hbm4b:s5+s23], $0x80, s7, s23, $0xb8;
	[tilespmem:$0x1D000] =	vst v63  }
0xfc: {  	_ =	swait.ge [sflag:s28], $0x4000  }
0xfd: {  	[sflag:s28] =	ssyncset.done $0x0  }
0xfe: {  	s8 =	rddreg [dreg:$0x5];
	[sflag:s28] =	ssyncadd.s32 $0xFFFFC000  }
0xff: {  	[spmem:s2] =	stream.indirect.scatter.add.f32 [tilespmem:s25], [sflag:$0x4], $0x80, s8, s23, $0xb8;
	[tilespmem:$0x1D000] =	vst v63  }
0x100: {  	_ =	swait.ge [sflag:s21], $0x4000  }
0x101: {  	[sflag:s21] =	ssyncset.done $0x0  }
0x102: {  	s9 =	rddreg [dreg:$0x6];
	[sflag:s21] =	ssyncadd.s32 $0xFFFFC000  }
0x103: {  	[tilespmem:s25], [sflag:$0x3] =	stream.indirect.gather [hbm4b:s5+s23], $0x80, s9, s23, $0xb8;
	[tilespmem:$0x1D000] =	vst v63  }
0x104: {  	_ =	swait.ge [sflag:s26], $0x4000  }
0x105: {  	[sflag:s26] =	ssyncset.done $0x0  }
0x106: {  	s10 =	rddreg [dreg:$0x7];
	[sflag:s26] =	ssyncadd.s32 $0xFFFFC000  }
0x107: {  	[spmem:s2] =	stream.indirect.scatter.add.f32 [tilespmem:s20], [sflag:$0x4], $0x80, s10, s23, $0xb8;
	[tilespmem:$0x1D000] =	vst v63  }
0x108: {  	_ =	swait.ge [sflag:s21], $0x4000  }
0x109: {  	[sflag:s21] =	ssyncset.done $0x0  }
0x10a: {  	s7 =	rddreg [dreg:$0x8];
	[sflag:s21] =	ssyncadd.s32 $0xFFFFC000  }
0x10b: {  	[tilespmem:s20], [sflag:$0x2] =	stream.indirect.gather [hbm4b:s5+s23], $0x80, s7, s23, $0xb8;
	[tilespmem:$0x1D000] =	vst v63  }
0x10c: {  	_ =	swait.ge [sflag:s28], $0x4000  }
0x10d: {  	[sflag:s28] =	ssyncset.done $0x0  }
0x10e: {  	s8 =	rddreg [dreg:$0x9];
	[sflag:s28] =	ssyncadd.s32 $0xFFFFC000  }
0x10f: {  	[spmem:s2] =	stream.indirect.scatter.add.f32 [tilespmem:s25], [sflag:$0x4], $0x80, s8, s23, $0xb8;
	[tilespmem:$0x1D000] =	vst v63  }
0x110: {  	_ =	swait.ge [sflag:s21], $0x4000  }
0x111: {  	[sflag:s21] =	ssyncset.done $0x0  }
0x112: {  	s9 =	rddreg [dreg:$0xa];
	[sflag:s21] =	ssyncadd.s32 $0xFFFFC000  }
0x113: {  	[tilespmem:s25], [sflag:$0x3] =	stream.indirect.gather [hbm4b:s5+s23], $0x80, s9, s23, $0xb8;
	[tilespmem:$0x1D000] =	vst v63  }
0x114: {  	_ =	swait.ge [sflag:s26], $0x4000  }
0x115: {  	[sflag:s26] =	ssyncset.done $0x0  }
0x116: {  	s10 =	rddreg [dreg:$0xb];
	[sflag:s26] =	ssyncadd.s32 $0xFFFFC000  }
0x117: {  	[spmem:s2] =	stream.indirect.scatter.add.f32 [tilespmem:s20], [sflag:$0x4], $0x80, s10, s23, $0xb8;
	[tilespmem:$0x1D000] =	vst v63  }
0x118: {  	_ =	swait.ge [sflag:s21], $0x4000  }
0x119: {  	[sflag:s21] =	ssyncset.done $0x0  }
0x11a: {  	s7 =	rddreg [dreg:$0xc];
	[sflag:s21] =	ssyncadd.s32 $0xFFFFC000  }
0x11b: {  	[tilespmem:s20], [sflag:$0x2] =	stream.indirect.gather [hbm4b:s5+s23], $0x80, s7, s23, $0xb8;
	[tilespmem:$0x1D000] =	vst v63  }
0x11c: {  	_ =	swait.ge [sflag:s28], $0x4000  }
0x11d: {  	[sflag:s28] =	ssyncset.done $0x0  }
0x11e: {  	s8 =	rddreg [dreg:$0xd];
	[sflag:s28] =	ssyncadd.s32 $0xFFFFC000  }
0x11f: {  	[spmem:s2] =	stream.indirect.scatter.add.f32 [tilespmem:s25], [sflag:$0x4], $0x80, s8, s23, $0xb8;
	[tilespmem:$0x1D000] =	vst v63  }
0x120: {  	_ =	swait.ge [sflag:s21], $0x4000  }
0x121: {  	[sflag:s21] =	ssyncset.done $0x0  }
0x122: {  	s9 =	rddreg [dreg:$0xe];
	[sflag:s21] =	ssyncadd.s32 $0xFFFFC000  }
0x123: {  	[tilespmem:s25], [sflag:$0x3] =	stream.indirect.gather [hbm4b:s5+s23], $0x80, s9, s23, $0xb8;
	[tilespmem:$0x1D000] =	vst v63  }
0x124: {  	_ =	swait.ge [sflag:s26], $0x4000  }
0x125: {  	[sflag:s26] =	ssyncset.done $0x0  }
0x126: {  	s10 =	rddreg [dreg:$0xf];
	[sflag:s26] =	ssyncadd.s32 $0xFFFFC000  }
0x127: {  	[spmem:s2] =	stream.indirect.scatter.add.f32 [tilespmem:s20], [sflag:$0x4], $0x80, s10, s23, $0xb8;
	[tilespmem:$0x1D000] =	vst v63  }
0x128: {  	s24 =	sadd.s32 $0xFFFFFFFF, s31;
	_ =	swait.ge [sflag:s21], $0x4000  }
0x129: {  	p1 =	sge.u32 s24, s14;
	[sflag:s21] =	ssyncset.done $0x0  }
0x12a: {  	s7 =	simm.s32 @p1 $0x3;
	[sflag:s21] =	ssyncadd.s32 $0xFFFFC000  }
0x12b: {  	_ =	swait.ge @p1 [sflag:s7], $0x4000  }
0x12c: {  	s8 =	simm.s32 @p1 $0x5000;
	s9 =	simm.s32 @p1 $0x4;
	[sflag:s7] =	ssyncset.done @p1 $0x0  }
0x12d: {  	s10 =	simm.s32 @p1 $0x780;
	[sflag:s7] =	ssyncadd.s32 @p1 $0xFFFFC000;
	s7 =	simm.s32 @p1 $0x80  }
0x12e: {  	[spmem:s2] =	stream.indirect.scatter.add.f32 @p1 [tilespmem:s8], [sflag:$0x4], $0x80, s10, s7, $0xb8;
	[tilespmem:$0x1D000] =	vst v63  }
0x12f: {  	_ =	swait.ge @p1 [sflag:s9], $0x4000  }
0x130: {  	[sflag:s9] =	ssyncset.done @p1 $0x0  }
0x131: {  	s7 =	simm.s32 @!p1 $0x1;
	[sflag:s9] =	ssyncadd.s32 @p1 $0xFFFFC000  }
0x132: {  	_ =	swait.ge @!p1 [sflag:s7], $0x800  }
0x133: {  	s8 =	simm.s32 @!p1 $0x1000;
	s10 =	simm.s32 @!p1 $0x800;
	[sflag:s7] =	ssyncset.done @!p1 $0x0  }
0x134: {  	s9 =	simm.s32 @!p1 $0x3;
	[sflag:s7] =	ssyncadd.s32 @!p1 $0xFFFFF800;
	s7 =	simm.s32 @!p1 $0x80  }
0x135: {  	[tilespmem:s8], [sflag:$0x2] =	stream.indirect.gather @!p1 [hbm4b:s5+s7], $0x80, s10, s7, $0xb8;
	[tilespmem:$0x1D000] =	vst v63  }
0x136: {  	_ =	swait.ge @!p1 [sflag:s9], $0x4000  }
0x137: {  	s8 =	simm.s32 @!p1 $0x4;
	[sflag:s9] =	ssyncset.done @!p1 $0x0  }
0x138: {  	s10 =	simm.s32 @!p1 $0x5000;
	[sflag:s9] =	ssyncadd.s32 @!p1 $0xFFFFC000;
	s9 =	simm.s32 @!p1 $0x780  }
0x139: {  	[spmem:s2] =	stream.indirect.scatter.add.f32 @!p1 [tilespmem:s10], [sflag:$0x4], $0x80, s9, s7, $0xb8;
	[tilespmem:$0x1D000] =	vst v63  }
0x13a: {  	_ =	swait.ge @!p1 [sflag:s8], $0x4000  }
0x13b: {  	[sflag:s8] =	ssyncset.done @!p1 $0x0  }
0x13c: {  	p2 =	sge.u32 s24, s15;
	[sflag:s8] =	ssyncadd.s32 @!p1 $0xFFFFC000;
	s8 =	simm.s32 @!p1 $0x900  }
0x13d: {  	[tilespmem:s10], [sflag:$0x3] =	stream.indirect.gather @!p1 [hbm4b:s5+s7], $0x80, s8, s7, $0xb8;
	[tilespmem:$0x1D000] =	vst v63  }
0x13e: {  	s7 =	sshrl.u32 @!p2 s0, $0x3  }
0x13f: {  	s8 =	simm.s32 @!p2 $0x0;
	s7 =	sadd.s32 @!p2 s1, s7  }
0x140: {  	[tilespmem:s8], [sflag:$0x1] =	stream.linear.gather @!p2 [hbm4b:s7+s8], $0x800, $0x38;
	[tilespmem:$0x1D000] =	vst v63  }
0x141: {  	_ =	swait.ge [sflag:s26], $0x4000  }
0x142: {  	[sflag:s26] =	ssyncset.done $0x0  }
0x143: {  	s24 =	rddreg [dreg:$0x10];
	[sflag:s26] =	ssyncadd.s32 $0xFFFFC000  }
0x144: {  	[spmem:s2] =	stream.indirect.scatter.add.f32 [tilespmem:s20], [sflag:$0x4], $0x80, s24, s23, $0xb8;
	[tilespmem:$0x1D000] =	vst v63  }
0x145: {  	_ =	swait.ge [sflag:s21], $0x4000  }
0x146: {  	[sflag:s21] =	ssyncset.done $0x0  }
0x147: {  	s8 =	rddreg [dreg:$0x11];
	[sflag:s21] =	ssyncadd.s32 $0xFFFFC000  }
0x148: {  	[tilespmem:s20], [sflag:$0x2] =	stream.indirect.gather [hbm4b:s5+s23], $0x80, s8, s23, $0xb8;
	[tilespmem:$0x1D000] =	vst v63  }
0x149: {  	_ =	swait.ge [sflag:s28], $0x4000  }
0x14a: {  	[sflag:s28] =	ssyncset.done $0x0  }
0x14b: {  	s9 =	rddreg [dreg:$0x12];
	[sflag:s28] =	ssyncadd.s32 $0xFFFFC000  }
0x14c: {  	[spmem:s2] =	stream.indirect.scatter.add.f32 [tilespmem:s25], [sflag:$0x4], $0x80, s9, s23, $0xb8;
	[tilespmem:$0x1D000] =	vst v63  }
0x14d: {  	_ =	swait.ge [sflag:s21], $0x4000  }
0x14e: {  	[sflag:s21] =	ssyncset.done $0x0  }
0x14f: {  	s10 =	rddreg [dreg:$0x13];
	[sflag:s21] =	ssyncadd.s32 $0xFFFFC000  }
0x150: {  	[tilespmem:s25], [sflag:$0x3] =	stream.indirect.gather [hbm4b:s5+s23], $0x80, s10, s23, $0xb8;
	[tilespmem:$0x1D000] =	vst v63  }
0x151: {  	_ =	swait.ge [sflag:s26], $0x4000  }
0x152: {  	[sflag:s26] =	ssyncset.done $0x0  }
0x153: {  	s24 =	rddreg [dreg:$0x14];
	[sflag:s26] =	ssyncadd.s32 $0xFFFFC000  }
0x154: {  	[spmem:s2] =	stream.indirect.scatter.add.f32 [tilespmem:s20], [sflag:$0x4], $0x80, s24, s23, $0xb8;
	[tilespmem:$0x1D000] =	vst v63  }
0x155: {  	_ =	swait.ge [sflag:s21], $0x4000  }
0x156: {  	[sflag:s21] =	ssyncset.done $0x0  }
0x157: {  	s8 =	rddreg [dreg:$0x15];
	[sflag:s21] =	ssyncadd.s32 $0xFFFFC000  }
0x158: {  	[tilespmem:s20], [sflag:$0x2] =	stream.indirect.gather [hbm4b:s5+s23], $0x80, s8, s23, $0xb8;
	[tilespmem:$0x1D000] =	vst v63  }
0x159: {  	_ =	swait.ge [sflag:s28], $0x4000  }
0x15a: {  	[sflag:s28] =	ssyncset.done $0x0  }
0x15b: {  	s9 =	rddreg [dreg:$0x16];
	[sflag:s28] =	ssyncadd.s32 $0xFFFFC000  }
0x15c: {  	[spmem:s2] =	stream.indirect.scatter.add.f32 [tilespmem:s25], [sflag:$0x4], $0x80, s9, s23, $0xb8;
	[tilespmem:$0x1D000] =	vst v63  }
0x15d: {  	_ =	swait.ge [sflag:s21], $0x4000  }
0x15e: {  	[sflag:s21] =	ssyncset.done $0x0  }
0x15f: {  	s10 =	rddreg [dreg:$0x17];
	[sflag:s21] =	ssyncadd.s32 $0xFFFFC000  }
0x160: {  	[tilespmem:s25], [sflag:$0x3] =	stream.indirect.gather [hbm4b:s5+s23], $0x80, s10, s23, $0xb8;
	[tilespmem:$0x1D000] =	vst v63  }
0x161: {  	_ =	swait.ge [sflag:s26], $0x4000  }
0x162: {  	[sflag:s26] =	ssyncset.done $0x0  }
0x163: {  	s24 =	rddreg [dreg:$0x18];
	[sflag:s26] =	ssyncadd.s32 $0xFFFFC000  }
0x164: {  	[spmem:s2] =	stream.indirect.scatter.add.f32 [tilespmem:s20], [sflag:$0x4], $0x80, s24, s23, $0xb8;
	[tilespmem:$0x1D000] =	vst v63  }
0x165: {  	_ =	swait.ge [sflag:s21], $0x4000  }
0x166: {  	[sflag:s21] =	ssyncset.done $0x0  }
0x167: {  	s8 =	rddreg [dreg:$0x19];
	[sflag:s21] =	ssyncadd.s32 $0xFFFFC000  }
0x168: {  	[tilespmem:s20], [sflag:$0x2] =	stream.indirect.gather [hbm4b:s5+s23], $0x80, s8, s23, $0xb8;
	[tilespmem:$0x1D000] =	vst v63  }
0x169: {  	_ =	swait.ge [sflag:s28], $0x4000  }
0x16a: {  	[sflag:s28] =	ssyncset.done $0x0  }
0x16b: {  	s9 =	rddreg [dreg:$0x1a];
	[sflag:s28] =	ssyncadd.s32 $0xFFFFC000  }
0x16c: {  	[spmem:s2] =	stream.indirect.scatter.add.f32 [tilespmem:s25], [sflag:$0x4], $0x80, s9, s23, $0xb8;
	[tilespmem:$0x1D000] =	vst v63  }
0x16d: {  	_ =	swait.ge [sflag:s21], $0x4000  }
0x16e: {  	[sflag:s21] =	ssyncset.done $0x0  }
0x16f: {  	s10 =	rddreg [dreg:$0x1b];
	[sflag:s21] =	ssyncadd.s32 $0xFFFFC000  }
0x170: {  	[tilespmem:s25], [sflag:$0x3] =	stream.indirect.gather [hbm4b:s5+s23], $0x80, s10, s23, $0xb8;
	[tilespmem:$0x1D000] =	vst v63  }
0x171: {  	_ =	swait.ge [sflag:s26], $0x4000  }
0x172: {  	[sflag:s26] =	ssyncset.done $0x0  }
0x173: {  	s24 =	rddreg [dreg:$0x1c];
	[sflag:s26] =	ssyncadd.s32 $0xFFFFC000  }
0x174: {  	[spmem:s2] =	stream.indirect.scatter.add.f32 [tilespmem:s20], [sflag:$0x4], $0x80, s24, s23, $0xb8;
	[tilespmem:$0x1D000] =	vst v63  }
0x175: {  	_ =	swait.ge [sflag:s21], $0x4000  }
0x176: {  	p1 =	sge.u32 s31, s14;
	[sflag:s21] =	ssyncset.done $0x0  }
0x177: {  	s7 =	simm.s32 @p1 $0x3;
	[sflag:s21] =	ssyncadd.s32 $0xFFFFC000  }
0x178: {  	_ =	swait.ge @p1 [sflag:s7], $0x4000  }
0x179: {  	s8 =	simm.s32 @p1 $0x5000;
	s9 =	simm.s32 @p1 $0x80;
	[sflag:s7] =	ssyncset.done @p1 $0x0  }
0x17a: {  	s10 =	simm.s32 @p1 $0xF80;
	[sflag:s7] =	ssyncadd.s32 @p1 $0xFFFFC000;
	s7 =	simm.s32 @p1 $0x4  }
0x17b: {  	[spmem:s2] =	stream.indirect.scatter.add.f32 @p1 [tilespmem:s8], [sflag:$0x4], $0x80, s10, s9, $0xb8;
	[tilespmem:$0x1D000] =	vst v63  }
0x17c: {  	_ =	swait.ge @p1 [sflag:s7], $0x4000  }
0x17d: {  	[sflag:s7] =	ssyncset.done @p1 $0x0  }
0x17e: {  	s8 =	simm.s32 @!p1 $0x1;
	[sflag:s7] =	ssyncadd.s32 @p1 $0xFFFFC000  }
0x17f: {  	s30 =	sadd.s32 $0xFFFFFFFF, s30;
	_ =	swait.ge @!p1 [sflag:s8], $0x800  }
0x180: {  	s9 =	simm.s32 @!p1 $0x80;
	s10 =	simm.s32 @!p1 $0x0;
	[sflag:s8] =	ssyncset.done @!p1 $0x0  }
0x181: {  	s7 =	simm.s32 @!p1 $0x1000;
	[sflag:s8] =	ssyncadd.s32 @!p1 $0xFFFFF800;
	s8 =	simm.s32 @!p1 $0x3  }
0x182: {  	[tilespmem:s7], [sflag:$0x2] =	stream.indirect.gather @!p1 [hbm4b:s5+s9], $0x80, s10, s9, $0xb8;
	[tilespmem:$0x1D000] =	vst v63  }
0x183: {  	p0 =	sne.s32 s30, $0x0;
	_ =	swait.ge @!p1 [sflag:s8], $0x4000  }
0x184: {  	s22 =	smov.u32 s31;
	s3 =	smov.u32 s0;
	[sflag:s8] =	ssyncset.done @!p1 $0x0  }
0x185: {  	s7 =	simm.s32 @!p1 $0xF80;
	s10 =	simm.s32 @!p1 $0x5000;
	[sflag:s8] =	ssyncadd.s32 @!p1 $0xFFFFC000  }
0x186: {  	[spmem:s2] =	stream.indirect.scatter.add.f32 @!p1 [tilespmem:s10], [sflag:$0x4], $0x80, s7, s9, $0xb8;
	[tilespmem:$0x1D000] =	vst v63  }
.Ltmp2:
0x187: {  	p2 =	sge.u32 s22, s15;
	s8 =	simm.s32 @!p1 $0x4;
	(pc) =	sbr.rel @p0 .LBB2_4-.Ltmp2, $4  }
0x188: {  	s31 =	sadd.s32 $0x2, s31;
	s3 =	sadd.s32 @!p2 $0x800, s3;
	_ =	swait.ge @!p1 [sflag:s8], $0x4000  }
0x189: {  	s0 =	sadd.s32 $0x1000, s0;
	s22 =	sshrl.u32 @!p2 s3, $0x3;
	[sflag:s8] =	ssyncset.done @!p1 $0x0  }
0x18a: {  	s3 =	simm.s32 @!p2 $0x0;
	s7 =	simm.s32 @!p1 $0x100;
	[sflag:s8] =	ssyncadd.s32 @!p1 $0xFFFFC000  }
0x18b: {  	[tilespmem:s10], [sflag:$0x3] =	stream.indirect.gather @!p1 [hbm4b:s5+s9], $0x80, s7, s9, $0xb8;
	[tilespmem:$0x1D000] =	vst v63  }
.LBB2_5:
0x18c: {  	s0 =	sadd.s32 @!p2 s1, s22  }
0x18d: {  	s7 =	simm.s32 @!p2 $0x800;
	s30 =	stileid.u32;
	s29 =	sadd.s32 $0x1, s29  }
0x18e: {  	[tilespmem:s7], [sflag:$0x1] =	stream.linear.gather @!p2 [hbm4b:s0+s3], $0x800, $0x38;
	[tilespmem:$0x1D000] =	vst v63  }
0x18f: {  	s31 =	sshrl.u32 s6, $0x3;
	s0 =	sshll.u32 s30, $0x6;
	p0 =	sne.s32 s29, s17  }
.Ltmp3:
0x190: {  	[bflag:$0x0] =	sbarrier.arrive $0xFFFF;
	s0 =	sor.u32 $0x1C04, s0;
	(pc) =	sbr.rel @p0 .LBB2_1-.Ltmp3, $4  }
0x191: {  	[hbm:s16], [sflag:s0] =	dma.local [spmem:s31], $0x2800  }
0x192: {  	_ =	swait.ge [sflag:s21], $0x2800  }
0x193: {  	[sflag:s21] =	ssyncset.done $0x0  }
0x194: {  	[sflag:s21] =	ssyncadd.s32 $0xFFFFD800  }
0x195: {  	_ =	sfence.sel $0x180000  }
0x196: {  	[bflag:$0x0] =	sbarrier.arrive $0xFFFF  }
0x197: {  	_ =	strace $0x9000004A  }
0x198: {  	s0 =	stileid.u32;
	[bflag:$0x2] =	sbarrier.arrive $0xFFFF  }
0x199: {  	p0 =	sne.s32 s0, $0x0;
	s0 =	rddreg [dreg:$0x3]  }
0x19a: {  	s0 =	sadd.s32 @!p0 $0x100000, s0  }
0x19b: {  	[sflag:s0] =	ssyncadd.tile.s32 @!p0 $0x1;
	_ =	shalt  }
.Lfunc_end2:
_tile_overlayer_lowered:
.L_overlay_start_2:
0x19c: {  	(tag) =	ssettag $0x2  }
0x19d: {  	s0 =	rddreg [dreg:$0x0];
	s2 =	stileid.u32  }
0x19e: {  	s1 =	rddreg [dreg:$0x1];
	p0 =	sne.s32 s2, $0x0  }
0x19f: {  	s3 =	rddreg [dreg:$0x2];
	[bflag:$0x3] =	sbarrier.arrive $0xFFFF;
	s2 =	simm.s32 @!p0 $0x1C04  }
0x1a0: {  	[timem:s3], [sflag:s2] =	dma.local @!p0 [hbm:s0], s1  }
0x1a1: {  	s0 =	simm.s32 @!p0 $0x4  }
0x1a2: {  	_ =	swait.ge @!p0 [sflag:s0], s1  }
0x1a3: {  	s1 =	ssub.s32 @!p0 $0x0, s1;
	[sflag:s0] =	ssyncset.done @!p0 $0x0  }
0x1a4: {  	[sflag:s0] =	ssyncadd.s32 @!p0 s1  }
0x1a5: {  	[bflag:$0x3] =	sbarrier.arrive $0xFFFF  }
0x1a6: {  	_ =	shalt  }

</sc_bundles>
